<compile_context>
chip_gen: v7x
topology: tpu7x:2x2x1
jax: 0.10.2.dev20260603
libtpu: 0.0.44.dev20260713+nightly
codegen_flags: <defaults>
</compile_context>

<pallas_src>
import functools

import jax
import jax.numpy as jnp
from jax import lax
from jax.experimental import pallas as pl
from jax.experimental.pallas import tpu as pltpu
from jax.experimental.pallas import tpu_sc as plsc

NODES = 10000
EDGES = 320000
D = 16

NC = 2
NS = 16
NW = NC * NS
CH = 128
NCH = 80
EPAD = NW * NCH * CH
RPT = 640
NP = NS * RPT
NBUF = 8
WROWS = NP * D // 128
NPACK = 128 // D

_SC_PARAMS = pltpu.CompilerParams(use_tc_tiling_on_sc=False)

_SC_SCRATCH = [
    pltpu.VMEM((NCH, CH), jnp.int32),
    pltpu.VMEM((NCH, CH), jnp.int32),
    pltpu.VMEM((NBUF, CH, D), jnp.float32),
    pltpu.VMEM((CH, D), jnp.float32),
    pltpu.VMEM_SHARED((NP, D), jnp.float32),
    pltpu.VMEM_SHARED((NP, D), jnp.float32),
    tuple(pltpu.SemaphoreType.DMA for _ in range(NBUF)),
]


NZC = RPT // CH


def _issue_zero(zero_v, agg_sh, sid, sems, s0):
    for i in range(NZC):
        pltpu.async_copy(
            zero_v, agg_sh.at[pl.ds(sid * RPT + i * CH, CH)], sems[s0 + i])


def _wait_zero(zero_v, agg_sh, sid, sems, s0):
    for i in range(NZC):
        pltpu.make_async_copy(
            zero_v, agg_sh.at[pl.ds(sid * RPT + i * CH, CH)],
            sems[s0 + i]).wait()


def _seg_sum_loop(table_sh, src_v, dst_v, rows_v, agg_sh, sems):
    for b in range(NBUF):
        pltpu.async_copy(table_sh.at[src_v.at[b]], rows_v.at[b], sems[b])

    @pl.loop(0, NCH, step=NBUF)
    def _(j):
        for b in range(NBUF):
            c = j + b
            pltpu.make_async_copy(
                table_sh.at[src_v.at[c]], rows_v.at[b], sems[b]).wait()
            pltpu.sync_copy(rows_v.at[b], agg_sh.at[dst_v.at[c]], add=True)

            @pl.when(c + NBUF < NCH)
            def _():
                pltpu.async_copy(table_sh.at[src_v.at[c + NBUF]],
                                 rows_v.at[b], sems[b])


def _seg_sum_sc(table, ei, zeros_chunk):
    mesh = plsc.VectorSubcoreMesh(core_axis_name="c", subcore_axis_name="s")

    @functools.partial(
        pl.kernel,
        out_type=jax.ShapeDtypeStruct((NC, NP, D), jnp.float32),
        mesh=mesh,
        compiler_params=_SC_PARAMS,
        scratch_types=_SC_SCRATCH,
    )
    def k(table_hbm, ei_hbm, zc_hbm, out_hbm,
          src_v, dst_v, rows_v, zero_v, agg_sh, table_sh, sems):
        cid = lax.axis_index("c")
        sid = lax.axis_index("s")
        wid = cid * NS + sid

        tsl = pl.ds(sid * RPT, RPT)
        pltpu.async_copy(ei_hbm.at[0, wid], src_v, sems[0])
        pltpu.async_copy(ei_hbm.at[1, wid], dst_v, sems[1])
        pltpu.async_copy(table_hbm.at[tsl], table_sh.at[tsl], sems[2])
        pltpu.async_copy(zc_hbm, zero_v, sems[3])
        pltpu.make_async_copy(zc_hbm, zero_v, sems[3]).wait()
        _issue_zero(zero_v, agg_sh, sid, sems, 3)
        pltpu.make_async_copy(ei_hbm.at[0, wid], src_v, sems[0]).wait()
        pltpu.make_async_copy(ei_hbm.at[1, wid], dst_v, sems[1]).wait()
        pltpu.make_async_copy(
            table_hbm.at[tsl], table_sh.at[tsl], sems[2]).wait()
        _wait_zero(zero_v, agg_sh, sid, sems, 3)
        plsc.subcore_barrier()
        _seg_sum_loop(table_sh, src_v, dst_v, rows_v, agg_sh, sems)
        plsc.subcore_barrier()
        pltpu.sync_copy(agg_sh.at[pl.ds(sid * RPT, RPT)],
                        out_hbm.at[cid, pl.ds(sid * RPT, RPT)])

    return k(table, ei, zeros_chunk)


def _relu_seg_sum_sc(parts1, r1, b1, ei, zeros_chunk):
    mesh = plsc.VectorSubcoreMesh(core_axis_name="c", subcore_axis_name="s")

    @functools.partial(
        pl.kernel,
        out_type=(jax.ShapeDtypeStruct((NC, NP, D), jnp.float32),
                  jax.ShapeDtypeStruct((NP, D), jnp.float32)),
        mesh=mesh,
        compiler_params=_SC_PARAMS,
        scratch_types=_SC_SCRATCH + [
            pltpu.VMEM((RPT, D), jnp.float32),
            pltpu.VMEM((RPT, D), jnp.float32),
            pltpu.VMEM((RPT, D), jnp.float32),
            pltpu.VMEM((D,), jnp.float32),
        ],
    )
    def k(parts_hbm, r1_hbm, b1_hbm, ei_hbm, zc_hbm, out_hbm, h_hbm,
          src_v, dst_v, rows_v, zero_v, agg_sh, table_sh, sems,
          pa_v, pb_v, ph_v, b1_v):
        cid = lax.axis_index("c")
        sid = lax.axis_index("s")
        wid = cid * NS + sid

        tsl = pl.ds(sid * RPT, RPT)
        pltpu.async_copy(ei_hbm.at[0, wid], src_v, sems[0])
        pltpu.async_copy(ei_hbm.at[1, wid], dst_v, sems[1])
        pltpu.async_copy(parts_hbm.at[0, tsl], pa_v, sems[2])
        pltpu.async_copy(parts_hbm.at[1, tsl], pb_v, sems[3])
        pltpu.async_copy(r1_hbm.at[tsl], ph_v, sems[4])
        pltpu.async_copy(b1_hbm, b1_v, sems[5])
        pltpu.async_copy(zc_hbm, zero_v, sems[6])
        pltpu.make_async_copy(zc_hbm, zero_v, sems[6]).wait()
        pltpu.make_async_copy(parts_hbm.at[0, tsl], pa_v, sems[2]).wait()
        pltpu.make_async_copy(parts_hbm.at[1, tsl], pb_v, sems[3]).wait()
        pltpu.make_async_copy(r1_hbm.at[tsl], ph_v, sems[4]).wait()
        pltpu.make_async_copy(b1_hbm, b1_v, sems[5]).wait()
        _issue_zero(zero_v, agg_sh, sid, sems, 2)
        bias = b1_v[...]

        @pl.loop(0, RPT, step=4)
        def _(i0):
            for di in range(4):
                i = i0 + di
                ph_v[i, :] = jnp.maximum(
                    pa_v[i, :] + pb_v[i, :] + ph_v[i, :] + bias, 0.0)

        pltpu.sync_copy(ph_v, table_sh.at[tsl])

        @pl.when(cid == 0)
        def _():
            pltpu.sync_copy(ph_v, h_hbm.at[tsl])

        pltpu.make_async_copy(ei_hbm.at[0, wid], src_v, sems[0]).wait()
        pltpu.make_async_copy(ei_hbm.at[1, wid], dst_v, sems[1]).wait()
        _wait_zero(zero_v, agg_sh, sid, sems, 2)
        plsc.subcore_barrier()
        _seg_sum_loop(table_sh, src_v, dst_v, rows_v, agg_sh, sems)
        plsc.subcore_barrier()
        pltpu.sync_copy(agg_sh.at[pl.ds(sid * RPT, RPT)],
                        out_hbm.at[cid, pl.ds(sid * RPT, RPT)])

    return k(parts1, r1, b1, ei, zeros_chunk)


def _tc_pre(x_w, w_rel_blk, w_root_blk):

    def body(x_ref, a_ref, b_ref, p_ref, r_ref):
        xv = x_ref[...]
        p_ref[...] = jnp.dot(xv, a_ref[...], preferred_element_type=jnp.float32)
        r_ref[...] = jnp.dot(xv, b_ref[...], preferred_element_type=jnp.float32)

    return pl.pallas_call(
        body,
        out_shape=(jax.ShapeDtypeStruct((WROWS, 128), jnp.float32),
                   jax.ShapeDtypeStruct((WROWS, 128), jnp.float32)),
    )(x_w, w_rel_blk, w_root_blk)


def _tc_post(parts_w, h_w, w2_rel_blk, b2_tile, w2_root_blk):

    def body(parts_ref, h_ref, wr_ref, b_ref, wo_ref, o_ref):
        agg_w = parts_ref[0] + parts_ref[1]
        o_ref[...] = (
            jnp.dot(agg_w, wr_ref[...], preferred_element_type=jnp.float32)
            + jnp.dot(h_ref[...], wo_ref[...],
                      preferred_element_type=jnp.float32)
            + b_ref[...])

    return pl.pallas_call(
        body,
        out_shape=jax.ShapeDtypeStruct((WROWS, 2 * NPACK), jnp.float32),
    )(parts_w, h_w, w2_rel_blk, b2_tile, w2_root_blk)


def kernel(x, edge_index, W1_rel, b1, W1_root, W2_rel, b2, W2_root):
    npad = EPAD - EDGES
    ei_pad = jnp.concatenate(
        [jnp.zeros((1, npad), jnp.int32),
         jnp.full((1, npad), NODES, jnp.int32)])
    ei = jnp.concatenate(
        [edge_index.astype(jnp.int32), ei_pad], axis=1).reshape(
            2, NW, NCH, CH)
    zeros_chunk = jnp.zeros((CH, D), jnp.float32)
    eye8 = jnp.eye(NPACK, dtype=jnp.float32)
    w1_rel_blk = jnp.kron(eye8, W1_rel)
    w1_root_blk = jnp.kron(eye8, W1_root)
    w2_rel_blk = jnp.kron(eye8, W2_rel)
    w2_root_blk = jnp.kron(eye8, W2_root)
    b2_tile = jnp.tile(b2, NPACK)
    x_w = jnp.concatenate(
        [x, jnp.zeros((NP - NODES, x.shape[1]), jnp.float32)]).reshape(
            WROWS, NPACK * x.shape[1])

    p1w, r1w = _tc_pre(x_w, w1_rel_blk, w1_root_blk)
    parts1 = _seg_sum_sc(p1w.reshape(NP, D), ei, zeros_chunk)
    parts2, h = _relu_seg_sum_sc(
        parts1, r1w.reshape(NP, D), b1, ei, zeros_chunk)
    out_w = _tc_post(parts2.reshape(NC, WROWS, 128), h.reshape(WROWS, 128),
                     w2_rel_blk, b2_tile, w2_root_blk)
    return out_w.reshape(NP * 2)[:NODES * 2].reshape(NODES, 2)

# --- scband reference (transcript-rebuilt; emitter-appended) ---
"""Pipeline reference for scband-model-446676599185 (READ-ONLY COPY).

The authoritative reference and input builder live on the scoring server;
editing this copy changes nothing except your own understanding.
"""

import jax, jax.numpy as jnp
import numpy as np

N_NODES = 10000
N_EDGES = 320000
D_IN = 128
D_HID = 16
D_OUT = 2


def setup_inputs(seed: int = 0) -> dict:
    key = jax.random.key(seed)
    k_x, k_ei, k1, k2, k3, k4 = jax.random.split(key, 6)
    x = jax.random.normal(k_x, (N_NODES, D_IN), dtype=jnp.float32)
    edge_index = jax.random.randint(k_ei, (2, N_EDGES), 0, N_NODES, dtype=jnp.int64)
    # GraphConv layer 1: lin_rel (with bias) applied to aggregated messages, lin_root (no bias) applied to x
    W1_rel = jax.random.normal(k1, (D_IN, D_HID), dtype=jnp.float32) * (1.0 / np.sqrt(D_IN))
    b1 = jnp.zeros((D_HID,), dtype=jnp.float32)
    W1_root = jax.random.normal(k2, (D_IN, D_HID), dtype=jnp.float32) * (1.0 / np.sqrt(D_IN))
    # GraphConv layer 2
    W2_rel = jax.random.normal(k3, (D_HID, D_OUT), dtype=jnp.float32) * (1.0 / np.sqrt(D_HID))
    b2 = jnp.zeros((D_OUT,), dtype=jnp.float32)
    W2_root = jax.random.normal(k4, (D_HID, D_OUT), dtype=jnp.float32) * (1.0 / np.sqrt(D_HID))
    return {"x": x, "edge_index": edge_index, "W1_rel": W1_rel, "b1": b1, "W1_root": W1_root,
            "W2_rel": W2_rel, "b2": b2, "W2_root": W2_root}


def _graph_conv(x, edge_index, W_rel, b, W_root, num_nodes):
    # PyG GraphConv (aggr='add'): out_i = lin_rel(sum_{j in N(i)} x_j) + lin_root(x_i)
    src = edge_index[0]
    dst = edge_index[1]
    msgs = jnp.take(x, src, axis=0)  # gather source features
    agg = jax.ops.segment_sum(msgs, dst, num_segments=num_nodes)  # scatter-add to dst
    return agg @ W_rel + b + x @ W_root


def reference(x, edge_index, W1_rel, b1, W1_root, W2_rel, b2, W2_root):
    h = _graph_conv(x, edge_index, W1_rel, b1, W1_root, N_NODES)
    h = jax.nn.relu(h)
    out = _graph_conv(h, edge_index, W2_rel, b2, W2_root, N_NODES)
    return out

if __name__ == "__main__":
    import jax
    _d = setup_inputs()
    print(jax.jit(kernel)(*tuple(_d.values())))

</pallas_src>

<mosaic_0001>
#map = affine_map<(d0, d1) -> (0, 0)>
#map1 = affine_map<(d0, d1) -> (0, 0, 0, 0)>
#map2 = affine_map<(d0, d1) -> (0, 0, 0)>
module attributes {stable_mosaic.version = 14 : i64} {
  func.func @k(%arg0: i32, %arg1: i32, %arg2: memref<10240x16xf32, #tpu.memory_space<hbm>>, %arg3: memref<2x32x80x128xi32, #tpu.memory_space<hbm>>, %arg4: memref<128x16xf32, #tpu.memory_space<hbm>>, %arg5: memref<2x10240x16xf32, #tpu.memory_space<hbm>>, %arg6: memref<80x128xi32, #tpu.memory_space<vmem>>, %arg7: memref<80x128xi32, #tpu.memory_space<vmem>>, %arg8: memref<8x128x16xf32, #tpu.memory_space<vmem>>, %arg9: memref<128x16xf32, #tpu.memory_space<vmem>>, %arg10: memref<10240x16xf32, #tpu.memory_space<vmem_shared>>, %arg11: memref<10240x16xf32, #tpu.memory_space<vmem_shared>>, %arg12: memref<!tpu.dma_semaphore, #tpu.memory_space<semaphore_mem>>, %arg13: memref<!tpu.dma_semaphore, #tpu.memory_space<semaphore_mem>>, %arg14: memref<!tpu.dma_semaphore, #tpu.memory_space<semaphore_mem>>, %arg15: memref<!tpu.dma_semaphore, #tpu.memory_space<semaphore_mem>>, %arg16: memref<!tpu.dma_semaphore, #tpu.memory_space<semaphore_mem>>, %arg17: memref<!tpu.dma_semaphore, #tpu.memory_space<semaphore_mem>>, %arg18: memref<!tpu.dma_semaphore, #tpu.memory_space<semaphore_mem>>, %arg19: memref<!tpu.dma_semaphore, #tpu.memory_space<semaphore_mem>>) attributes {dimension_semantics = [#tpu.dimension_semantics<core_parallel>, #tpu.dimension_semantics<subcore_parallel>], iteration_bounds = array<i64: 2, 16>, scalar_prefetch = 0 : i64, scratch_operands = 14 : i64, tpu.core_type = #tpu.core_type<sc_vector_subcore>, window_params = [{transform_indices = #map}, {transform_indices = #map1}, {transform_indices = #map}, {transform_indices = #map2}]} {
    %mul3A = arith.constant 16 : i32
    %mul3A_0 = arith.muli %arg0, %mul3A : i32
    %add3A = arith.addi %mul3A_0, %arg1 : i32
    %mul3A_1 = arith.constant 640 : i32
    %mul3A_2 = arith.muli %arg1, %mul3A_1 : i32
    %dma_start3A = arith.constant 0 : i32
    %dma_start3A_3 = arith.constant 0 : i32
    %dma_start3A_4 = arith.constant 0 : i32
    %dma_start3A_5 = tpu.memref_slice %arg3[%dma_start3A, %add3A, %dma_start3A_3, %dma_start3A_4] : memref<2x32x80x128xi32, #tpu.memory_space<hbm>> -> memref<1x1x80x128xi32, #tpu.memory_space<hbm>>
    %dma_start3A_6 = tpu.memref_squeeze %dma_start3A_5 : memref<1x1x80x128xi32, #tpu.memory_space<hbm>> -> memref<80x128xi32, #tpu.memory_space<hbm>>
    %dma_start3A_7 = arith.constant 0 : i32
    %dma_start3A_8 = arith.constant 0 : i32
    %dma_start3A_9 = tpu.memref_slice %arg3[%dma_start3A, %add3A, %dma_start3A_7, %dma_start3A_8] : memref<2x32x80x128xi32, #tpu.memory_space<hbm>> -> memref<1x1x80x128xi32, #tpu.memory_space<hbm>>
    %dma_start3A_10 = tpu.memref_squeeze %dma_start3A_9 : memref<1x1x80x128xi32, #tpu.memory_space<hbm>> -> memref<80x128xi32, #tpu.memory_space<hbm>>
    tpu.enqueue_dma source(%dma_start3A_10 : memref<80x128xi32, #tpu.memory_space<hbm>>) target(%arg6 : memref<80x128xi32, #tpu.memory_space<vmem>>) target_semaphore(%arg12 : memref<!tpu.dma_semaphore, #tpu.memory_space<semaphore_mem>>)
    %dma_start3A_11 = arith.constant 1 : i32
    %dma_start3A_12 = arith.constant 0 : i32
    %dma_start3A_13 = arith.constant 0 : i32
    %dma_start3A_14 = tpu.memref_slice %arg3[%dma_start3A_11, %add3A, %dma_start3A_12, %dma_start3A_13] : memref<2x32x80x128xi32, #tpu.memory_space<hbm>> -> memref<1x1x80x128xi32, #tpu.memory_space<hbm>>
    %dma_start3A_15 = tpu.memref_squeeze %dma_start3A_14 : memref<1x1x80x128xi32, #tpu.memory_space<hbm>> -> memref<80x128xi32, #tpu.memory_space<hbm>>
    %dma_start3A_16 = arith.constant 0 : i32
    %dma_start3A_17 = arith.constant 0 : i32
    %dma_start3A_18 = tpu.memref_slice %arg3[%dma_start3A_11, %add3A, %dma_start3A_16, %dma_start3A_17] : memref<2x32x80x128xi32, #tpu.memory_space<hbm>> -> memref<1x1x80x128xi32, #tpu.memory_space<hbm>>
    %dma_start3A_19 = tpu.memref_squeeze %dma_start3A_18 : memref<1x1x80x128xi32, #tpu.memory_space<hbm>> -> memref<80x128xi32, #tpu.memory_space<hbm>>
    tpu.enqueue_dma source(%dma_start3A_19 : memref<80x128xi32, #tpu.memory_space<hbm>>) target(%arg7 : memref<80x128xi32, #tpu.memory_space<vmem>>) target_semaphore(%arg13 : memref<!tpu.dma_semaphore, #tpu.memory_space<semaphore_mem>>)
    %dma_start3A_20 = arith.constant 0 : i32
    %dma_start3A_21 = tpu.memref_slice %arg11[%mul3A_2, %dma_start3A_20] : memref<10240x16xf32, #tpu.memory_space<vmem_shared>> -> memref<640x16xf32, #tpu.memory_space<vmem_shared>>
    %dma_start3A_22 = arith.constant 0 : i32
    %dma_start3A_23 = tpu.memref_slice %arg2[%mul3A_2, %dma_start3A_22] : memref<10240x16xf32, #tpu.memory_space<hbm>> -> memref<640x16xf32, #tpu.memory_space<hbm>>
    tpu.enqueue_dma source(%dma_start3A_23 : memref<640x16xf32, #tpu.memory_space<hbm>>) target(%dma_start3A_21 : memref<640x16xf32, #tpu.memory_space<vmem_shared>>) target_semaphore(%arg14 : memref<!tpu.dma_semaphore, #tpu.memory_space<semaphore_mem>>)
    tpu.enqueue_dma source(%arg4 : memref<128x16xf32, #tpu.memory_space<hbm>>) target(%arg9 : memref<128x16xf32, #tpu.memory_space<vmem>>) target_semaphore(%arg15 : memref<!tpu.dma_semaphore, #tpu.memory_space<semaphore_mem>>)
    tpu.wait_dma2 semaphore(%arg15 : memref<!tpu.dma_semaphore, #tpu.memory_space<semaphore_mem>>) src(%arg4 : memref<128x16xf32, #tpu.memory_space<hbm>>) dst(%arg9 : memref<128x16xf32, #tpu.memory_space<vmem>>)
    %mul3A_24 = arith.constant 640 : i32
    %mul3A_25 = arith.muli %arg1, %mul3A_24 : i32
    %add3A_26 = arith.constant 0 : i32
    %add3A_27 = arith.addi %mul3A_25, %add3A_26 : i32
    %dma_start3A_28 = arith.constant 0 : i32
    %dma_start3A_29 = tpu.memref_slice %arg10[%add3A_27, %dma_start3A_28] : memref<10240x16xf32, #tpu.memory_space<vmem_shared>> -> memref<128x16xf32, #tpu.memory_space<vmem_shared>>
    %dma_start3A_30 = arith.constant 0 : i32
    %dma_start3A_31 = tpu.memref_slice %arg10[%add3A_27, %dma_start3A_30] : memref<10240x16xf32, #tpu.memory_space<vmem_shared>> -> memref<128x16xf32, #tpu.memory_space<vmem_shared>>
    tpu.enqueue_dma source(%arg9 : memref<128x16xf32, #tpu.memory_space<vmem>>) target(%dma_start3A_31 : memref<128x16xf32, #tpu.memory_space<vmem_shared>>) target_semaphore(%arg15 : memref<!tpu.dma_semaphore, #tpu.memory_space<semaphore_mem>>)
    %mul3A_32 = arith.constant 640 : i32
    %mul3A_33 = arith.muli %arg1, %mul3A_32 : i32
    %add3A_34 = arith.constant 128 : i32
    %add3A_35 = arith.addi %mul3A_33, %add3A_34 : i32
    %dma_start3A_36 = arith.constant 0 : i32
    %dma_start3A_37 = tpu.memref_slice %arg10[%add3A_35, %dma_start3A_36] : memref<10240x16xf32, #tpu.memory_space<vmem_shared>> -> memref<128x16xf32, #tpu.memory_space<vmem_shared>>
    %dma_start3A_38 = arith.constant 0 : i32
    %dma_start3A_39 = tpu.memref_slice %arg10[%add3A_35, %dma_start3A_38] : memref<10240x16xf32, #tpu.memory_space<vmem_shared>> -> memref<128x16xf32, #tpu.memory_space<vmem_shared>>
    tpu.enqueue_dma source(%arg9 : memref<128x16xf32, #tpu.memory_space<vmem>>) target(%dma_start3A_39 : memref<128x16xf32, #tpu.memory_space<vmem_shared>>) target_semaphore(%arg16 : memref<!tpu.dma_semaphore, #tpu.memory_space<semaphore_mem>>)
    %mul3A_40 = arith.constant 640 : i32
    %mul3A_41 = arith.muli %arg1, %mul3A_40 : i32
    %add3A_42 = arith.constant 256 : i32
    %add3A_43 = arith.addi %mul3A_41, %add3A_42 : i32
    %dma_start3A_44 = arith.constant 0 : i32
    %dma_start3A_45 = tpu.memref_slice %arg10[%add3A_43, %dma_start3A_44] : memref<10240x16xf32, #tpu.memory_space<vmem_shared>> -> memref<128x16xf32, #tpu.memory_space<vmem_shared>>
    %dma_start3A_46 = arith.constant 0 : i32
    %dma_start3A_47 = tpu.memref_slice %arg10[%add3A_43, %dma_start3A_46] : memref<10240x16xf32, #tpu.memory_space<vmem_shared>> -> memref<128x16xf32, #tpu.memory_space<vmem_shared>>
    tpu.enqueue_dma source(%arg9 : memref<128x16xf32, #tpu.memory_space<vmem>>) target(%dma_start3A_47 : memref<128x16xf32, #tpu.memory_space<vmem_shared>>) target_semaphore(%arg17 : memref<!tpu.dma_semaphore, #tpu.memory_space<semaphore_mem>>)
    %mul3A_48 = arith.constant 640 : i32
    %mul3A_49 = arith.muli %arg1, %mul3A_48 : i32
    %add3A_50 = arith.constant 384 : i32
    %add3A_51 = arith.addi %mul3A_49, %add3A_50 : i32
    %dma_start3A_52 = arith.constant 0 : i32
    %dma_start3A_53 = tpu.memref_slice %arg10[%add3A_51, %dma_start3A_52] : memref<10240x16xf32, #tpu.memory_space<vmem_shared>> -> memref<128x16xf32, #tpu.memory_space<vmem_shared>>
    %dma_start3A_54 = arith.constant 0 : i32
    %dma_start3A_55 = tpu.memref_slice %arg10[%add3A_51, %dma_start3A_54] : memref<10240x16xf32, #tpu.memory_space<vmem_shared>> -> memref<128x16xf32, #tpu.memory_space<vmem_shared>>
    tpu.enqueue_dma source(%arg9 : memref<128x16xf32, #tpu.memory_space<vmem>>) target(%dma_start3A_55 : memref<128x16xf32, #tpu.memory_space<vmem_shared>>) target_semaphore(%arg18 : memref<!tpu.dma_semaphore, #tpu.memory_space<semaphore_mem>>)
    %mul3A_56 = arith.constant 640 : i32
    %mul3A_57 = arith.muli %arg1, %mul3A_56 : i32
    %add3A_58 = arith.constant 512 : i32
    %add3A_59 = arith.addi %mul3A_57, %add3A_58 : i32
    %dma_start3A_60 = arith.constant 0 : i32
    %dma_start3A_61 = tpu.memref_slice %arg10[%add3A_59, %dma_start3A_60] : memref<10240x16xf32, #tpu.memory_space<vmem_shared>> -> memref<128x16xf32, #tpu.memory_space<vmem_shared>>
    %dma_start3A_62 = arith.constant 0 : i32
    %dma_start3A_63 = tpu.memref_slice %arg10[%add3A_59, %dma_start3A_62] : memref<10240x16xf32, #tpu.memory_space<vmem_shared>> -> memref<128x16xf32, #tpu.memory_space<vmem_shared>>
    tpu.enqueue_dma source(%arg9 : memref<128x16xf32, #tpu.memory_space<vmem>>) target(%dma_start3A_63 : memref<128x16xf32, #tpu.memory_space<vmem_shared>>) target_semaphore(%arg19 : memref<!tpu.dma_semaphore, #tpu.memory_space<semaphore_mem>>)
    %dma_wait3A = arith.constant 0 : i32
    %dma_wait3A_64 = arith.constant 0 : i32
    %dma_wait3A_65 = arith.constant 0 : i32
    %dma_wait3A_66 = tpu.memref_slice %arg3[%dma_wait3A, %add3A, %dma_wait3A_64, %dma_wait3A_65] : memref<2x32x80x128xi32, #tpu.memory_space<hbm>> -> memref<1x1x80x128xi32, #tpu.memory_space<hbm>>
    %dma_wait3A_67 = tpu.memref_squeeze %dma_wait3A_66 : memref<1x1x80x128xi32, #tpu.memory_space<hbm>> -> memref<80x128xi32, #tpu.memory_space<hbm>>
    %dma_wait3A_68 = arith.constant 0 : i32
    %dma_wait3A_69 = arith.constant 0 : i32
    %dma_wait3A_70 = tpu.memref_slice %arg3[%dma_wait3A, %add3A, %dma_wait3A_68, %dma_wait3A_69] : memref<2x32x80x128xi32, #tpu.memory_space<hbm>> -> memref<1x1x80x128xi32, #tpu.memory_space<hbm>>
    %dma_wait3A_71 = tpu.memref_squeeze %dma_wait3A_70 : memref<1x1x80x128xi32, #tpu.memory_space<hbm>> -> memref<80x128xi32, #tpu.memory_space<hbm>>
    tpu.wait_dma2 semaphore(%arg12 : memref<!tpu.dma_semaphore, #tpu.memory_space<semaphore_mem>>) src(%dma_wait3A_71 : memref<80x128xi32, #tpu.memory_space<hbm>>) dst(%arg6 : memref<80x128xi32, #tpu.memory_space<vmem>>)
    %dma_wait3A_72 = arith.constant 1 : i32
    %dma_wait3A_73 = arith.constant 0 : i32
    %dma_wait3A_74 = arith.constant 0 : i32
    %dma_wait3A_75 = tpu.memref_slice %arg3[%dma_wait3A_72, %add3A, %dma_wait3A_73, %dma_wait3A_74] : memref<2x32x80x128xi32, #tpu.memory_space<hbm>> -> memref<1x1x80x128xi32, #tpu.memory_space<hbm>>
    %dma_wait3A_76 = tpu.memref_squeeze %dma_wait3A_75 : memref<1x1x80x128xi32, #tpu.memory_space<hbm>> -> memref<80x128xi32, #tpu.memory_space<hbm>>
    %dma_wait3A_77 = arith.constant 0 : i32
    %dma_wait3A_78 = arith.constant 0 : i32
    %dma_wait3A_79 = tpu.memref_slice %arg3[%dma_wait3A_72, %add3A, %dma_wait3A_77, %dma_wait3A_78] : memref<2x32x80x128xi32, #tpu.memory_space<hbm>> -> memref<1x1x80x128xi32, #tpu.memory_space<hbm>>
    %dma_wait3A_80 = tpu.memref_squeeze %dma_wait3A_79 : memref<1x1x80x128xi32, #tpu.memory_space<hbm>> -> memref<80x128xi32, #tpu.memory_space<hbm>>
    tpu.wait_dma2 semaphore(%arg13 : memref<!tpu.dma_semaphore, #tpu.memory_space<semaphore_mem>>) src(%dma_wait3A_80 : memref<80x128xi32, #tpu.memory_space<hbm>>) dst(%arg7 : memref<80x128xi32, #tpu.memory_space<vmem>>)
    %dma_wait3A_81 = arith.constant 0 : i32
    %dma_wait3A_82 = tpu.memref_slice %arg11[%mul3A_2, %dma_wait3A_81] : memref<10240x16xf32, #tpu.memory_space<vmem_shared>> -> memref<640x16xf32, #tpu.memory_space<vmem_shared>>
    %dma_wait3A_83 = arith.constant 0 : i32
    %dma_wait3A_84 = tpu.memref_slice %arg2[%mul3A_2, %dma_wait3A_83] : memref<10240x16xf32, #tpu.memory_space<hbm>> -> memref<640x16xf32, #tpu.memory_space<hbm>>
    tpu.wait_dma2 semaphore(%arg14 : memref<!tpu.dma_semaphore, #tpu.memory_space<semaphore_mem>>) src(%dma_wait3A_84 : memref<640x16xf32, #tpu.memory_space<hbm>>) dst(%dma_wait3A_82 : memref<640x16xf32, #tpu.memory_space<vmem_shared>>)
    %mul3A_85 = arith.constant 640 : i32
    %mul3A_86 = arith.muli %arg1, %mul3A_85 : i32
    %add3A_87 = arith.constant 0 : i32
    %add3A_88 = arith.addi %mul3A_86, %add3A_87 : i32
    %dma_wait3A_89 = arith.constant 0 : i32
    %dma_wait3A_90 = tpu.memref_slice %arg10[%add3A_88, %dma_wait3A_89] : memref<10240x16xf32, #tpu.memory_space<vmem_shared>> -> memref<128x16xf32, #tpu.memory_space<vmem_shared>>
    %dma_wait3A_91 = arith.constant 0 : i32
    %dma_wait3A_92 = tpu.memref_slice %arg10[%add3A_88, %dma_wait3A_91] : memref<10240x16xf32, #tpu.memory_space<vmem_shared>> -> memref<128x16xf32, #tpu.memory_space<vmem_shared>>
    tpu.wait_dma2 semaphore(%arg15 : memref<!tpu.dma_semaphore, #tpu.memory_space<semaphore_mem>>) src(%arg9 : memref<128x16xf32, #tpu.memory_space<vmem>>) dst(%dma_wait3A_92 : memref<128x16xf32, #tpu.memory_space<vmem_shared>>)
    %mul3A_93 = arith.constant 640 : i32
    %mul3A_94 = arith.muli %arg1, %mul3A_93 : i32
    %add3A_95 = arith.constant 128 : i32
    %add3A_96 = arith.addi %mul3A_94, %add3A_95 : i32
    %dma_wait3A_97 = arith.constant 0 : i32
    %dma_wait3A_98 = tpu.memref_slice %arg10[%add3A_96, %dma_wait3A_97] : memref<10240x16xf32, #tpu.memory_space<vmem_shared>> -> memref<128x16xf32, #tpu.memory_space<vmem_shared>>
    %dma_wait3A_99 = arith.constant 0 : i32
    %dma_wait3A_100 = tpu.memref_slice %arg10[%add3A_96, %dma_wait3A_99] : memref<10240x16xf32, #tpu.memory_space<vmem_shared>> -> memref<128x16xf32, #tpu.memory_space<vmem_shared>>
    tpu.wait_dma2 semaphore(%arg16 : memref<!tpu.dma_semaphore, #tpu.memory_space<semaphore_mem>>) src(%arg9 : memref<128x16xf32, #tpu.memory_space<vmem>>) dst(%dma_wait3A_100 : memref<128x16xf32, #tpu.memory_space<vmem_shared>>)
    %mul3A_101 = arith.constant 640 : i32
    %mul3A_102 = arith.muli %arg1, %mul3A_101 : i32
    %add3A_103 = arith.constant 256 : i32
    %add3A_104 = arith.addi %mul3A_102, %add3A_103 : i32
    %dma_wait3A_105 = arith.constant 0 : i32
    %dma_wait3A_106 = tpu.memref_slice %arg10[%add3A_104, %dma_wait3A_105] : memref<10240x16xf32, #tpu.memory_space<vmem_shared>> -> memref<128x16xf32, #tpu.memory_space<vmem_shared>>
    %dma_wait3A_107 = arith.constant 0 : i32
    %dma_wait3A_108 = tpu.memref_slice %arg10[%add3A_104, %dma_wait3A_107] : memref<10240x16xf32, #tpu.memory_space<vmem_shared>> -> memref<128x16xf32, #tpu.memory_space<vmem_shared>>
    tpu.wait_dma2 semaphore(%arg17 : memref<!tpu.dma_semaphore, #tpu.memory_space<semaphore_mem>>) src(%arg9 : memref<128x16xf32, #tpu.memory_space<vmem>>) dst(%dma_wait3A_108 : memref<128x16xf32, #tpu.memory_space<vmem_shared>>)
    %mul3A_109 = arith.constant 640 : i32
    %mul3A_110 = arith.muli %arg1, %mul3A_109 : i32
    %add3A_111 = arith.constant 384 : i32
    %add3A_112 = arith.addi %mul3A_110, %add3A_111 : i32
    %dma_wait3A_113 = arith.constant 0 : i32
    %dma_wait3A_114 = tpu.memref_slice %arg10[%add3A_112, %dma_wait3A_113] : memref<10240x16xf32, #tpu.memory_space<vmem_shared>> -> memref<128x16xf32, #tpu.memory_space<vmem_shared>>
    %dma_wait3A_115 = arith.constant 0 : i32
    %dma_wait3A_116 = tpu.memref_slice %arg10[%add3A_112, %dma_wait3A_115] : memref<10240x16xf32, #tpu.memory_space<vmem_shared>> -> memref<128x16xf32, #tpu.memory_space<vmem_shared>>
    tpu.wait_dma2 semaphore(%arg18 : memref<!tpu.dma_semaphore, #tpu.memory_space<semaphore_mem>>) src(%arg9 : memref<128x16xf32, #tpu.memory_space<vmem>>) dst(%dma_wait3A_116 : memref<128x16xf32, #tpu.memory_space<vmem_shared>>)
    %mul3A_117 = arith.constant 640 : i32
    %mul3A_118 = arith.muli %arg1, %mul3A_117 : i32
    %add3A_119 = arith.constant 512 : i32
    %add3A_120 = arith.addi %mul3A_118, %add3A_119 : i32
    %dma_wait3A_121 = arith.constant 0 : i32
    %dma_wait3A_122 = tpu.memref_slice %arg10[%add3A_120, %dma_wait3A_121] : memref<10240x16xf32, #tpu.memory_space<vmem_shared>> -> memref<128x16xf32, #tpu.memory_space<vmem_shared>>
    %dma_wait3A_123 = arith.constant 0 : i32
    %dma_wait3A_124 = tpu.memref_slice %arg10[%add3A_120, %dma_wait3A_123] : memref<10240x16xf32, #tpu.memory_space<vmem_shared>> -> memref<128x16xf32, #tpu.memory_space<vmem_shared>>
    tpu.wait_dma2 semaphore(%arg19 : memref<!tpu.dma_semaphore, #tpu.memory_space<semaphore_mem>>) src(%arg9 : memref<128x16xf32, #tpu.memory_space<vmem>>) dst(%dma_wait3A_124 : memref<128x16xf32, #tpu.memory_space<vmem_shared>>)
    %barrier3A = arith.constant 0 : index
    tpu.barrier barrier_id(%barrier3A)
    %dma_start3A_125 = arith.constant 0 : i32
    %dma_start3A_126 = arith.constant 0 : i32
    %dma_start3A_127 = arith.constant 0 : i32
    %dma_start3A_128 = arith.constant 0 : i32
    %dma_start3A_129 = tpu.memref_slice %arg8[%dma_start3A_126, %dma_start3A_127, %dma_start3A_128] : memref<8x128x16xf32, #tpu.memory_space<vmem>> -> memref<1x128x16xf32, #tpu.memory_space<vmem>>
    %dma_start3A_130 = tpu.memref_squeeze %dma_start3A_129 : memref<1x128x16xf32, #tpu.memory_space<vmem>> -> memref<128x16xf32, #tpu.memory_space<vmem>>
    %dma_start3A_131 = arith.constant 0 : i32
    %dma_start3A_132 = tpu.memref_slice %arg6[%dma_start3A_125, %dma_start3A_131] : memref<80x128xi32, #tpu.memory_space<vmem>> -> memref<1x128xi32, #tpu.memory_space<vmem>>
    %dma_start3A_133 = tpu.memref_squeeze %dma_start3A_132 : memref<1x128xi32, #tpu.memory_space<vmem>> -> memref<128xi32, #tpu.memory_space<vmem>>
    %dma_start3A_134 = arith.constant 0 : i32
    %dma_start3A_135 = arith.constant 0 : i32
    %dma_start3A_136 = tpu.memref_slice %arg11[%dma_start3A_134, %dma_start3A_135] : memref<10240x16xf32, #tpu.memory_space<vmem_shared>> -> memref<10240x16xf32, #tpu.memory_space<vmem_shared>>
    tpu.enqueue_indirect_dma source(%dma_start3A_136 : memref<10240x16xf32, #tpu.memory_space<vmem_shared>>) target(%dma_start3A_130 : memref<128x16xf32, #tpu.memory_space<vmem>>) offsets(%dma_start3A_133 : memref<128xi32, #tpu.memory_space<vmem>>) semaphore(%arg12 : memref<!tpu.dma_semaphore, #tpu.memory_space<semaphore_mem>>)
    %dma_start3A_137 = arith.constant 1 : i32
    %dma_start3A_138 = arith.constant 1 : i32
    %dma_start3A_139 = arith.constant 0 : i32
    %dma_start3A_140 = arith.constant 0 : i32
    %dma_start3A_141 = tpu.memref_slice %arg8[%dma_start3A_138, %dma_start3A_139, %dma_start3A_140] : memref<8x128x16xf32, #tpu.memory_space<vmem>> -> memref<1x128x16xf32, #tpu.memory_space<vmem>>
    %dma_start3A_142 = tpu.memref_squeeze %dma_start3A_141 : memref<1x128x16xf32, #tpu.memory_space<vmem>> -> memref<128x16xf32, #tpu.memory_space<vmem>>
    %dma_start3A_143 = arith.constant 0 : i32
    %dma_start3A_144 = tpu.memref_slice %arg6[%dma_start3A_137, %dma_start3A_143] : memref<80x128xi32, #tpu.memory_space<vmem>> -> memref<1x128xi32, #tpu.memory_space<vmem>>
    %dma_start3A_145 = tpu.memref_squeeze %dma_start3A_144 : memref<1x128xi32, #tpu.memory_space<vmem>> -> memref<128xi32, #tpu.memory_space<vmem>>
    %dma_start3A_146 = arith.constant 0 : i32
    %dma_start3A_147 = arith.constant 0 : i32
    %dma_start3A_148 = tpu.memref_slice %arg11[%dma_start3A_146, %dma_start3A_147] : memref<10240x16xf32, #tpu.memory_space<vmem_shared>> -> memref<10240x16xf32, #tpu.memory_space<vmem_shared>>
    tpu.enqueue_indirect_dma source(%dma_start3A_148 : memref<10240x16xf32, #tpu.memory_space<vmem_shared>>) target(%dma_start3A_142 : memref<128x16xf32, #tpu.memory_space<vmem>>) offsets(%dma_start3A_145 : memref<128xi32, #tpu.memory_space<vmem>>) semaphore(%arg13 : memref<!tpu.dma_semaphore, #tpu.memory_space<semaphore_mem>>)
    %dma_start3A_149 = arith.constant 2 : i32
    %dma_start3A_150 = arith.constant 2 : i32
    %dma_start3A_151 = arith.constant 0 : i32
    %dma_start3A_152 = arith.constant 0 : i32
    %dma_start3A_153 = tpu.memref_slice %arg8[%dma_start3A_150, %dma_start3A_151, %dma_start3A_152] : memref<8x128x16xf32, #tpu.memory_space<vmem>> -> memref<1x128x16xf32, #tpu.memory_space<vmem>>
    %dma_start3A_154 = tpu.memref_squeeze %dma_start3A_153 : memref<1x128x16xf32, #tpu.memory_space<vmem>> -> memref<128x16xf32, #tpu.memory_space<vmem>>
    %dma_start3A_155 = arith.constant 0 : i32
    %dma_start3A_156 = tpu.memref_slice %arg6[%dma_start3A_149, %dma_start3A_155] : memref<80x128xi32, #tpu.memory_space<vmem>> -> memref<1x128xi32, #tpu.memory_space<vmem>>
    %dma_start3A_157 = tpu.memref_squeeze %dma_start3A_156 : memref<1x128xi32, #tpu.memory_space<vmem>> -> memref<128xi32, #tpu.memory_space<vmem>>
    %dma_start3A_158 = arith.constant 0 : i32
    %dma_start3A_159 = arith.constant 0 : i32
    %dma_start3A_160 = tpu.memref_slice %arg11[%dma_start3A_158, %dma_start3A_159] : memref<10240x16xf32, #tpu.memory_space<vmem_shared>> -> memref<10240x16xf32, #tpu.memory_space<vmem_shared>>
    tpu.enqueue_indirect_dma source(%dma_start3A_160 : memref<10240x16xf32, #tpu.memory_space<vmem_shared>>) target(%dma_start3A_154 : memref<128x16xf32, #tpu.memory_space<vmem>>) offsets(%dma_start3A_157 : memref<128xi32, #tpu.memory_space<vmem>>) semaphore(%arg14 : memref<!tpu.dma_semaphore, #tpu.memory_space<semaphore_mem>>)
    %dma_start3A_161 = arith.constant 3 : i32
    %dma_start3A_162 = arith.constant 3 : i32
    %dma_start3A_163 = arith.constant 0 : i32
    %dma_start3A_164 = arith.constant 0 : i32
    %dma_start3A_165 = tpu.memref_slice %arg8[%dma_start3A_162, %dma_start3A_163, %dma_start3A_164] : memref<8x128x16xf32, #tpu.memory_space<vmem>> -> memref<1x128x16xf32, #tpu.memory_space<vmem>>
    %dma_start3A_166 = tpu.memref_squeeze %dma_start3A_165 : memref<1x128x16xf32, #tpu.memory_space<vmem>> -> memref<128x16xf32, #tpu.memory_space<vmem>>
    %dma_start3A_167 = arith.constant 0 : i32
    %dma_start3A_168 = tpu.memref_slice %arg6[%dma_start3A_161, %dma_start3A_167] : memref<80x128xi32, #tpu.memory_space<vmem>> -> memref<1x128xi32, #tpu.memory_space<vmem>>
    %dma_start3A_169 = tpu.memref_squeeze %dma_start3A_168 : memref<1x128xi32, #tpu.memory_space<vmem>> -> memref<128xi32, #tpu.memory_space<vmem>>
    %dma_start3A_170 = arith.constant 0 : i32
    %dma_start3A_171 = arith.constant 0 : i32
    %dma_start3A_172 = tpu.memref_slice %arg11[%dma_start3A_170, %dma_start3A_171] : memref<10240x16xf32, #tpu.memory_space<vmem_shared>> -> memref<10240x16xf32, #tpu.memory_space<vmem_shared>>
    tpu.enqueue_indirect_dma source(%dma_start3A_172 : memref<10240x16xf32, #tpu.memory_space<vmem_shared>>) target(%dma_start3A_166 : memref<128x16xf32, #tpu.memory_space<vmem>>) offsets(%dma_start3A_169 : memref<128xi32, #tpu.memory_space<vmem>>) semaphore(%arg15 : memref<!tpu.dma_semaphore, #tpu.memory_space<semaphore_mem>>)
    %dma_start3A_173 = arith.constant 4 : i32
    %dma_start3A_174 = arith.constant 4 : i32
    %dma_start3A_175 = arith.constant 0 : i32
    %dma_start3A_176 = arith.constant 0 : i32
    %dma_start3A_177 = tpu.memref_slice %arg8[%dma_start3A_174, %dma_start3A_175, %dma_start3A_176] : memref<8x128x16xf32, #tpu.memory_space<vmem>> -> memref<1x128x16xf32, #tpu.memory_space<vmem>>
    %dma_start3A_178 = tpu.memref_squeeze %dma_start3A_177 : memref<1x128x16xf32, #tpu.memory_space<vmem>> -> memref<128x16xf32, #tpu.memory_space<vmem>>
    %dma_start3A_179 = arith.constant 0 : i32
    %dma_start3A_180 = tpu.memref_slice %arg6[%dma_start3A_173, %dma_start3A_179] : memref<80x128xi32, #tpu.memory_space<vmem>> -> memref<1x128xi32, #tpu.memory_space<vmem>>
    %dma_start3A_181 = tpu.memref_squeeze %dma_start3A_180 : memref<1x128xi32, #tpu.memory_space<vmem>> -> memref<128xi32, #tpu.memory_space<vmem>>
    %dma_start3A_182 = arith.constant 0 : i32
    %dma_start3A_183 = arith.constant 0 : i32
    %dma_start3A_184 = tpu.memref_slice %arg11[%dma_start3A_182, %dma_start3A_183] : memref<10240x16xf32, #tpu.memory_space<vmem_shared>> -> memref<10240x16xf32, #tpu.memory_space<vmem_shared>>
    tpu.enqueue_indirect_dma source(%dma_start3A_184 : memref<10240x16xf32, #tpu.memory_space<vmem_shared>>) target(%dma_start3A_178 : memref<128x16xf32, #tpu.memory_space<vmem>>) offsets(%dma_start3A_181 : memref<128xi32, #tpu.memory_space<vmem>>) semaphore(%arg16 : memref<!tpu.dma_semaphore, #tpu.memory_space<semaphore_mem>>)
    %dma_start3A_185 = arith.constant 5 : i32
    %dma_start3A_186 = arith.constant 5 : i32
    %dma_start3A_187 = arith.constant 0 : i32
    %dma_start3A_188 = arith.constant 0 : i32
    %dma_start3A_189 = tpu.memref_slice %arg8[%dma_start3A_186, %dma_start3A_187, %dma_start3A_188] : memref<8x128x16xf32, #tpu.memory_space<vmem>> -> memref<1x128x16xf32, #tpu.memory_space<vmem>>
    %dma_start3A_190 = tpu.memref_squeeze %dma_start3A_189 : memref<1x128x16xf32, #tpu.memory_space<vmem>> -> memref<128x16xf32, #tpu.memory_space<vmem>>
    %dma_start3A_191 = arith.constant 0 : i32
    %dma_start3A_192 = tpu.memref_slice %arg6[%dma_start3A_185, %dma_start3A_191] : memref<80x128xi32, #tpu.memory_space<vmem>> -> memref<1x128xi32, #tpu.memory_space<vmem>>
    %dma_start3A_193 = tpu.memref_squeeze %dma_start3A_192 : memref<1x128xi32, #tpu.memory_space<vmem>> -> memref<128xi32, #tpu.memory_space<vmem>>
    %dma_start3A_194 = arith.constant 0 : i32
    %dma_start3A_195 = arith.constant 0 : i32
    %dma_start3A_196 = tpu.memref_slice %arg11[%dma_start3A_194, %dma_start3A_195] : memref<10240x16xf32, #tpu.memory_space<vmem_shared>> -> memref<10240x16xf32, #tpu.memory_space<vmem_shared>>
    tpu.enqueue_indirect_dma source(%dma_start3A_196 : memref<10240x16xf32, #tpu.memory_space<vmem_shared>>) target(%dma_start3A_190 : memref<128x16xf32, #tpu.memory_space<vmem>>) offsets(%dma_start3A_193 : memref<128xi32, #tpu.memory_space<vmem>>) semaphore(%arg17 : memref<!tpu.dma_semaphore, #tpu.memory_space<semaphore_mem>>)
    %dma_start3A_197 = arith.constant 6 : i32
    %dma_start3A_198 = arith.constant 6 : i32
    %dma_start3A_199 = arith.constant 0 : i32
    %dma_start3A_200 = arith.constant 0 : i32
    %dma_start3A_201 = tpu.memref_slice %arg8[%dma_start3A_198, %dma_start3A_199, %dma_start3A_200] : memref<8x128x16xf32, #tpu.memory_space<vmem>> -> memref<1x128x16xf32, #tpu.memory_space<vmem>>
    %dma_start3A_202 = tpu.memref_squeeze %dma_start3A_201 : memref<1x128x16xf32, #tpu.memory_space<vmem>> -> memref<128x16xf32, #tpu.memory_space<vmem>>
    %dma_start3A_203 = arith.constant 0 : i32
    %dma_start3A_204 = tpu.memref_slice %arg6[%dma_start3A_197, %dma_start3A_203] : memref<80x128xi32, #tpu.memory_space<vmem>> -> memref<1x128xi32, #tpu.memory_space<vmem>>
    %dma_start3A_205 = tpu.memref_squeeze %dma_start3A_204 : memref<1x128xi32, #tpu.memory_space<vmem>> -> memref<128xi32, #tpu.memory_space<vmem>>
    %dma_start3A_206 = arith.constant 0 : i32
    %dma_start3A_207 = arith.constant 0 : i32
    %dma_start3A_208 = tpu.memref_slice %arg11[%dma_start3A_206, %dma_start3A_207] : memref<10240x16xf32, #tpu.memory_space<vmem_shared>> -> memref<10240x16xf32, #tpu.memory_space<vmem_shared>>
    tpu.enqueue_indirect_dma source(%dma_start3A_208 : memref<10240x16xf32, #tpu.memory_space<vmem_shared>>) target(%dma_start3A_202 : memref<128x16xf32, #tpu.memory_space<vmem>>) offsets(%dma_start3A_205 : memref<128xi32, #tpu.memory_space<vmem>>) semaphore(%arg18 : memref<!tpu.dma_semaphore, #tpu.memory_space<semaphore_mem>>)
    %dma_start3A_209 = arith.constant 7 : i32
    %dma_start3A_210 = arith.constant 7 : i32
    %dma_start3A_211 = arith.constant 0 : i32
    %dma_start3A_212 = arith.constant 0 : i32
    %dma_start3A_213 = tpu.memref_slice %arg8[%dma_start3A_210, %dma_start3A_211, %dma_start3A_212] : memref<8x128x16xf32, #tpu.memory_space<vmem>> -> memref<1x128x16xf32, #tpu.memory_space<vmem>>
    %dma_start3A_214 = tpu.memref_squeeze %dma_start3A_213 : memref<1x128x16xf32, #tpu.memory_space<vmem>> -> memref<128x16xf32, #tpu.memory_space<vmem>>
    %dma_start3A_215 = arith.constant 0 : i32
    %dma_start3A_216 = tpu.memref_slice %arg6[%dma_start3A_209, %dma_start3A_215] : memref<80x128xi32, #tpu.memory_space<vmem>> -> memref<1x128xi32, #tpu.memory_space<vmem>>
    %dma_start3A_217 = tpu.memref_squeeze %dma_start3A_216 : memref<1x128xi32, #tpu.memory_space<vmem>> -> memref<128xi32, #tpu.memory_space<vmem>>
    %dma_start3A_218 = arith.constant 0 : i32
    %dma_start3A_219 = arith.constant 0 : i32
    %dma_start3A_220 = tpu.memref_slice %arg11[%dma_start3A_218, %dma_start3A_219] : memref<10240x16xf32, #tpu.memory_space<vmem_shared>> -> memref<10240x16xf32, #tpu.memory_space<vmem_shared>>
    tpu.enqueue_indirect_dma source(%dma_start3A_220 : memref<10240x16xf32, #tpu.memory_space<vmem_shared>>) target(%dma_start3A_214 : memref<128x16xf32, #tpu.memory_space<vmem>>) offsets(%dma_start3A_217 : memref<128xi32, #tpu.memory_space<vmem>>) semaphore(%arg19 : memref<!tpu.dma_semaphore, #tpu.memory_space<semaphore_mem>>)
    %scan3A = arith.constant 0 : i32
    %scan3A_221 = arith.constant 10 : i32
    %scan3A_222 = arith.addi %scan3A, %scan3A_221 : i32
    %scan3A_223 = arith.constant 1 : i32
    scf.for %scan3A_230 = %scan3A to %scan3A_222 step %scan3A_223  : i32 {
      %mul3A_231 = arith.constant 8 : i32
      %mul3A_232 = arith.muli %scan3A_230, %mul3A_231 : i32
      %add3A_233 = arith.constant 0 : i32
      %add3A_234 = arith.addi %add3A_233, %mul3A_232 : i32
      %add3A_235 = arith.constant 0 : i32
      %add3A_236 = arith.addi %add3A_234, %add3A_235 : i32
      %dma_wait3A_237 = arith.constant 0 : i32
      %dma_wait3A_238 = arith.constant 0 : i32
      %dma_wait3A_239 = arith.constant 0 : i32
      %dma_wait3A_240 = tpu.memref_slice %arg8[%dma_wait3A_237, %dma_wait3A_238, %dma_wait3A_239] : memref<8x128x16xf32, #tpu.memory_space<vmem>> -> memref<1x128x16xf32, #tpu.memory_space<vmem>>
      %dma_wait3A_241 = tpu.memref_squeeze %dma_wait3A_240 : memref<1x128x16xf32, #tpu.memory_space<vmem>> -> memref<128x16xf32, #tpu.memory_space<vmem>>
      %dma_wait3A_242 = arith.constant 0 : i32
      %dma_wait3A_243 = tpu.memref_slice %arg6[%add3A_236, %dma_wait3A_242] : memref<80x128xi32, #tpu.memory_space<vmem>> -> memref<1x128xi32, #tpu.memory_space<vmem>>
      %dma_wait3A_244 = tpu.memref_squeeze %dma_wait3A_243 : memref<1x128xi32, #tpu.memory_space<vmem>> -> memref<128xi32, #tpu.memory_space<vmem>>
      %dma_wait3A_245 = arith.constant 0 : i32
      %dma_wait3A_246 = arith.constant 0 : i32
      %dma_wait3A_247 = tpu.memref_slice %arg11[%dma_wait3A_245, %dma_wait3A_246] : memref<10240x16xf32, #tpu.memory_space<vmem_shared>> -> memref<10240x16xf32, #tpu.memory_space<vmem_shared>>
      tpu.wait_indirect_dma semaphore(%arg12 : memref<!tpu.dma_semaphore, #tpu.memory_space<semaphore_mem>>) src(%dma_wait3A_247 : memref<10240x16xf32, #tpu.memory_space<vmem_shared>>) dst(%dma_wait3A_241 : memref<128x16xf32, #tpu.memory_space<vmem>>)
      %run_scoped3A = arith.constant 0 : i32
      "tpu.region"() ({
        %run_scoped3A_399 = tpu.sem_alloc : memref<!tpu.dma_semaphore, #tpu.memory_space<semaphore_mem>>
        %dma_start3A_400 = arith.constant 0 : i32
        %dma_start3A_401 = arith.constant 0 : i32
        %dma_start3A_402 = tpu.memref_slice %arg8[%run_scoped3A, %dma_start3A_400, %dma_start3A_401] : memref<8x128x16xf32, #tpu.memory_space<vmem>> -> memref<1x128x16xf32, #tpu.memory_space<vmem>>
        %dma_start3A_403 = tpu.memref_squeeze %dma_start3A_402 : memref<1x128x16xf32, #tpu.memory_space<vmem>> -> memref<128x16xf32, #tpu.memory_space<vmem>>
        %dma_start3A_404 = arith.constant 0 : i32
        %dma_start3A_405 = tpu.memref_slice %arg7[%add3A_236, %dma_start3A_404] : memref<80x128xi32, #tpu.memory_space<vmem>> -> memref<1x128xi32, #tpu.memory_space<vmem>>
        %dma_start3A_406 = tpu.memref_squeeze %dma_start3A_405 : memref<1x128xi32, #tpu.memory_space<vmem>> -> memref<128xi32, #tpu.memory_space<vmem>>
        %dma_start3A_407 = arith.constant 0 : i32
        %dma_start3A_408 = arith.constant 0 : i32
        %dma_start3A_409 = tpu.memref_slice %arg10[%dma_start3A_407, %dma_start3A_408] : memref<10240x16xf32, #tpu.memory_space<vmem_shared>> -> memref<10240x16xf32, #tpu.memory_space<vmem_shared>>
        tpu.enqueue_indirect_dma source(%dma_start3A_403 : memref<128x16xf32, #tpu.memory_space<vmem>>) target(%dma_start3A_409 : memref<10240x16xf32, #tpu.memory_space<vmem_shared>>) offsets(%dma_start3A_406 : memref<128xi32, #tpu.memory_space<vmem>>) semaphore(%run_scoped3A_399 : memref<!tpu.dma_semaphore, #tpu.memory_space<semaphore_mem>>) {add = true}
        %dma_wait3A_410 = arith.constant 0 : i32
        %dma_wait3A_411 = arith.constant 0 : i32
        %dma_wait3A_412 = tpu.memref_slice %arg8[%run_scoped3A, %dma_wait3A_410, %dma_wait3A_411] : memref<8x128x16xf32, #tpu.memory_space<vmem>> -> memref<1x128x16xf32, #tpu.memory_space<vmem>>
        %dma_wait3A_413 = tpu.memref_squeeze %dma_wait3A_412 : memref<1x128x16xf32, #tpu.memory_space<vmem>> -> memref<128x16xf32, #tpu.memory_space<vmem>>
        %dma_wait3A_414 = arith.constant 0 : i32
        %dma_wait3A_415 = tpu.memref_slice %arg7[%add3A_236, %dma_wait3A_414] : memref<80x128xi32, #tpu.memory_space<vmem>> -> memref<1x128xi32, #tpu.memory_space<vmem>>
        %dma_wait3A_416 = tpu.memref_squeeze %dma_wait3A_415 : memref<1x128xi32, #tpu.memory_space<vmem>> -> memref<128xi32, #tpu.memory_space<vmem>>
        %dma_wait3A_417 = arith.constant 0 : i32
        %dma_wait3A_418 = arith.constant 0 : i32
        %dma_wait3A_419 = tpu.memref_slice %arg10[%dma_wait3A_417, %dma_wait3A_418] : memref<10240x16xf32, #tpu.memory_space<vmem_shared>> -> memref<10240x16xf32, #tpu.memory_space<vmem_shared>>
        tpu.wait_indirect_dma semaphore(%run_scoped3A_399 : memref<!tpu.dma_semaphore, #tpu.memory_space<semaphore_mem>>) src(%dma_wait3A_413 : memref<128x16xf32, #tpu.memory_space<vmem>>) dst(%dma_wait3A_419 : memref<10240x16xf32, #tpu.memory_space<vmem_shared>>)
        tpu.yield
      }) : () -> ()
      %add3A_248 = arith.constant 8 : i32
      %add3A_249 = arith.addi %add3A_236, %add3A_248 : i32
      %lt3A = arith.constant 80 : i32
      %lt3A_250 = arith.cmpi slt, %add3A_249, %lt3A : i32
      %convert_element_type3A = arith.extui %lt3A_250 : i1 to i32
      %cond3A = arith.constant 0 : i32
      %cond3A_251 = arith.cmpi ne, %convert_element_type3A, %cond3A : i32
      scf.if %cond3A_251 {
        %add3A_399 = arith.constant 8 : i32
        %add3A_400 = arith.addi %add3A_236, %add3A_399 : i32
        %dma_start3A_401 = arith.constant 0 : i32
        %dma_start3A_402 = arith.constant 0 : i32
        %dma_start3A_403 = arith.constant 0 : i32
        %dma_start3A_404 = tpu.memref_slice %arg8[%dma_start3A_401, %dma_start3A_402, %dma_start3A_403] : memref<8x128x16xf32, #tpu.memory_space<vmem>> -> memref<1x128x16xf32, #tpu.memory_space<vmem>>
        %dma_start3A_405 = tpu.memref_squeeze %dma_start3A_404 : memref<1x128x16xf32, #tpu.memory_space<vmem>> -> memref<128x16xf32, #tpu.memory_space<vmem>>
        %dma_start3A_406 = arith.constant 0 : i32
        %dma_start3A_407 = tpu.memref_slice %arg6[%add3A_400, %dma_start3A_406] : memref<80x128xi32, #tpu.memory_space<vmem>> -> memref<1x128xi32, #tpu.memory_space<vmem>>
        %dma_start3A_408 = tpu.memref_squeeze %dma_start3A_407 : memref<1x128xi32, #tpu.memory_space<vmem>> -> memref<128xi32, #tpu.memory_space<vmem>>
        %dma_start3A_409 = arith.constant 0 : i32
        %dma_start3A_410 = arith.constant 0 : i32
        %dma_start3A_411 = tpu.memref_slice %arg11[%dma_start3A_409, %dma_start3A_410] : memref<10240x16xf32, #tpu.memory_space<vmem_shared>> -> memref<10240x16xf32, #tpu.memory_space<vmem_shared>>
        tpu.enqueue_indirect_dma source(%dma_start3A_411 : memref<10240x16xf32, #tpu.memory_space<vmem_shared>>) target(%dma_start3A_405 : memref<128x16xf32, #tpu.memory_space<vmem>>) offsets(%dma_start3A_408 : memref<128xi32, #tpu.memory_space<vmem>>) semaphore(%arg12 : memref<!tpu.dma_semaphore, #tpu.memory_space<semaphore_mem>>)
      } else {
      }
      %add3A_252 = arith.constant 1 : i32
      %add3A_253 = arith.addi %add3A_234, %add3A_252 : i32
      %dma_wait3A_254 = arith.constant 1 : i32
      %dma_wait3A_255 = arith.constant 0 : i32
      %dma_wait3A_256 = arith.constant 0 : i32
      %dma_wait3A_257 = tpu.memref_slice %arg8[%dma_wait3A_254, %dma_wait3A_255, %dma_wait3A_256] : memref<8x128x16xf32, #tpu.memory_space<vmem>> -> memref<1x128x16xf32, #tpu.memory_space<vmem>>
      %dma_wait3A_258 = tpu.memref_squeeze %dma_wait3A_257 : memref<1x128x16xf32, #tpu.memory_space<vmem>> -> memref<128x16xf32, #tpu.memory_space<vmem>>
      %dma_wait3A_259 = arith.constant 0 : i32
      %dma_wait3A_260 = tpu.memref_slice %arg6[%add3A_253, %dma_wait3A_259] : memref<80x128xi32, #tpu.memory_space<vmem>> -> memref<1x128xi32, #tpu.memory_space<vmem>>
      %dma_wait3A_261 = tpu.memref_squeeze %dma_wait3A_260 : memref<1x128xi32, #tpu.memory_space<vmem>> -> memref<128xi32, #tpu.memory_space<vmem>>
      %dma_wait3A_262 = arith.constant 0 : i32
      %dma_wait3A_263 = arith.constant 0 : i32
      %dma_wait3A_264 = tpu.memref_slice %arg11[%dma_wait3A_262, %dma_wait3A_263] : memref<10240x16xf32, #tpu.memory_space<vmem_shared>> -> memref<10240x16xf32, #tpu.memory_space<vmem_shared>>
      tpu.wait_indirect_dma semaphore(%arg13 : memref<!tpu.dma_semaphore, #tpu.memory_space<semaphore_mem>>) src(%dma_wait3A_264 : memref<10240x16xf32, #tpu.memory_space<vmem_shared>>) dst(%dma_wait3A_258 : memref<128x16xf32, #tpu.memory_space<vmem>>)
      %run_scoped3A_265 = arith.constant 1 : i32
      "tpu.region"() ({
        %run_scoped3A_399 = tpu.sem_alloc : memref<!tpu.dma_semaphore, #tpu.memory_space<semaphore_mem>>
        %dma_start3A_400 = arith.constant 0 : i32
        %dma_start3A_401 = arith.constant 0 : i32
        %dma_start3A_402 = tpu.memref_slice %arg8[%run_scoped3A_265, %dma_start3A_400, %dma_start3A_401] : memref<8x128x16xf32, #tpu.memory_space<vmem>> -> memref<1x128x16xf32, #tpu.memory_space<vmem>>
        %dma_start3A_403 = tpu.memref_squeeze %dma_start3A_402 : memref<1x128x16xf32, #tpu.memory_space<vmem>> -> memref<128x16xf32, #tpu.memory_space<vmem>>
        %dma_start3A_404 = arith.constant 0 : i32
        %dma_start3A_405 = tpu.memref_slice %arg7[%add3A_253, %dma_start3A_404] : memref<80x128xi32, #tpu.memory_space<vmem>> -> memref<1x128xi32, #tpu.memory_space<vmem>>
        %dma_start3A_406 = tpu.memref_squeeze %dma_start3A_405 : memref<1x128xi32, #tpu.memory_space<vmem>> -> memref<128xi32, #tpu.memory_space<vmem>>
        %dma_start3A_407 = arith.constant 0 : i32
        %dma_start3A_408 = arith.constant 0 : i32
        %dma_start3A_409 = tpu.memref_slice %arg10[%dma_start3A_407, %dma_start3A_408] : memref<10240x16xf32, #tpu.memory_space<vmem_shared>> -> memref<10240x16xf32, #tpu.memory_space<vmem_shared>>
        tpu.enqueue_indirect_dma source(%dma_start3A_403 : memref<128x16xf32, #tpu.memory_space<vmem>>) target(%dma_start3A_409 : memref<10240x16xf32, #tpu.memory_space<vmem_shared>>) offsets(%dma_start3A_406 : memref<128xi32, #tpu.memory_space<vmem>>) semaphore(%run_scoped3A_399 : memref<!tpu.dma_semaphore, #tpu.memory_space<semaphore_mem>>) {add = true}
        %dma_wait3A_410 = arith.constant 0 : i32
        %dma_wait3A_411 = arith.constant 0 : i32
        %dma_wait3A_412 = tpu.memref_slice %arg8[%run_scoped3A_265, %dma_wait3A_410, %dma_wait3A_411] : memref<8x128x16xf32, #tpu.memory_space<vmem>> -> memref<1x128x16xf32, #tpu.memory_space<vmem>>
        %dma_wait3A_413 = tpu.memref_squeeze %dma_wait3A_412 : memref<1x128x16xf32, #tpu.memory_space<vmem>> -> memref<128x16xf32, #tpu.memory_space<vmem>>
        %dma_wait3A_414 = arith.constant 0 : i32
        %dma_wait3A_415 = tpu.memref_slice %arg7[%add3A_253, %dma_wait3A_414] : memref<80x128xi32, #tpu.memory_space<vmem>> -> memref<1x128xi32, #tpu.memory_space<vmem>>
        %dma_wait3A_416 = tpu.memref_squeeze %dma_wait3A_415 : memref<1x128xi32, #tpu.memory_space<vmem>> -> memref<128xi32, #tpu.memory_space<vmem>>
        %dma_wait3A_417 = arith.constant 0 : i32
        %dma_wait3A_418 = arith.constant 0 : i32
        %dma_wait3A_419 = tpu.memref_slice %arg10[%dma_wait3A_417, %dma_wait3A_418] : memref<10240x16xf32, #tpu.memory_space<vmem_shared>> -> memref<10240x16xf32, #tpu.memory_space<vmem_shared>>
        tpu.wait_indirect_dma semaphore(%run_scoped3A_399 : memref<!tpu.dma_semaphore, #tpu.memory_space<semaphore_mem>>) src(%dma_wait3A_413 : memref<128x16xf32, #tpu.memory_space<vmem>>) dst(%dma_wait3A_419 : memref<10240x16xf32, #tpu.memory_space<vmem_shared>>)
        tpu.yield
      }) : () -> ()
      %add3A_266 = arith.constant 8 : i32
      %add3A_267 = arith.addi %add3A_253, %add3A_266 : i32
      %lt3A_268 = arith.constant 80 : i32
      %lt3A_269 = arith.cmpi slt, %add3A_267, %lt3A_268 : i32
      %convert_element_type3A_270 = arith.extui %lt3A_269 : i1 to i32
      %cond3A_271 = arith.constant 0 : i32
      %cond3A_272 = arith.cmpi ne, %convert_element_type3A_270, %cond3A_271 : i32
      scf.if %cond3A_272 {
        %add3A_399 = arith.constant 8 : i32
        %add3A_400 = arith.addi %add3A_253, %add3A_399 : i32
        %dma_start3A_401 = arith.constant 1 : i32
        %dma_start3A_402 = arith.constant 0 : i32
        %dma_start3A_403 = arith.constant 0 : i32
        %dma_start3A_404 = tpu.memref_slice %arg8[%dma_start3A_401, %dma_start3A_402, %dma_start3A_403] : memref<8x128x16xf32, #tpu.memory_space<vmem>> -> memref<1x128x16xf32, #tpu.memory_space<vmem>>
        %dma_start3A_405 = tpu.memref_squeeze %dma_start3A_404 : memref<1x128x16xf32, #tpu.memory_space<vmem>> -> memref<128x16xf32, #tpu.memory_space<vmem>>
        %dma_start3A_406 = arith.constant 0 : i32
        %dma_start3A_407 = tpu.memref_slice %arg6[%add3A_400, %dma_start3A_406] : memref<80x128xi32, #tpu.memory_space<vmem>> -> memref<1x128xi32, #tpu.memory_space<vmem>>
        %dma_start3A_408 = tpu.memref_squeeze %dma_start3A_407 : memref<1x128xi32, #tpu.memory_space<vmem>> -> memref<128xi32, #tpu.memory_space<vmem>>
        %dma_start3A_409 = arith.constant 0 : i32
        %dma_start3A_410 = arith.constant 0 : i32
        %dma_start3A_411 = tpu.memref_slice %arg11[%dma_start3A_409, %dma_start3A_410] : memref<10240x16xf32, #tpu.memory_space<vmem_shared>> -> memref<10240x16xf32, #tpu.memory_space<vmem_shared>>
        tpu.enqueue_indirect_dma source(%dma_start3A_411 : memref<10240x16xf32, #tpu.memory_space<vmem_shared>>) target(%dma_start3A_405 : memref<128x16xf32, #tpu.memory_space<vmem>>) offsets(%dma_start3A_408 : memref<128xi32, #tpu.memory_space<vmem>>) semaphore(%arg13 : memref<!tpu.dma_semaphore, #tpu.memory_space<semaphore_mem>>)
      } else {
      }
      %add3A_273 = arith.constant 2 : i32
      %add3A_274 = arith.addi %add3A_234, %add3A_273 : i32
      %dma_wait3A_275 = arith.constant 2 : i32
      %dma_wait3A_276 = arith.constant 0 : i32
      %dma_wait3A_277 = arith.constant 0 : i32
      %dma_wait3A_278 = tpu.memref_slice %arg8[%dma_wait3A_275, %dma_wait3A_276, %dma_wait3A_277] : memref<8x128x16xf32, #tpu.memory_space<vmem>> -> memref<1x128x16xf32, #tpu.memory_space<vmem>>
      %dma_wait3A_279 = tpu.memref_squeeze %dma_wait3A_278 : memref<1x128x16xf32, #tpu.memory_space<vmem>> -> memref<128x16xf32, #tpu.memory_space<vmem>>
      %dma_wait3A_280 = arith.constant 0 : i32
      %dma_wait3A_281 = tpu.memref_slice %arg6[%add3A_274, %dma_wait3A_280] : memref<80x128xi32, #tpu.memory_space<vmem>> -> memref<1x128xi32, #tpu.memory_space<vmem>>
      %dma_wait3A_282 = tpu.memref_squeeze %dma_wait3A_281 : memref<1x128xi32, #tpu.memory_space<vmem>> -> memref<128xi32, #tpu.memory_space<vmem>>
      %dma_wait3A_283 = arith.constant 0 : i32
      %dma_wait3A_284 = arith.constant 0 : i32
      %dma_wait3A_285 = tpu.memref_slice %arg11[%dma_wait3A_283, %dma_wait3A_284] : memref<10240x16xf32, #tpu.memory_space<vmem_shared>> -> memref<10240x16xf32, #tpu.memory_space<vmem_shared>>
      tpu.wait_indirect_dma semaphore(%arg14 : memref<!tpu.dma_semaphore, #tpu.memory_space<semaphore_mem>>) src(%dma_wait3A_285 : memref<10240x16xf32, #tpu.memory_space<vmem_shared>>) dst(%dma_wait3A_279 : memref<128x16xf32, #tpu.memory_space<vmem>>)
      %run_scoped3A_286 = arith.constant 2 : i32
      "tpu.region"() ({
        %run_scoped3A_399 = tpu.sem_alloc : memref<!tpu.dma_semaphore, #tpu.memory_space<semaphore_mem>>
        %dma_start3A_400 = arith.constant 0 : i32
        %dma_start3A_401 = arith.constant 0 : i32
        %dma_start3A_402 = tpu.memref_slice %arg8[%run_scoped3A_286, %dma_start3A_400, %dma_start3A_401] : memref<8x128x16xf32, #tpu.memory_space<vmem>> -> memref<1x128x16xf32, #tpu.memory_space<vmem>>
        %dma_start3A_403 = tpu.memref_squeeze %dma_start3A_402 : memref<1x128x16xf32, #tpu.memory_space<vmem>> -> memref<128x16xf32, #tpu.memory_space<vmem>>
        %dma_start3A_404 = arith.constant 0 : i32
        %dma_start3A_405 = tpu.memref_slice %arg7[%add3A_274, %dma_start3A_404] : memref<80x128xi32, #tpu.memory_space<vmem>> -> memref<1x128xi32, #tpu.memory_space<vmem>>
        %dma_start3A_406 = tpu.memref_squeeze %dma_start3A_405 : memref<1x128xi32, #tpu.memory_space<vmem>> -> memref<128xi32, #tpu.memory_space<vmem>>
        %dma_start3A_407 = arith.constant 0 : i32
        %dma_start3A_408 = arith.constant 0 : i32
        %dma_start3A_409 = tpu.memref_slice %arg10[%dma_start3A_407, %dma_start3A_408] : memref<10240x16xf32, #tpu.memory_space<vmem_shared>> -> memref<10240x16xf32, #tpu.memory_space<vmem_shared>>
        tpu.enqueue_indirect_dma source(%dma_start3A_403 : memref<128x16xf32, #tpu.memory_space<vmem>>) target(%dma_start3A_409 : memref<10240x16xf32, #tpu.memory_space<vmem_shared>>) offsets(%dma_start3A_406 : memref<128xi32, #tpu.memory_space<vmem>>) semaphore(%run_scoped3A_399 : memref<!tpu.dma_semaphore, #tpu.memory_space<semaphore_mem>>) {add = true}
        %dma_wait3A_410 = arith.constant 0 : i32
        %dma_wait3A_411 = arith.constant 0 : i32
        %dma_wait3A_412 = tpu.memref_slice %arg8[%run_scoped3A_286, %dma_wait3A_410, %dma_wait3A_411] : memref<8x128x16xf32, #tpu.memory_space<vmem>> -> memref<1x128x16xf32, #tpu.memory_space<vmem>>
        %dma_wait3A_413 = tpu.memref_squeeze %dma_wait3A_412 : memref<1x128x16xf32, #tpu.memory_space<vmem>> -> memref<128x16xf32, #tpu.memory_space<vmem>>
        %dma_wait3A_414 = arith.constant 0 : i32
        %dma_wait3A_415 = tpu.memref_slice %arg7[%add3A_274, %dma_wait3A_414] : memref<80x128xi32, #tpu.memory_space<vmem>> -> memref<1x128xi32, #tpu.memory_space<vmem>>
        %dma_wait3A_416 = tpu.memref_squeeze %dma_wait3A_415 : memref<1x128xi32, #tpu.memory_space<vmem>> -> memref<128xi32, #tpu.memory_space<vmem>>
        %dma_wait3A_417 = arith.constant 0 : i32
        %dma_wait3A_418 = arith.constant 0 : i32
        %dma_wait3A_419 = tpu.memref_slice %arg10[%dma_wait3A_417, %dma_wait3A_418] : memref<10240x16xf32, #tpu.memory_space<vmem_shared>> -> memref<10240x16xf32, #tpu.memory_space<vmem_shared>>
        tpu.wait_indirect_dma semaphore(%run_scoped3A_399 : memref<!tpu.dma_semaphore, #tpu.memory_space<semaphore_mem>>) src(%dma_wait3A_413 : memref<128x16xf32, #tpu.memory_space<vmem>>) dst(%dma_wait3A_419 : memref<10240x16xf32, #tpu.memory_space<vmem_shared>>)
        tpu.yield
      }) : () -> ()
      %add3A_287 = arith.constant 8 : i32
      %add3A_288 = arith.addi %add3A_274, %add3A_287 : i32
      %lt3A_289 = arith.constant 80 : i32
      %lt3A_290 = arith.cmpi slt, %add3A_288, %lt3A_289 : i32
      %convert_element_type3A_291 = arith.extui %lt3A_290 : i1 to i32
      %cond3A_292 = arith.constant 0 : i32
      %cond3A_293 = arith.cmpi ne, %convert_element_type3A_291, %cond3A_292 : i32
      scf.if %cond3A_293 {
        %add3A_399 = arith.constant 8 : i32
        %add3A_400 = arith.addi %add3A_274, %add3A_399 : i32
        %dma_start3A_401 = arith.constant 2 : i32
        %dma_start3A_402 = arith.constant 0 : i32
        %dma_start3A_403 = arith.constant 0 : i32
        %dma_start3A_404 = tpu.memref_slice %arg8[%dma_start3A_401, %dma_start3A_402, %dma_start3A_403] : memref<8x128x16xf32, #tpu.memory_space<vmem>> -> memref<1x128x16xf32, #tpu.memory_space<vmem>>
        %dma_start3A_405 = tpu.memref_squeeze %dma_start3A_404 : memref<1x128x16xf32, #tpu.memory_space<vmem>> -> memref<128x16xf32, #tpu.memory_space<vmem>>
        %dma_start3A_406 = arith.constant 0 : i32
        %dma_start3A_407 = tpu.memref_slice %arg6[%add3A_400, %dma_start3A_406] : memref<80x128xi32, #tpu.memory_space<vmem>> -> memref<1x128xi32, #tpu.memory_space<vmem>>
        %dma_start3A_408 = tpu.memref_squeeze %dma_start3A_407 : memref<1x128xi32, #tpu.memory_space<vmem>> -> memref<128xi32, #tpu.memory_space<vmem>>
        %dma_start3A_409 = arith.constant 0 : i32
        %dma_start3A_410 = arith.constant 0 : i32
        %dma_start3A_411 = tpu.memref_slice %arg11[%dma_start3A_409, %dma_start3A_410] : memref<10240x16xf32, #tpu.memory_space<vmem_shared>> -> memref<10240x16xf32, #tpu.memory_space<vmem_shared>>
        tpu.enqueue_indirect_dma source(%dma_start3A_411 : memref<10240x16xf32, #tpu.memory_space<vmem_shared>>) target(%dma_start3A_405 : memref<128x16xf32, #tpu.memory_space<vmem>>) offsets(%dma_start3A_408 : memref<128xi32, #tpu.memory_space<vmem>>) semaphore(%arg14 : memref<!tpu.dma_semaphore, #tpu.memory_space<semaphore_mem>>)
      } else {
      }
      %add3A_294 = arith.constant 3 : i32
      %add3A_295 = arith.addi %add3A_234, %add3A_294 : i32
      %dma_wait3A_296 = arith.constant 3 : i32
      %dma_wait3A_297 = arith.constant 0 : i32
      %dma_wait3A_298 = arith.constant 0 : i32
      %dma_wait3A_299 = tpu.memref_slice %arg8[%dma_wait3A_296, %dma_wait3A_297, %dma_wait3A_298] : memref<8x128x16xf32, #tpu.memory_space<vmem>> -> memref<1x128x16xf32, #tpu.memory_space<vmem>>
      %dma_wait3A_300 = tpu.memref_squeeze %dma_wait3A_299 : memref<1x128x16xf32, #tpu.memory_space<vmem>> -> memref<128x16xf32, #tpu.memory_space<vmem>>
      %dma_wait3A_301 = arith.constant 0 : i32
      %dma_wait3A_302 = tpu.memref_slice %arg6[%add3A_295, %dma_wait3A_301] : memref<80x128xi32, #tpu.memory_space<vmem>> -> memref<1x128xi32, #tpu.memory_space<vmem>>
      %dma_wait3A_303 = tpu.memref_squeeze %dma_wait3A_302 : memref<1x128xi32, #tpu.memory_space<vmem>> -> memref<128xi32, #tpu.memory_space<vmem>>
      %dma_wait3A_304 = arith.constant 0 : i32
      %dma_wait3A_305 = arith.constant 0 : i32
      %dma_wait3A_306 = tpu.memref_slice %arg11[%dma_wait3A_304, %dma_wait3A_305] : memref<10240x16xf32, #tpu.memory_space<vmem_shared>> -> memref<10240x16xf32, #tpu.memory_space<vmem_shared>>
      tpu.wait_indirect_dma semaphore(%arg15 : memref<!tpu.dma_semaphore, #tpu.memory_space<semaphore_mem>>) src(%dma_wait3A_306 : memref<10240x16xf32, #tpu.memory_space<vmem_shared>>) dst(%dma_wait3A_300 : memref<128x16xf32, #tpu.memory_space<vmem>>)
      %run_scoped3A_307 = arith.constant 3 : i32
      "tpu.region"() ({
        %run_scoped3A_399 = tpu.sem_alloc : memref<!tpu.dma_semaphore, #tpu.memory_space<semaphore_mem>>
        %dma_start3A_400 = arith.constant 0 : i32
        %dma_start3A_401 = arith.constant 0 : i32
        %dma_start3A_402 = tpu.memref_slice %arg8[%run_scoped3A_307, %dma_start3A_400, %dma_start3A_401] : memref<8x128x16xf32, #tpu.memory_space<vmem>> -> memref<1x128x16xf32, #tpu.memory_space<vmem>>
        %dma_start3A_403 = tpu.memref_squeeze %dma_start3A_402 : memref<1x128x16xf32, #tpu.memory_space<vmem>> -> memref<128x16xf32, #tpu.memory_space<vmem>>
        %dma_start3A_404 = arith.constant 0 : i32
        %dma_start3A_405 = tpu.memref_slice %arg7[%add3A_295, %dma_start3A_404] : memref<80x128xi32, #tpu.memory_space<vmem>> -> memref<1x128xi32, #tpu.memory_space<vmem>>
        %dma_start3A_406 = tpu.memref_squeeze %dma_start3A_405 : memref<1x128xi32, #tpu.memory_space<vmem>> -> memref<128xi32, #tpu.memory_space<vmem>>
        %dma_start3A_407 = arith.constant 0 : i32
        %dma_start3A_408 = arith.constant 0 : i32
        %dma_start3A_409 = tpu.memref_slice %arg10[%dma_start3A_407, %dma_start3A_408] : memref<10240x16xf32, #tpu.memory_space<vmem_shared>> -> memref<10240x16xf32, #tpu.memory_space<vmem_shared>>
        tpu.enqueue_indirect_dma source(%dma_start3A_403 : memref<128x16xf32, #tpu.memory_space<vmem>>) target(%dma_start3A_409 : memref<10240x16xf32, #tpu.memory_space<vmem_shared>>) offsets(%dma_start3A_406 : memref<128xi32, #tpu.memory_space<vmem>>) semaphore(%run_scoped3A_399 : memref<!tpu.dma_semaphore, #tpu.memory_space<semaphore_mem>>) {add = true}
        %dma_wait3A_410 = arith.constant 0 : i32
        %dma_wait3A_411 = arith.constant 0 : i32
        %dma_wait3A_412 = tpu.memref_slice %arg8[%run_scoped3A_307, %dma_wait3A_410, %dma_wait3A_411] : memref<8x128x16xf32, #tpu.memory_space<vmem>> -> memref<1x128x16xf32, #tpu.memory_space<vmem>>
        %dma_wait3A_413 = tpu.memref_squeeze %dma_wait3A_412 : memref<1x128x16xf32, #tpu.memory_space<vmem>> -> memref<128x16xf32, #tpu.memory_space<vmem>>
        %dma_wait3A_414 = arith.constant 0 : i32
        %dma_wait3A_415 = tpu.memref_slice %arg7[%add3A_295, %dma_wait3A_414] : memref<80x128xi32, #tpu.memory_space<vmem>> -> memref<1x128xi32, #tpu.memory_space<vmem>>
        %dma_wait3A_416 = tpu.memref_squeeze %dma_wait3A_415 : memref<1x128xi32, #tpu.memory_space<vmem>> -> memref<128xi32, #tpu.memory_space<vmem>>
        %dma_wait3A_417 = arith.constant 0 : i32
        %dma_wait3A_418 = arith.constant 0 : i32
        %dma_wait3A_419 = tpu.memref_slice %arg10[%dma_wait3A_417, %dma_wait3A_418] : memref<10240x16xf32, #tpu.memory_space<vmem_shared>> -> memref<10240x16xf32, #tpu.memory_space<vmem_shared>>
        tpu.wait_indirect_dma semaphore(%run_scoped3A_399 : memref<!tpu.dma_semaphore, #tpu.memory_space<semaphore_mem>>) src(%dma_wait3A_413 : memref<128x16xf32, #tpu.memory_space<vmem>>) dst(%dma_wait3A_419 : memref<10240x16xf32, #tpu.memory_space<vmem_shared>>)
        tpu.yield
      }) : () -> ()
      %add3A_308 = arith.constant 8 : i32
      %add3A_309 = arith.addi %add3A_295, %add3A_308 : i32
      %lt3A_310 = arith.constant 80 : i32
      %lt3A_311 = arith.cmpi slt, %add3A_309, %lt3A_310 : i32
      %convert_element_type3A_312 = arith.extui %lt3A_311 : i1 to i32
      %cond3A_313 = arith.constant 0 : i32
      %cond3A_314 = arith.cmpi ne, %convert_element_type3A_312, %cond3A_313 : i32
      scf.if %cond3A_314 {
        %add3A_399 = arith.constant 8 : i32
        %add3A_400 = arith.addi %add3A_295, %add3A_399 : i32
        %dma_start3A_401 = arith.constant 3 : i32
        %dma_start3A_402 = arith.constant 0 : i32
        %dma_start3A_403 = arith.constant 0 : i32
        %dma_start3A_404 = tpu.memref_slice %arg8[%dma_start3A_401, %dma_start3A_402, %dma_start3A_403] : memref<8x128x16xf32, #tpu.memory_space<vmem>> -> memref<1x128x16xf32, #tpu.memory_space<vmem>>
        %dma_start3A_405 = tpu.memref_squeeze %dma_start3A_404 : memref<1x128x16xf32, #tpu.memory_space<vmem>> -> memref<128x16xf32, #tpu.memory_space<vmem>>
        %dma_start3A_406 = arith.constant 0 : i32
        %dma_start3A_407 = tpu.memref_slice %arg6[%add3A_400, %dma_start3A_406] : memref<80x128xi32, #tpu.memory_space<vmem>> -> memref<1x128xi32, #tpu.memory_space<vmem>>
        %dma_start3A_408 = tpu.memref_squeeze %dma_start3A_407 : memref<1x128xi32, #tpu.memory_space<vmem>> -> memref<128xi32, #tpu.memory_space<vmem>>
        %dma_start3A_409 = arith.constant 0 : i32
        %dma_start3A_410 = arith.constant 0 : i32
        %dma_start3A_411 = tpu.memref_slice %arg11[%dma_start3A_409, %dma_start3A_410] : memref<10240x16xf32, #tpu.memory_space<vmem_shared>> -> memref<10240x16xf32, #tpu.memory_space<vmem_shared>>
        tpu.enqueue_indirect_dma source(%dma_start3A_411 : memref<10240x16xf32, #tpu.memory_space<vmem_shared>>) target(%dma_start3A_405 : memref<128x16xf32, #tpu.memory_space<vmem>>) offsets(%dma_start3A_408 : memref<128xi32, #tpu.memory_space<vmem>>) semaphore(%arg15 : memref<!tpu.dma_semaphore, #tpu.memory_space<semaphore_mem>>)
      } else {
      }
      %add3A_315 = arith.constant 4 : i32
      %add3A_316 = arith.addi %add3A_234, %add3A_315 : i32
      %dma_wait3A_317 = arith.constant 4 : i32
      %dma_wait3A_318 = arith.constant 0 : i32
      %dma_wait3A_319 = arith.constant 0 : i32
      %dma_wait3A_320 = tpu.memref_slice %arg8[%dma_wait3A_317, %dma_wait3A_318, %dma_wait3A_319] : memref<8x128x16xf32, #tpu.memory_space<vmem>> -> memref<1x128x16xf32, #tpu.memory_space<vmem>>
      %dma_wait3A_321 = tpu.memref_squeeze %dma_wait3A_320 : memref<1x128x16xf32, #tpu.memory_space<vmem>> -> memref<128x16xf32, #tpu.memory_space<vmem>>
      %dma_wait3A_322 = arith.constant 0 : i32
      %dma_wait3A_323 = tpu.memref_slice %arg6[%add3A_316, %dma_wait3A_322] : memref<80x128xi32, #tpu.memory_space<vmem>> -> memref<1x128xi32, #tpu.memory_space<vmem>>
      %dma_wait3A_324 = tpu.memref_squeeze %dma_wait3A_323 : memref<1x128xi32, #tpu.memory_space<vmem>> -> memref<128xi32, #tpu.memory_space<vmem>>
      %dma_wait3A_325 = arith.constant 0 : i32
      %dma_wait3A_326 = arith.constant 0 : i32
      %dma_wait3A_327 = tpu.memref_slice %arg11[%dma_wait3A_325, %dma_wait3A_326] : memref<10240x16xf32, #tpu.memory_space<vmem_shared>> -> memref<10240x16xf32, #tpu.memory_space<vmem_shared>>
      tpu.wait_indirect_dma semaphore(%arg16 : memref<!tpu.dma_semaphore, #tpu.memory_space<semaphore_mem>>) src(%dma_wait3A_327 : memref<10240x16xf32, #tpu.memory_space<vmem_shared>>) dst(%dma_wait3A_321 : memref<128x16xf32, #tpu.memory_space<vmem>>)
      %run_scoped3A_328 = arith.constant 4 : i32
      "tpu.region"() ({
        %run_scoped3A_399 = tpu.sem_alloc : memref<!tpu.dma_semaphore, #tpu.memory_space<semaphore_mem>>
        %dma_start3A_400 = arith.constant 0 : i32
        %dma_start3A_401 = arith.constant 0 : i32
        %dma_start3A_402 = tpu.memref_slice %arg8[%run_scoped3A_328, %dma_start3A_400, %dma_start3A_401] : memref<8x128x16xf32, #tpu.memory_space<vmem>> -> memref<1x128x16xf32, #tpu.memory_space<vmem>>
        %dma_start3A_403 = tpu.memref_squeeze %dma_start3A_402 : memref<1x128x16xf32, #tpu.memory_space<vmem>> -> memref<128x16xf32, #tpu.memory_space<vmem>>
        %dma_start3A_404 = arith.constant 0 : i32
        %dma_start3A_405 = tpu.memref_slice %arg7[%add3A_316, %dma_start3A_404] : memref<80x128xi32, #tpu.memory_space<vmem>> -> memref<1x128xi32, #tpu.memory_space<vmem>>
        %dma_start3A_406 = tpu.memref_squeeze %dma_start3A_405 : memref<1x128xi32, #tpu.memory_space<vmem>> -> memref<128xi32, #tpu.memory_space<vmem>>
        %dma_start3A_407 = arith.constant 0 : i32
        %dma_start3A_408 = arith.constant 0 : i32
        %dma_start3A_409 = tpu.memref_slice %arg10[%dma_start3A_407, %dma_start3A_408] : memref<10240x16xf32, #tpu.memory_space<vmem_shared>> -> memref<10240x16xf32, #tpu.memory_space<vmem_shared>>
        tpu.enqueue_indirect_dma source(%dma_start3A_403 : memref<128x16xf32, #tpu.memory_space<vmem>>) target(%dma_start3A_409 : memref<10240x16xf32, #tpu.memory_space<vmem_shared>>) offsets(%dma_start3A_406 : memref<128xi32, #tpu.memory_space<vmem>>) semaphore(%run_scoped3A_399 : memref<!tpu.dma_semaphore, #tpu.memory_space<semaphore_mem>>) {add = true}
        %dma_wait3A_410 = arith.constant 0 : i32
        %dma_wait3A_411 = arith.constant 0 : i32
        %dma_wait3A_412 = tpu.memref_slice %arg8[%run_scoped3A_328, %dma_wait3A_410, %dma_wait3A_411] : memref<8x128x16xf32, #tpu.memory_space<vmem>> -> memref<1x128x16xf32, #tpu.memory_space<vmem>>
        %dma_wait3A_413 = tpu.memref_squeeze %dma_wait3A_412 : memref<1x128x16xf32, #tpu.memory_space<vmem>> -> memref<128x16xf32, #tpu.memory_space<vmem>>
        %dma_wait3A_414 = arith.constant 0 : i32
        %dma_wait3A_415 = tpu.memref_slice %arg7[%add3A_316, %dma_wait3A_414] : memref<80x128xi32, #tpu.memory_space<vmem>> -> memref<1x128xi32, #tpu.memory_space<vmem>>
        %dma_wait3A_416 = tpu.memref_squeeze %dma_wait3A_415 : memref<1x128xi32, #tpu.memory_space<vmem>> -> memref<128xi32, #tpu.memory_space<vmem>>
        %dma_wait3A_417 = arith.constant 0 : i32
        %dma_wait3A_418 = arith.constant 0 : i32
        %dma_wait3A_419 = tpu.memref_slice %arg10[%dma_wait3A_417, %dma_wait3A_418] : memref<10240x16xf32, #tpu.memory_space<vmem_shared>> -> memref<10240x16xf32, #tpu.memory_space<vmem_shared>>
        tpu.wait_indirect_dma semaphore(%run_scoped3A_399 : memref<!tpu.dma_semaphore, #tpu.memory_space<semaphore_mem>>) src(%dma_wait3A_413 : memref<128x16xf32, #tpu.memory_space<vmem>>) dst(%dma_wait3A_419 : memref<10240x16xf32, #tpu.memory_space<vmem_shared>>)
        tpu.yield
      }) : () -> ()
      %add3A_329 = arith.constant 8 : i32
      %add3A_330 = arith.addi %add3A_316, %add3A_329 : i32
      %lt3A_331 = arith.constant 80 : i32
      %lt3A_332 = arith.cmpi slt, %add3A_330, %lt3A_331 : i32
      %convert_element_type3A_333 = arith.extui %lt3A_332 : i1 to i32
      %cond3A_334 = arith.constant 0 : i32
      %cond3A_335 = arith.cmpi ne, %convert_element_type3A_333, %cond3A_334 : i32
      scf.if %cond3A_335 {
        %add3A_399 = arith.constant 8 : i32
        %add3A_400 = arith.addi %add3A_316, %add3A_399 : i32
        %dma_start3A_401 = arith.constant 4 : i32
        %dma_start3A_402 = arith.constant 0 : i32
        %dma_start3A_403 = arith.constant 0 : i32
        %dma_start3A_404 = tpu.memref_slice %arg8[%dma_start3A_401, %dma_start3A_402, %dma_start3A_403] : memref<8x128x16xf32, #tpu.memory_space<vmem>> -> memref<1x128x16xf32, #tpu.memory_space<vmem>>
        %dma_start3A_405 = tpu.memref_squeeze %dma_start3A_404 : memref<1x128x16xf32, #tpu.memory_space<vmem>> -> memref<128x16xf32, #tpu.memory_space<vmem>>
        %dma_start3A_406 = arith.constant 0 : i32
        %dma_start3A_407 = tpu.memref_slice %arg6[%add3A_400, %dma_start3A_406] : memref<80x128xi32, #tpu.memory_space<vmem>> -> memref<1x128xi32, #tpu.memory_space<vmem>>
        %dma_start3A_408 = tpu.memref_squeeze %dma_start3A_407 : memref<1x128xi32, #tpu.memory_space<vmem>> -> memref<128xi32, #tpu.memory_space<vmem>>
        %dma_start3A_409 = arith.constant 0 : i32
        %dma_start3A_410 = arith.constant 0 : i32
        %dma_start3A_411 = tpu.memref_slice %arg11[%dma_start3A_409, %dma_start3A_410] : memref<10240x16xf32, #tpu.memory_space<vmem_shared>> -> memref<10240x16xf32, #tpu.memory_space<vmem_shared>>
        tpu.enqueue_indirect_dma source(%dma_start3A_411 : memref<10240x16xf32, #tpu.memory_space<vmem_shared>>) target(%dma_start3A_405 : memref<128x16xf32, #tpu.memory_space<vmem>>) offsets(%dma_start3A_408 : memref<128xi32, #tpu.memory_space<vmem>>) semaphore(%arg16 : memref<!tpu.dma_semaphore, #tpu.memory_space<semaphore_mem>>)
      } else {
      }
      %add3A_336 = arith.constant 5 : i32
      %add3A_337 = arith.addi %add3A_234, %add3A_336 : i32
      %dma_wait3A_338 = arith.constant 5 : i32
      %dma_wait3A_339 = arith.constant 0 : i32
      %dma_wait3A_340 = arith.constant 0 : i32
      %dma_wait3A_341 = tpu.memref_slice %arg8[%dma_wait3A_338, %dma_wait3A_339, %dma_wait3A_340] : memref<8x128x16xf32, #tpu.memory_space<vmem>> -> memref<1x128x16xf32, #tpu.memory_space<vmem>>
      %dma_wait3A_342 = tpu.memref_squeeze %dma_wait3A_341 : memref<1x128x16xf32, #tpu.memory_space<vmem>> -> memref<128x16xf32, #tpu.memory_space<vmem>>
      %dma_wait3A_343 = arith.constant 0 : i32
      %dma_wait3A_344 = tpu.memref_slice %arg6[%add3A_337, %dma_wait3A_343] : memref<80x128xi32, #tpu.memory_space<vmem>> -> memref<1x128xi32, #tpu.memory_space<vmem>>
      %dma_wait3A_345 = tpu.memref_squeeze %dma_wait3A_344 : memref<1x128xi32, #tpu.memory_space<vmem>> -> memref<128xi32, #tpu.memory_space<vmem>>
      %dma_wait3A_346 = arith.constant 0 : i32
      %dma_wait3A_347 = arith.constant 0 : i32
      %dma_wait3A_348 = tpu.memref_slice %arg11[%dma_wait3A_346, %dma_wait3A_347] : memref<10240x16xf32, #tpu.memory_space<vmem_shared>> -> memref<10240x16xf32, #tpu.memory_space<vmem_shared>>
      tpu.wait_indirect_dma semaphore(%arg17 : memref<!tpu.dma_semaphore, #tpu.memory_space<semaphore_mem>>) src(%dma_wait3A_348 : memref<10240x16xf32, #tpu.memory_space<vmem_shared>>) dst(%dma_wait3A_342 : memref<128x16xf32, #tpu.memory_space<vmem>>)
      %run_scoped3A_349 = arith.constant 5 : i32
      "tpu.region"() ({
        %run_scoped3A_399 = tpu.sem_alloc : memref<!tpu.dma_semaphore, #tpu.memory_space<semaphore_mem>>
        %dma_start3A_400 = arith.constant 0 : i32
        %dma_start3A_401 = arith.constant 0 : i32
        %dma_start3A_402 = tpu.memref_slice %arg8[%run_scoped3A_349, %dma_start3A_400, %dma_start3A_401] : memref<8x128x16xf32, #tpu.memory_space<vmem>> -> memref<1x128x16xf32, #tpu.memory_space<vmem>>
        %dma_start3A_403 = tpu.memref_squeeze %dma_start3A_402 : memref<1x128x16xf32, #tpu.memory_space<vmem>> -> memref<128x16xf32, #tpu.memory_space<vmem>>
        %dma_start3A_404 = arith.constant 0 : i32
        %dma_start3A_405 = tpu.memref_slice %arg7[%add3A_337, %dma_start3A_404] : memref<80x128xi32, #tpu.memory_space<vmem>> -> memref<1x128xi32, #tpu.memory_space<vmem>>
        %dma_start3A_406 = tpu.memref_squeeze %dma_start3A_405 : memref<1x128xi32, #tpu.memory_space<vmem>> -> memref<128xi32, #tpu.memory_space<vmem>>
        %dma_start3A_407 = arith.constant 0 : i32
        %dma_start3A_408 = arith.constant 0 : i32
        %dma_start3A_409 = tpu.memref_slice %arg10[%dma_start3A_407, %dma_start3A_408] : memref<10240x16xf32, #tpu.memory_space<vmem_shared>> -> memref<10240x16xf32, #tpu.memory_space<vmem_shared>>
        tpu.enqueue_indirect_dma source(%dma_start3A_403 : memref<128x16xf32, #tpu.memory_space<vmem>>) target(%dma_start3A_409 : memref<10240x16xf32, #tpu.memory_space<vmem_shared>>) offsets(%dma_start3A_406 : memref<128xi32, #tpu.memory_space<vmem>>) semaphore(%run_scoped3A_399 : memref<!tpu.dma_semaphore, #tpu.memory_space<semaphore_mem>>) {add = true}
        %dma_wait3A_410 = arith.constant 0 : i32
        %dma_wait3A_411 = arith.constant 0 : i32
        %dma_wait3A_412 = tpu.memref_slice %arg8[%run_scoped3A_349, %dma_wait3A_410, %dma_wait3A_411] : memref<8x128x16xf32, #tpu.memory_space<vmem>> -> memref<1x128x16xf32, #tpu.memory_space<vmem>>
        %dma_wait3A_413 = tpu.memref_squeeze %dma_wait3A_412 : memref<1x128x16xf32, #tpu.memory_space<vmem>> -> memref<128x16xf32, #tpu.memory_space<vmem>>
        %dma_wait3A_414 = arith.constant 0 : i32
        %dma_wait3A_415 = tpu.memref_slice %arg7[%add3A_337, %dma_wait3A_414] : memref<80x128xi32, #tpu.memory_space<vmem>> -> memref<1x128xi32, #tpu.memory_space<vmem>>
        %dma_wait3A_416 = tpu.memref_squeeze %dma_wait3A_415 : memref<1x128xi32, #tpu.memory_space<vmem>> -> memref<128xi32, #tpu.memory_space<vmem>>
        %dma_wait3A_417 = arith.constant 0 : i32
        %dma_wait3A_418 = arith.constant 0 : i32
        %dma_wait3A_419 = tpu.memref_slice %arg10[%dma_wait3A_417, %dma_wait3A_418] : memref<10240x16xf32, #tpu.memory_space<vmem_shared>> -> memref<10240x16xf32, #tpu.memory_space<vmem_shared>>
        tpu.wait_indirect_dma semaphore(%run_scoped3A_399 : memref<!tpu.dma_semaphore, #tpu.memory_space<semaphore_mem>>) src(%dma_wait3A_413 : memref<128x16xf32, #tpu.memory_space<vmem>>) dst(%dma_wait3A_419 : memref<10240x16xf32, #tpu.memory_space<vmem_shared>>)
        tpu.yield
      }) : () -> ()
      %add3A_350 = arith.constant 8 : i32
      %add3A_351 = arith.addi %add3A_337, %add3A_350 : i32
      %lt3A_352 = arith.constant 80 : i32
      %lt3A_353 = arith.cmpi slt, %add3A_351, %lt3A_352 : i32
      %convert_element_type3A_354 = arith.extui %lt3A_353 : i1 to i32
      %cond3A_355 = arith.constant 0 : i32
      %cond3A_356 = arith.cmpi ne, %convert_element_type3A_354, %cond3A_355 : i32
      scf.if %cond3A_356 {
        %add3A_399 = arith.constant 8 : i32
        %add3A_400 = arith.addi %add3A_337, %add3A_399 : i32
        %dma_start3A_401 = arith.constant 5 : i32
        %dma_start3A_402 = arith.constant 0 : i32
        %dma_start3A_403 = arith.constant 0 : i32
        %dma_start3A_404 = tpu.memref_slice %arg8[%dma_start3A_401, %dma_start3A_402, %dma_start3A_403] : memref<8x128x16xf32, #tpu.memory_space<vmem>> -> memref<1x128x16xf32, #tpu.memory_space<vmem>>
        %dma_start3A_405 = tpu.memref_squeeze %dma_start3A_404 : memref<1x128x16xf32, #tpu.memory_space<vmem>> -> memref<128x16xf32, #tpu.memory_space<vmem>>
        %dma_start3A_406 = arith.constant 0 : i32
        %dma_start3A_407 = tpu.memref_slice %arg6[%add3A_400, %dma_start3A_406] : memref<80x128xi32, #tpu.memory_space<vmem>> -> memref<1x128xi32, #tpu.memory_space<vmem>>
        %dma_start3A_408 = tpu.memref_squeeze %dma_start3A_407 : memref<1x128xi32, #tpu.memory_space<vmem>> -> memref<128xi32, #tpu.memory_space<vmem>>
        %dma_start3A_409 = arith.constant 0 : i32
        %dma_start3A_410 = arith.constant 0 : i32
        %dma_start3A_411 = tpu.memref_slice %arg11[%dma_start3A_409, %dma_start3A_410] : memref<10240x16xf32, #tpu.memory_space<vmem_shared>> -> memref<10240x16xf32, #tpu.memory_space<vmem_shared>>
        tpu.enqueue_indirect_dma source(%dma_start3A_411 : memref<10240x16xf32, #tpu.memory_space<vmem_shared>>) target(%dma_start3A_405 : memref<128x16xf32, #tpu.memory_space<vmem>>) offsets(%dma_start3A_408 : memref<128xi32, #tpu.memory_space<vmem>>) semaphore(%arg17 : memref<!tpu.dma_semaphore, #tpu.memory_space<semaphore_mem>>)
      } else {
      }
      %add3A_357 = arith.constant 6 : i32
      %add3A_358 = arith.addi %add3A_234, %add3A_357 : i32
      %dma_wait3A_359 = arith.constant 6 : i32
      %dma_wait3A_360 = arith.constant 0 : i32
      %dma_wait3A_361 = arith.constant 0 : i32
      %dma_wait3A_362 = tpu.memref_slice %arg8[%dma_wait3A_359, %dma_wait3A_360, %dma_wait3A_361] : memref<8x128x16xf32, #tpu.memory_space<vmem>> -> memref<1x128x16xf32, #tpu.memory_space<vmem>>
      %dma_wait3A_363 = tpu.memref_squeeze %dma_wait3A_362 : memref<1x128x16xf32, #tpu.memory_space<vmem>> -> memref<128x16xf32, #tpu.memory_space<vmem>>
      %dma_wait3A_364 = arith.constant 0 : i32
      %dma_wait3A_365 = tpu.memref_slice %arg6[%add3A_358, %dma_wait3A_364] : memref<80x128xi32, #tpu.memory_space<vmem>> -> memref<1x128xi32, #tpu.memory_space<vmem>>
      %dma_wait3A_366 = tpu.memref_squeeze %dma_wait3A_365 : memref<1x128xi32, #tpu.memory_space<vmem>> -> memref<128xi32, #tpu.memory_space<vmem>>
      %dma_wait3A_367 = arith.constant 0 : i32
      %dma_wait3A_368 = arith.constant 0 : i32
      %dma_wait3A_369 = tpu.memref_slice %arg11[%dma_wait3A_367, %dma_wait3A_368] : memref<10240x16xf32, #tpu.memory_space<vmem_shared>> -> memref<10240x16xf32, #tpu.memory_space<vmem_shared>>
      tpu.wait_indirect_dma semaphore(%arg18 : memref<!tpu.dma_semaphore, #tpu.memory_space<semaphore_mem>>) src(%dma_wait3A_369 : memref<10240x16xf32, #tpu.memory_space<vmem_shared>>) dst(%dma_wait3A_363 : memref<128x16xf32, #tpu.memory_space<vmem>>)
      %run_scoped3A_370 = arith.constant 6 : i32
      "tpu.region"() ({
        %run_scoped3A_399 = tpu.sem_alloc : memref<!tpu.dma_semaphore, #tpu.memory_space<semaphore_mem>>
        %dma_start3A_400 = arith.constant 0 : i32
        %dma_start3A_401 = arith.constant 0 : i32
        %dma_start3A_402 = tpu.memref_slice %arg8[%run_scoped3A_370, %dma_start3A_400, %dma_start3A_401] : memref<8x128x16xf32, #tpu.memory_space<vmem>> -> memref<1x128x16xf32, #tpu.memory_space<vmem>>
        %dma_start3A_403 = tpu.memref_squeeze %dma_start3A_402 : memref<1x128x16xf32, #tpu.memory_space<vmem>> -> memref<128x16xf32, #tpu.memory_space<vmem>>
        %dma_start3A_404 = arith.constant 0 : i32
        %dma_start3A_405 = tpu.memref_slice %arg7[%add3A_358, %dma_start3A_404] : memref<80x128xi32, #tpu.memory_space<vmem>> -> memref<1x128xi32, #tpu.memory_space<vmem>>
        %dma_start3A_406 = tpu.memref_squeeze %dma_start3A_405 : memref<1x128xi32, #tpu.memory_space<vmem>> -> memref<128xi32, #tpu.memory_space<vmem>>
        %dma_start3A_407 = arith.constant 0 : i32
        %dma_start3A_408 = arith.constant 0 : i32
        %dma_start3A_409 = tpu.memref_slice %arg10[%dma_start3A_407, %dma_start3A_408] : memref<10240x16xf32, #tpu.memory_space<vmem_shared>> -> memref<10240x16xf32, #tpu.memory_space<vmem_shared>>
        tpu.enqueue_indirect_dma source(%dma_start3A_403 : memref<128x16xf32, #tpu.memory_space<vmem>>) target(%dma_start3A_409 : memref<10240x16xf32, #tpu.memory_space<vmem_shared>>) offsets(%dma_start3A_406 : memref<128xi32, #tpu.memory_space<vmem>>) semaphore(%run_scoped3A_399 : memref<!tpu.dma_semaphore, #tpu.memory_space<semaphore_mem>>) {add = true}
        %dma_wait3A_410 = arith.constant 0 : i32
        %dma_wait3A_411 = arith.constant 0 : i32
        %dma_wait3A_412 = tpu.memref_slice %arg8[%run_scoped3A_370, %dma_wait3A_410, %dma_wait3A_411] : memref<8x128x16xf32, #tpu.memory_space<vmem>> -> memref<1x128x16xf32, #tpu.memory_space<vmem>>
        %dma_wait3A_413 = tpu.memref_squeeze %dma_wait3A_412 : memref<1x128x16xf32, #tpu.memory_space<vmem>> -> memref<128x16xf32, #tpu.memory_space<vmem>>
        %dma_wait3A_414 = arith.constant 0 : i32
        %dma_wait3A_415 = tpu.memref_slice %arg7[%add3A_358, %dma_wait3A_414] : memref<80x128xi32, #tpu.memory_space<vmem>> -> memref<1x128xi32, #tpu.memory_space<vmem>>
        %dma_wait3A_416 = tpu.memref_squeeze %dma_wait3A_415 : memref<1x128xi32, #tpu.memory_space<vmem>> -> memref<128xi32, #tpu.memory_space<vmem>>
        %dma_wait3A_417 = arith.constant 0 : i32
        %dma_wait3A_418 = arith.constant 0 : i32
        %dma_wait3A_419 = tpu.memref_slice %arg10[%dma_wait3A_417, %dma_wait3A_418] : memref<10240x16xf32, #tpu.memory_space<vmem_shared>> -> memref<10240x16xf32, #tpu.memory_space<vmem_shared>>
        tpu.wait_indirect_dma semaphore(%run_scoped3A_399 : memref<!tpu.dma_semaphore, #tpu.memory_space<semaphore_mem>>) src(%dma_wait3A_413 : memref<128x16xf32, #tpu.memory_space<vmem>>) dst(%dma_wait3A_419 : memref<10240x16xf32, #tpu.memory_space<vmem_shared>>)
        tpu.yield
      }) : () -> ()
      %add3A_371 = arith.constant 8 : i32
      %add3A_372 = arith.addi %add3A_358, %add3A_371 : i32
      %lt3A_373 = arith.constant 80 : i32
      %lt3A_374 = arith.cmpi slt, %add3A_372, %lt3A_373 : i32
      %convert_element_type3A_375 = arith.extui %lt3A_374 : i1 to i32
      %cond3A_376 = arith.constant 0 : i32
      %cond3A_377 = arith.cmpi ne, %convert_element_type3A_375, %cond3A_376 : i32
      scf.if %cond3A_377 {
        %add3A_399 = arith.constant 8 : i32
        %add3A_400 = arith.addi %add3A_358, %add3A_399 : i32
        %dma_start3A_401 = arith.constant 6 : i32
        %dma_start3A_402 = arith.constant 0 : i32
        %dma_start3A_403 = arith.constant 0 : i32
        %dma_start3A_404 = tpu.memref_slice %arg8[%dma_start3A_401, %dma_start3A_402, %dma_start3A_403] : memref<8x128x16xf32, #tpu.memory_space<vmem>> -> memref<1x128x16xf32, #tpu.memory_space<vmem>>
        %dma_start3A_405 = tpu.memref_squeeze %dma_start3A_404 : memref<1x128x16xf32, #tpu.memory_space<vmem>> -> memref<128x16xf32, #tpu.memory_space<vmem>>
        %dma_start3A_406 = arith.constant 0 : i32
        %dma_start3A_407 = tpu.memref_slice %arg6[%add3A_400, %dma_start3A_406] : memref<80x128xi32, #tpu.memory_space<vmem>> -> memref<1x128xi32, #tpu.memory_space<vmem>>
        %dma_start3A_408 = tpu.memref_squeeze %dma_start3A_407 : memref<1x128xi32, #tpu.memory_space<vmem>> -> memref<128xi32, #tpu.memory_space<vmem>>
        %dma_start3A_409 = arith.constant 0 : i32
        %dma_start3A_410 = arith.constant 0 : i32
        %dma_start3A_411 = tpu.memref_slice %arg11[%dma_start3A_409, %dma_start3A_410] : memref<10240x16xf32, #tpu.memory_space<vmem_shared>> -> memref<10240x16xf32, #tpu.memory_space<vmem_shared>>
        tpu.enqueue_indirect_dma source(%dma_start3A_411 : memref<10240x16xf32, #tpu.memory_space<vmem_shared>>) target(%dma_start3A_405 : memref<128x16xf32, #tpu.memory_space<vmem>>) offsets(%dma_start3A_408 : memref<128xi32, #tpu.memory_space<vmem>>) semaphore(%arg18 : memref<!tpu.dma_semaphore, #tpu.memory_space<semaphore_mem>>)
      } else {
      }
      %add3A_378 = arith.constant 7 : i32
      %add3A_379 = arith.addi %add3A_234, %add3A_378 : i32
      %dma_wait3A_380 = arith.constant 7 : i32
      %dma_wait3A_381 = arith.constant 0 : i32
      %dma_wait3A_382 = arith.constant 0 : i32
      %dma_wait3A_383 = tpu.memref_slice %arg8[%dma_wait3A_380, %dma_wait3A_381, %dma_wait3A_382] : memref<8x128x16xf32, #tpu.memory_space<vmem>> -> memref<1x128x16xf32, #tpu.memory_space<vmem>>
      %dma_wait3A_384 = tpu.memref_squeeze %dma_wait3A_383 : memref<1x128x16xf32, #tpu.memory_space<vmem>> -> memref<128x16xf32, #tpu.memory_space<vmem>>
      %dma_wait3A_385 = arith.constant 0 : i32
      %dma_wait3A_386 = tpu.memref_slice %arg6[%add3A_379, %dma_wait3A_385] : memref<80x128xi32, #tpu.memory_space<vmem>> -> memref<1x128xi32, #tpu.memory_space<vmem>>
      %dma_wait3A_387 = tpu.memref_squeeze %dma_wait3A_386 : memref<1x128xi32, #tpu.memory_space<vmem>> -> memref<128xi32, #tpu.memory_space<vmem>>
      %dma_wait3A_388 = arith.constant 0 : i32
      %dma_wait3A_389 = arith.constant 0 : i32
      %dma_wait3A_390 = tpu.memref_slice %arg11[%dma_wait3A_388, %dma_wait3A_389] : memref<10240x16xf32, #tpu.memory_space<vmem_shared>> -> memref<10240x16xf32, #tpu.memory_space<vmem_shared>>
      tpu.wait_indirect_dma semaphore(%arg19 : memref<!tpu.dma_semaphore, #tpu.memory_space<semaphore_mem>>) src(%dma_wait3A_390 : memref<10240x16xf32, #tpu.memory_space<vmem_shared>>) dst(%dma_wait3A_384 : memref<128x16xf32, #tpu.memory_space<vmem>>)
      %run_scoped3A_391 = arith.constant 7 : i32
      "tpu.region"() ({
        %run_scoped3A_399 = tpu.sem_alloc : memref<!tpu.dma_semaphore, #tpu.memory_space<semaphore_mem>>
        %dma_start3A_400 = arith.constant 0 : i32
        %dma_start3A_401 = arith.constant 0 : i32
        %dma_start3A_402 = tpu.memref_slice %arg8[%run_scoped3A_391, %dma_start3A_400, %dma_start3A_401] : memref<8x128x16xf32, #tpu.memory_space<vmem>> -> memref<1x128x16xf32, #tpu.memory_space<vmem>>
        %dma_start3A_403 = tpu.memref_squeeze %dma_start3A_402 : memref<1x128x16xf32, #tpu.memory_space<vmem>> -> memref<128x16xf32, #tpu.memory_space<vmem>>
        %dma_start3A_404 = arith.constant 0 : i32
        %dma_start3A_405 = tpu.memref_slice %arg7[%add3A_379, %dma_start3A_404] : memref<80x128xi32, #tpu.memory_space<vmem>> -> memref<1x128xi32, #tpu.memory_space<vmem>>
        %dma_start3A_406 = tpu.memref_squeeze %dma_start3A_405 : memref<1x128xi32, #tpu.memory_space<vmem>> -> memref<128xi32, #tpu.memory_space<vmem>>
        %dma_start3A_407 = arith.constant 0 : i32
        %dma_start3A_408 = arith.constant 0 : i32
        %dma_start3A_409 = tpu.memref_slice %arg10[%dma_start3A_407, %dma_start3A_408] : memref<10240x16xf32, #tpu.memory_space<vmem_shared>> -> memref<10240x16xf32, #tpu.memory_space<vmem_shared>>
        tpu.enqueue_indirect_dma source(%dma_start3A_403 : memref<128x16xf32, #tpu.memory_space<vmem>>) target(%dma_start3A_409 : memref<10240x16xf32, #tpu.memory_space<vmem_shared>>) offsets(%dma_start3A_406 : memref<128xi32, #tpu.memory_space<vmem>>) semaphore(%run_scoped3A_399 : memref<!tpu.dma_semaphore, #tpu.memory_space<semaphore_mem>>) {add = true}
        %dma_wait3A_410 = arith.constant 0 : i32
        %dma_wait3A_411 = arith.constant 0 : i32
        %dma_wait3A_412 = tpu.memref_slice %arg8[%run_scoped3A_391, %dma_wait3A_410, %dma_wait3A_411] : memref<8x128x16xf32, #tpu.memory_space<vmem>> -> memref<1x128x16xf32, #tpu.memory_space<vmem>>
        %dma_wait3A_413 = tpu.memref_squeeze %dma_wait3A_412 : memref<1x128x16xf32, #tpu.memory_space<vmem>> -> memref<128x16xf32, #tpu.memory_space<vmem>>
        %dma_wait3A_414 = arith.constant 0 : i32
        %dma_wait3A_415 = tpu.memref_slice %arg7[%add3A_379, %dma_wait3A_414] : memref<80x128xi32, #tpu.memory_space<vmem>> -> memref<1x128xi32, #tpu.memory_space<vmem>>
        %dma_wait3A_416 = tpu.memref_squeeze %dma_wait3A_415 : memref<1x128xi32, #tpu.memory_space<vmem>> -> memref<128xi32, #tpu.memory_space<vmem>>
        %dma_wait3A_417 = arith.constant 0 : i32
        %dma_wait3A_418 = arith.constant 0 : i32
        %dma_wait3A_419 = tpu.memref_slice %arg10[%dma_wait3A_417, %dma_wait3A_418] : memref<10240x16xf32, #tpu.memory_space<vmem_shared>> -> memref<10240x16xf32, #tpu.memory_space<vmem_shared>>
        tpu.wait_indirect_dma semaphore(%run_scoped3A_399 : memref<!tpu.dma_semaphore, #tpu.memory_space<semaphore_mem>>) src(%dma_wait3A_413 : memref<128x16xf32, #tpu.memory_space<vmem>>) dst(%dma_wait3A_419 : memref<10240x16xf32, #tpu.memory_space<vmem_shared>>)
        tpu.yield
      }) : () -> ()
      %add3A_392 = arith.constant 8 : i32
      %add3A_393 = arith.addi %add3A_379, %add3A_392 : i32
      %lt3A_394 = arith.constant 80 : i32
      %lt3A_395 = arith.cmpi slt, %add3A_393, %lt3A_394 : i32
      %convert_element_type3A_396 = arith.extui %lt3A_395 : i1 to i32
      %cond3A_397 = arith.constant 0 : i32
      %cond3A_398 = arith.cmpi ne, %convert_element_type3A_396, %cond3A_397 : i32
      scf.if %cond3A_398 {
        %add3A_399 = arith.constant 8 : i32
        %add3A_400 = arith.addi %add3A_379, %add3A_399 : i32
        %dma_start3A_401 = arith.constant 7 : i32
        %dma_start3A_402 = arith.constant 0 : i32
        %dma_start3A_403 = arith.constant 0 : i32
        %dma_start3A_404 = tpu.memref_slice %arg8[%dma_start3A_401, %dma_start3A_402, %dma_start3A_403] : memref<8x128x16xf32, #tpu.memory_space<vmem>> -> memref<1x128x16xf32, #tpu.memory_space<vmem>>
        %dma_start3A_405 = tpu.memref_squeeze %dma_start3A_404 : memref<1x128x16xf32, #tpu.memory_space<vmem>> -> memref<128x16xf32, #tpu.memory_space<vmem>>
        %dma_start3A_406 = arith.constant 0 : i32
        %dma_start3A_407 = tpu.memref_slice %arg6[%add3A_400, %dma_start3A_406] : memref<80x128xi32, #tpu.memory_space<vmem>> -> memref<1x128xi32, #tpu.memory_space<vmem>>
        %dma_start3A_408 = tpu.memref_squeeze %dma_start3A_407 : memref<1x128xi32, #tpu.memory_space<vmem>> -> memref<128xi32, #tpu.memory_space<vmem>>
        %dma_start3A_409 = arith.constant 0 : i32
        %dma_start3A_410 = arith.constant 0 : i32
        %dma_start3A_411 = tpu.memref_slice %arg11[%dma_start3A_409, %dma_start3A_410] : memref<10240x16xf32, #tpu.memory_space<vmem_shared>> -> memref<10240x16xf32, #tpu.memory_space<vmem_shared>>
        tpu.enqueue_indirect_dma source(%dma_start3A_411 : memref<10240x16xf32, #tpu.memory_space<vmem_shared>>) target(%dma_start3A_405 : memref<128x16xf32, #tpu.memory_space<vmem>>) offsets(%dma_start3A_408 : memref<128xi32, #tpu.memory_space<vmem>>) semaphore(%arg19 : memref<!tpu.dma_semaphore, #tpu.memory_space<semaphore_mem>>)
      } else {
      }
    }
    %scan3A_224 = arith.constant 10 : i32
    %barrier3A_225 = arith.constant 0 : index
    tpu.barrier barrier_id(%barrier3A_225)
    %mul3A_226 = arith.constant 640 : i32
    %mul3A_227 = arith.muli %arg1, %mul3A_226 : i32
    %mul3A_228 = arith.constant 640 : i32
    %mul3A_229 = arith.muli %arg1, %mul3A_228 : i32
    "tpu.region"() ({
      %run_scoped3A = tpu.sem_alloc : memref<!tpu.dma_semaphore, #tpu.memory_space<semaphore_mem>>
      %dma_start3A_230 = arith.constant 0 : i32
      %dma_start3A_231 = tpu.memref_slice %arg5[%arg0, %mul3A_229, %dma_start3A_230] : memref<2x10240x16xf32, #tpu.memory_space<hbm>> -> memref<1x640x16xf32, #tpu.memory_space<hbm>>
      %dma_start3A_232 = tpu.memref_squeeze %dma_start3A_231 : memref<1x640x16xf32, #tpu.memory_space<hbm>> -> memref<640x16xf32, #tpu.memory_space<hbm>>
      %dma_start3A_233 = arith.constant 0 : i32
      %dma_start3A_234 = tpu.memref_slice %arg10[%mul3A_227, %dma_start3A_233] : memref<10240x16xf32, #tpu.memory_space<vmem_shared>> -> memref<640x16xf32, #tpu.memory_space<vmem_shared>>
      tpu.enqueue_dma source(%dma_start3A_234 : memref<640x16xf32, #tpu.memory_space<vmem_shared>>) target(%dma_start3A_232 : memref<640x16xf32, #tpu.memory_space<hbm>>) target_semaphore(%run_scoped3A : memref<!tpu.dma_semaphore, #tpu.memory_space<semaphore_mem>>)
      %dma_wait3A_235 = arith.constant 0 : i32
      %dma_wait3A_236 = tpu.memref_slice %arg5[%arg0, %mul3A_229, %dma_wait3A_235] : memref<2x10240x16xf32, #tpu.memory_space<hbm>> -> memref<1x640x16xf32, #tpu.memory_space<hbm>>
      %dma_wait3A_237 = tpu.memref_squeeze %dma_wait3A_236 : memref<1x640x16xf32, #tpu.memory_space<hbm>> -> memref<640x16xf32, #tpu.memory_space<hbm>>
      %dma_wait3A_238 = arith.constant 0 : i32
      %dma_wait3A_239 = tpu.memref_slice %arg10[%mul3A_227, %dma_wait3A_238] : memref<10240x16xf32, #tpu.memory_space<vmem_shared>> -> memref<640x16xf32, #tpu.memory_space<vmem_shared>>
      tpu.wait_dma2 semaphore(%run_scoped3A : memref<!tpu.dma_semaphore, #tpu.memory_space<semaphore_mem>>) src(%dma_wait3A_239 : memref<640x16xf32, #tpu.memory_space<vmem_shared>>) dst(%dma_wait3A_237 : memref<640x16xf32, #tpu.memory_space<hbm>>)
      tpu.yield
    }) : () -> ()
    return
  }
}

#map = affine_map<(d0, d1) -> (0, 0, 0)>
#map1 = affine_map<(d0, d1) -> (0, 0)>
#map2 = affine_map<(d0, d1) -> (0)>
#map3 = affine_map<(d0, d1) -> (0, 0, 0, 0)>
module attributes {stable_mosaic.version = 14 : i64} {
  func.func @k(%arg0: i32, %arg1: i32, %arg2: memref<2x10240x16xf32, #tpu.memory_space<hbm>>, %arg3: memref<10240x16xf32, #tpu.memory_space<hbm>>, %arg4: memref<16xf32, #tpu.memory_space<hbm>>, %arg5: memref<2x32x80x128xi32, #tpu.memory_space<hbm>>, %arg6: memref<128x16xf32, #tpu.memory_space<hbm>>, %arg7: memref<2x10240x16xf32, #tpu.memory_space<hbm>>, %arg8: memref<10240x16xf32, #tpu.memory_space<hbm>>, %arg9: memref<80x128xi32, #tpu.memory_space<vmem>>, %arg10: memref<80x128xi32, #tpu.memory_space<vmem>>, %arg11: memref<8x128x16xf32, #tpu.memory_space<vmem>>, %arg12: memref<128x16xf32, #tpu.memory_space<vmem>>, %arg13: memref<10240x16xf32, #tpu.memory_space<vmem_shared>>, %arg14: memref<10240x16xf32, #tpu.memory_space<vmem_shared>>, %arg15: memref<!tpu.dma_semaphore, #tpu.memory_space<semaphore_mem>>, %arg16: memref<!tpu.dma_semaphore, #tpu.memory_space<semaphore_mem>>, %arg17: memref<!tpu.dma_semaphore, #tpu.memory_space<semaphore_mem>>, %arg18: memref<!tpu.dma_semaphore, #tpu.memory_space<semaphore_mem>>, %arg19: memref<!tpu.dma_semaphore, #tpu.memory_space<semaphore_mem>>, %arg20: memref<!tpu.dma_semaphore, #tpu.memory_space<semaphore_mem>>, %arg21: memref<!tpu.dma_semaphore, #tpu.memory_space<semaphore_mem>>, %arg22: memref<!tpu.dma_semaphore, #tpu.memory_space<semaphore_mem>>, %arg23: memref<640x16xf32, #tpu.memory_space<vmem>>, %arg24: memref<640x16xf32, #tpu.memory_space<vmem>>, %arg25: memref<640x16xf32, #tpu.memory_space<vmem>>, %arg26: memref<16xf32, #tpu.memory_space<vmem>>) attributes {dimension_semantics = [#tpu.dimension_semantics<core_parallel>, #tpu.dimension_semantics<subcore_parallel>], iteration_bounds = array<i64: 2, 16>, scalar_prefetch = 0 : i64, scratch_operands = 18 : i64, tpu.core_type = #tpu.core_type<sc_vector_subcore>, window_params = [{transform_indices = #map}, {transform_indices = #map1}, {transform_indices = #map2}, {transform_indices = #map3}, {transform_indices = #map1}, {transform_indices = #map}, {transform_indices = #map1}]} {
    %mul3A = arith.constant 16 : i32
    %mul3A_0 = arith.muli %arg0, %mul3A : i32
    %add3A = arith.addi %mul3A_0, %arg1 : i32
    %mul3A_1 = arith.constant 640 : i32
    %mul3A_2 = arith.muli %arg1, %mul3A_1 : i32
    %dma_start3A = arith.constant 0 : i32
    %dma_start3A_3 = arith.constant 0 : i32
    %dma_start3A_4 = arith.constant 0 : i32
    %dma_start3A_5 = tpu.memref_slice %arg5[%dma_start3A, %add3A, %dma_start3A_3, %dma_start3A_4] : memref<2x32x80x128xi32, #tpu.memory_space<hbm>> -> memref<1x1x80x128xi32, #tpu.memory_space<hbm>>
    %dma_start3A_6 = tpu.memref_squeeze %dma_start3A_5 : memref<1x1x80x128xi32, #tpu.memory_space<hbm>> -> memref<80x128xi32, #tpu.memory_space<hbm>>
    %dma_start3A_7 = arith.constant 0 : i32
    %dma_start3A_8 = arith.constant 0 : i32
    %dma_start3A_9 = tpu.memref_slice %arg5[%dma_start3A, %add3A, %dma_start3A_7, %dma_start3A_8] : memref<2x32x80x128xi32, #tpu.memory_space<hbm>> -> memref<1x1x80x128xi32, #tpu.memory_space<hbm>>
    %dma_start3A_10 = tpu.memref_squeeze %dma_start3A_9 : memref<1x1x80x128xi32, #tpu.memory_space<hbm>> -> memref<80x128xi32, #tpu.memory_space<hbm>>
    tpu.enqueue_dma source(%dma_start3A_10 : memref<80x128xi32, #tpu.memory_space<hbm>>) target(%arg9 : memref<80x128xi32, #tpu.memory_space<vmem>>) target_semaphore(%arg15 : memref<!tpu.dma_semaphore, #tpu.memory_space<semaphore_mem>>)
    %dma_start3A_11 = arith.constant 1 : i32
    %dma_start3A_12 = arith.constant 0 : i32
    %dma_start3A_13 = arith.constant 0 : i32
    %dma_start3A_14 = tpu.memref_slice %arg5[%dma_start3A_11, %add3A, %dma_start3A_12, %dma_start3A_13] : memref<2x32x80x128xi32, #tpu.memory_space<hbm>> -> memref<1x1x80x128xi32, #tpu.memory_space<hbm>>
    %dma_start3A_15 = tpu.memref_squeeze %dma_start3A_14 : memref<1x1x80x128xi32, #tpu.memory_space<hbm>> -> memref<80x128xi32, #tpu.memory_space<hbm>>
    %dma_start3A_16 = arith.constant 0 : i32
    %dma_start3A_17 = arith.constant 0 : i32
    %dma_start3A_18 = tpu.memref_slice %arg5[%dma_start3A_11, %add3A, %dma_start3A_16, %dma_start3A_17] : memref<2x32x80x128xi32, #tpu.memory_space<hbm>> -> memref<1x1x80x128xi32, #tpu.memory_space<hbm>>
    %dma_start3A_19 = tpu.memref_squeeze %dma_start3A_18 : memref<1x1x80x128xi32, #tpu.memory_space<hbm>> -> memref<80x128xi32, #tpu.memory_space<hbm>>
    tpu.enqueue_dma source(%dma_start3A_19 : memref<80x128xi32, #tpu.memory_space<hbm>>) target(%arg10 : memref<80x128xi32, #tpu.memory_space<vmem>>) target_semaphore(%arg16 : memref<!tpu.dma_semaphore, #tpu.memory_space<semaphore_mem>>)
    %dma_start3A_20 = arith.constant 0 : i32
    %dma_start3A_21 = arith.constant 0 : i32
    %dma_start3A_22 = tpu.memref_slice %arg2[%dma_start3A_20, %mul3A_2, %dma_start3A_21] : memref<2x10240x16xf32, #tpu.memory_space<hbm>> -> memref<1x640x16xf32, #tpu.memory_space<hbm>>
    %dma_start3A_23 = tpu.memref_squeeze %dma_start3A_22 : memref<1x640x16xf32, #tpu.memory_space<hbm>> -> memref<640x16xf32, #tpu.memory_space<hbm>>
    %dma_start3A_24 = arith.constant 0 : i32
    %dma_start3A_25 = tpu.memref_slice %arg2[%dma_start3A_20, %mul3A_2, %dma_start3A_24] : memref<2x10240x16xf32, #tpu.memory_space<hbm>> -> memref<1x640x16xf32, #tpu.memory_space<hbm>>
    %dma_start3A_26 = tpu.memref_squeeze %dma_start3A_25 : memref<1x640x16xf32, #tpu.memory_space<hbm>> -> memref<640x16xf32, #tpu.memory_space<hbm>>
    tpu.enqueue_dma source(%dma_start3A_26 : memref<640x16xf32, #tpu.memory_space<hbm>>) target(%arg23 : memref<640x16xf32, #tpu.memory_space<vmem>>) target_semaphore(%arg17 : memref<!tpu.dma_semaphore, #tpu.memory_space<semaphore_mem>>)
    %dma_start3A_27 = arith.constant 1 : i32
    %dma_start3A_28 = arith.constant 0 : i32
    %dma_start3A_29 = tpu.memref_slice %arg2[%dma_start3A_27, %mul3A_2, %dma_start3A_28] : memref<2x10240x16xf32, #tpu.memory_space<hbm>> -> memref<1x640x16xf32, #tpu.memory_space<hbm>>
    %dma_start3A_30 = tpu.memref_squeeze %dma_start3A_29 : memref<1x640x16xf32, #tpu.memory_space<hbm>> -> memref<640x16xf32, #tpu.memory_space<hbm>>
    %dma_start3A_31 = arith.constant 0 : i32
    %dma_start3A_32 = tpu.memref_slice %arg2[%dma_start3A_27, %mul3A_2, %dma_start3A_31] : memref<2x10240x16xf32, #tpu.memory_space<hbm>> -> memref<1x640x16xf32, #tpu.memory_space<hbm>>
    %dma_start3A_33 = tpu.memref_squeeze %dma_start3A_32 : memref<1x640x16xf32, #tpu.memory_space<hbm>> -> memref<640x16xf32, #tpu.memory_space<hbm>>
    tpu.enqueue_dma source(%dma_start3A_33 : memref<640x16xf32, #tpu.memory_space<hbm>>) target(%arg24 : memref<640x16xf32, #tpu.memory_space<vmem>>) target_semaphore(%arg18 : memref<!tpu.dma_semaphore, #tpu.memory_space<semaphore_mem>>)
    %dma_start3A_34 = arith.constant 0 : i32
    %dma_start3A_35 = tpu.memref_slice %arg3[%mul3A_2, %dma_start3A_34] : memref<10240x16xf32, #tpu.memory_space<hbm>> -> memref<640x16xf32, #tpu.memory_space<hbm>>
    %dma_start3A_36 = arith.constant 0 : i32
    %dma_start3A_37 = tpu.memref_slice %arg3[%mul3A_2, %dma_start3A_36] : memref<10240x16xf32, #tpu.memory_space<hbm>> -> memref<640x16xf32, #tpu.memory_space<hbm>>
    tpu.enqueue_dma source(%dma_start3A_37 : memref<640x16xf32, #tpu.memory_space<hbm>>) target(%arg25 : memref<640x16xf32, #tpu.memory_space<vmem>>) target_semaphore(%arg19 : memref<!tpu.dma_semaphore, #tpu.memory_space<semaphore_mem>>)
    tpu.enqueue_dma source(%arg4 : memref<16xf32, #tpu.memory_space<hbm>>) target(%arg26 : memref<16xf32, #tpu.memory_space<vmem>>) target_semaphore(%arg20 : memref<!tpu.dma_semaphore, #tpu.memory_space<semaphore_mem>>)
    tpu.enqueue_dma source(%arg6 : memref<128x16xf32, #tpu.memory_space<hbm>>) target(%arg12 : memref<128x16xf32, #tpu.memory_space<vmem>>) target_semaphore(%arg21 : memref<!tpu.dma_semaphore, #tpu.memory_space<semaphore_mem>>)
    tpu.wait_dma2 semaphore(%arg21 : memref<!tpu.dma_semaphore, #tpu.memory_space<semaphore_mem>>) src(%arg6 : memref<128x16xf32, #tpu.memory_space<hbm>>) dst(%arg12 : memref<128x16xf32, #tpu.memory_space<vmem>>)
    %dma_wait3A = arith.constant 0 : i32
    %dma_wait3A_38 = arith.constant 0 : i32
    %dma_wait3A_39 = tpu.memref_slice %arg2[%dma_wait3A, %mul3A_2, %dma_wait3A_38] : memref<2x10240x16xf32, #tpu.memory_space<hbm>> -> memref<1x640x16xf32, #tpu.memory_space<hbm>>
    %dma_wait3A_40 = tpu.memref_squeeze %dma_wait3A_39 : memref<1x640x16xf32, #tpu.memory_space<hbm>> -> memref<640x16xf32, #tpu.memory_space<hbm>>
    %dma_wait3A_41 = arith.constant 0 : i32
    %dma_wait3A_42 = tpu.memref_slice %arg2[%dma_wait3A, %mul3A_2, %dma_wait3A_41] : memref<2x10240x16xf32, #tpu.memory_space<hbm>> -> memref<1x640x16xf32, #tpu.memory_space<hbm>>
    %dma_wait3A_43 = tpu.memref_squeeze %dma_wait3A_42 : memref<1x640x16xf32, #tpu.memory_space<hbm>> -> memref<640x16xf32, #tpu.memory_space<hbm>>
    tpu.wait_dma2 semaphore(%arg17 : memref<!tpu.dma_semaphore, #tpu.memory_space<semaphore_mem>>) src(%dma_wait3A_43 : memref<640x16xf32, #tpu.memory_space<hbm>>) dst(%arg23 : memref<640x16xf32, #tpu.memory_space<vmem>>)
    %dma_wait3A_44 = arith.constant 1 : i32
    %dma_wait3A_45 = arith.constant 0 : i32
    %dma_wait3A_46 = tpu.memref_slice %arg2[%dma_wait3A_44, %mul3A_2, %dma_wait3A_45] : memref<2x10240x16xf32, #tpu.memory_space<hbm>> -> memref<1x640x16xf32, #tpu.memory_space<hbm>>
    %dma_wait3A_47 = tpu.memref_squeeze %dma_wait3A_46 : memref<1x640x16xf32, #tpu.memory_space<hbm>> -> memref<640x16xf32, #tpu.memory_space<hbm>>
    %dma_wait3A_48 = arith.constant 0 : i32
    %dma_wait3A_49 = tpu.memref_slice %arg2[%dma_wait3A_44, %mul3A_2, %dma_wait3A_48] : memref<2x10240x16xf32, #tpu.memory_space<hbm>> -> memref<1x640x16xf32, #tpu.memory_space<hbm>>
    %dma_wait3A_50 = tpu.memref_squeeze %dma_wait3A_49 : memref<1x640x16xf32, #tpu.memory_space<hbm>> -> memref<640x16xf32, #tpu.memory_space<hbm>>
    tpu.wait_dma2 semaphore(%arg18 : memref<!tpu.dma_semaphore, #tpu.memory_space<semaphore_mem>>) src(%dma_wait3A_50 : memref<640x16xf32, #tpu.memory_space<hbm>>) dst(%arg24 : memref<640x16xf32, #tpu.memory_space<vmem>>)
    %dma_wait3A_51 = arith.constant 0 : i32
    %dma_wait3A_52 = tpu.memref_slice %arg3[%mul3A_2, %dma_wait3A_51] : memref<10240x16xf32, #tpu.memory_space<hbm>> -> memref<640x16xf32, #tpu.memory_space<hbm>>
    %dma_wait3A_53 = arith.constant 0 : i32
    %dma_wait3A_54 = tpu.memref_slice %arg3[%mul3A_2, %dma_wait3A_53] : memref<10240x16xf32, #tpu.memory_space<hbm>> -> memref<640x16xf32, #tpu.memory_space<hbm>>
    tpu.wait_dma2 semaphore(%arg19 : memref<!tpu.dma_semaphore, #tpu.memory_space<semaphore_mem>>) src(%dma_wait3A_54 : memref<640x16xf32, #tpu.memory_space<hbm>>) dst(%arg25 : memref<640x16xf32, #tpu.memory_space<vmem>>)
    tpu.wait_dma2 semaphore(%arg20 : memref<!tpu.dma_semaphore, #tpu.memory_space<semaphore_mem>>) src(%arg4 : memref<16xf32, #tpu.memory_space<hbm>>) dst(%arg26 : memref<16xf32, #tpu.memory_space<vmem>>)
    %mul3A_55 = arith.constant 640 : i32
    %mul3A_56 = arith.muli %arg1, %mul3A_55 : i32
    %add3A_57 = arith.constant 0 : i32
    %add3A_58 = arith.addi %mul3A_56, %add3A_57 : i32
    %dma_start3A_59 = arith.constant 0 : i32
    %dma_start3A_60 = tpu.memref_slice %arg13[%add3A_58, %dma_start3A_59] : memref<10240x16xf32, #tpu.memory_space<vmem_shared>> -> memref<128x16xf32, #tpu.memory_space<vmem_shared>>
    %dma_start3A_61 = arith.constant 0 : i32
    %dma_start3A_62 = tpu.memref_slice %arg13[%add3A_58, %dma_start3A_61] : memref<10240x16xf32, #tpu.memory_space<vmem_shared>> -> memref<128x16xf32, #tpu.memory_space<vmem_shared>>
    tpu.enqueue_dma source(%arg12 : memref<128x16xf32, #tpu.memory_space<vmem>>) target(%dma_start3A_62 : memref<128x16xf32, #tpu.memory_space<vmem_shared>>) target_semaphore(%arg17 : memref<!tpu.dma_semaphore, #tpu.memory_space<semaphore_mem>>)
    %mul3A_63 = arith.constant 640 : i32
    %mul3A_64 = arith.muli %arg1, %mul3A_63 : i32
    %add3A_65 = arith.constant 128 : i32
    %add3A_66 = arith.addi %mul3A_64, %add3A_65 : i32
    %dma_start3A_67 = arith.constant 0 : i32
    %dma_start3A_68 = tpu.memref_slice %arg13[%add3A_66, %dma_start3A_67] : memref<10240x16xf32, #tpu.memory_space<vmem_shared>> -> memref<128x16xf32, #tpu.memory_space<vmem_shared>>
    %dma_start3A_69 = arith.constant 0 : i32
    %dma_start3A_70 = tpu.memref_slice %arg13[%add3A_66, %dma_start3A_69] : memref<10240x16xf32, #tpu.memory_space<vmem_shared>> -> memref<128x16xf32, #tpu.memory_space<vmem_shared>>
    tpu.enqueue_dma source(%arg12 : memref<128x16xf32, #tpu.memory_space<vmem>>) target(%dma_start3A_70 : memref<128x16xf32, #tpu.memory_space<vmem_shared>>) target_semaphore(%arg18 : memref<!tpu.dma_semaphore, #tpu.memory_space<semaphore_mem>>)
    %mul3A_71 = arith.constant 640 : i32
    %mul3A_72 = arith.muli %arg1, %mul3A_71 : i32
    %add3A_73 = arith.constant 256 : i32
    %add3A_74 = arith.addi %mul3A_72, %add3A_73 : i32
    %dma_start3A_75 = arith.constant 0 : i32
    %dma_start3A_76 = tpu.memref_slice %arg13[%add3A_74, %dma_start3A_75] : memref<10240x16xf32, #tpu.memory_space<vmem_shared>> -> memref<128x16xf32, #tpu.memory_space<vmem_shared>>
    %dma_start3A_77 = arith.constant 0 : i32
    %dma_start3A_78 = tpu.memref_slice %arg13[%add3A_74, %dma_start3A_77] : memref<10240x16xf32, #tpu.memory_space<vmem_shared>> -> memref<128x16xf32, #tpu.memory_space<vmem_shared>>
    tpu.enqueue_dma source(%arg12 : memref<128x16xf32, #tpu.memory_space<vmem>>) target(%dma_start3A_78 : memref<128x16xf32, #tpu.memory_space<vmem_shared>>) target_semaphore(%arg19 : memref<!tpu.dma_semaphore, #tpu.memory_space<semaphore_mem>>)
    %mul3A_79 = arith.constant 640 : i32
    %mul3A_80 = arith.muli %arg1, %mul3A_79 : i32
    %add3A_81 = arith.constant 384 : i32
    %add3A_82 = arith.addi %mul3A_80, %add3A_81 : i32
    %dma_start3A_83 = arith.constant 0 : i32
    %dma_start3A_84 = tpu.memref_slice %arg13[%add3A_82, %dma_start3A_83] : memref<10240x16xf32, #tpu.memory_space<vmem_shared>> -> memref<128x16xf32, #tpu.memory_space<vmem_shared>>
    %dma_start3A_85 = arith.constant 0 : i32
    %dma_start3A_86 = tpu.memref_slice %arg13[%add3A_82, %dma_start3A_85] : memref<10240x16xf32, #tpu.memory_space<vmem_shared>> -> memref<128x16xf32, #tpu.memory_space<vmem_shared>>
    tpu.enqueue_dma source(%arg12 : memref<128x16xf32, #tpu.memory_space<vmem>>) target(%dma_start3A_86 : memref<128x16xf32, #tpu.memory_space<vmem_shared>>) target_semaphore(%arg20 : memref<!tpu.dma_semaphore, #tpu.memory_space<semaphore_mem>>)
    %mul3A_87 = arith.constant 640 : i32
    %mul3A_88 = arith.muli %arg1, %mul3A_87 : i32
    %add3A_89 = arith.constant 512 : i32
    %add3A_90 = arith.addi %mul3A_88, %add3A_89 : i32
    %dma_start3A_91 = arith.constant 0 : i32
    %dma_start3A_92 = tpu.memref_slice %arg13[%add3A_90, %dma_start3A_91] : memref<10240x16xf32, #tpu.memory_space<vmem_shared>> -> memref<128x16xf32, #tpu.memory_space<vmem_shared>>
    %dma_start3A_93 = arith.constant 0 : i32
    %dma_start3A_94 = tpu.memref_slice %arg13[%add3A_90, %dma_start3A_93] : memref<10240x16xf32, #tpu.memory_space<vmem_shared>> -> memref<128x16xf32, #tpu.memory_space<vmem_shared>>
    tpu.enqueue_dma source(%arg12 : memref<128x16xf32, #tpu.memory_space<vmem>>) target(%dma_start3A_94 : memref<128x16xf32, #tpu.memory_space<vmem_shared>>) target_semaphore(%arg21 : memref<!tpu.dma_semaphore, #tpu.memory_space<semaphore_mem>>)
    %get3A = arith.constant 0 : index
    %get3A_95 = tpu.vector_load %arg26[%get3A] {strides = array<i32>} : memref<16xf32, #tpu.memory_space<vmem>>, vector<16xf32>,
    %get3A_96 = vector.shape_cast %get3A_95 : vector<16xf32> to vector<16xf32>
    %scan3A = arith.constant 0 : i32
    %scan3A_97 = arith.constant 160 : i32
    %scan3A_98 = arith.addi %scan3A, %scan3A_97 : i32
    %scan3A_99 = arith.constant 1 : i32
    scf.for %scan3A_267 = %scan3A to %scan3A_98 step %scan3A_99  : i32 {
      %mul3A_268 = arith.constant 4 : i32
      %mul3A_269 = arith.muli %scan3A_267, %mul3A_268 : i32
      %add3A_270 = arith.constant 0 : i32
      %add3A_271 = arith.addi %add3A_270, %mul3A_269 : i32
      %add3A_272 = arith.constant 0 : i32
      %add3A_273 = arith.addi %add3A_271, %add3A_272 : i32
      %get3A_274 = arith.index_cast %add3A_273 : i32 to index
      %get3A_275 = arith.constant 0 : index
      %get3A_276 = tpu.vector_load %arg23[%get3A_274, %get3A_275] {strides = array<i32>} : memref<640x16xf32, #tpu.memory_space<vmem>>, vector<1x16xf32>,
      %get3A_277 = vector.shape_cast %get3A_276 : vector<1x16xf32> to vector<16xf32>
      %get3A_278 = arith.index_cast %add3A_273 : i32 to index
      %get3A_279 = arith.constant 0 : index
      %get3A_280 = tpu.vector_load %arg24[%get3A_278, %get3A_279] {strides = array<i32>} : memref<640x16xf32, #tpu.memory_space<vmem>>, vector<1x16xf32>,
      %get3A_281 = vector.shape_cast %get3A_280 : vector<1x16xf32> to vector<16xf32>
      %add3A_282 = arith.addf %get3A_277, %get3A_281 : vector<16xf32>
      %get3A_283 = arith.index_cast %add3A_273 : i32 to index
      %get3A_284 = arith.constant 0 : index
      %get3A_285 = tpu.vector_load %arg25[%get3A_283, %get3A_284] {strides = array<i32>} : memref<640x16xf32, #tpu.memory_space<vmem>>, vector<1x16xf32>,
      %get3A_286 = vector.shape_cast %get3A_285 : vector<1x16xf32> to vector<16xf32>
      %add3A_287 = arith.addf %add3A_282, %get3A_286 : vector<16xf32>
      %add3A_288 = arith.addf %add3A_287, %get3A_96 : vector<16xf32>
      %max3A = arith.constant 0.000000e+00 : f32
      %max3A_289 = vector.broadcast %max3A : f32 to vector<16xf32>
      %max3A_290 = arith.maximumf %add3A_288, %max3A_289 : vector<16xf32>
      %swap3A = arith.index_cast %add3A_273 : i32 to index
      %swap3A_291 = arith.constant 0 : index
      %swap3A_292 = tpu.vector_load %arg25[%swap3A, %swap3A_291] {strides = array<i32>} : memref<640x16xf32, #tpu.memory_space<vmem>>, vector<1x16xf32>,
      %swap3A_293 = vector.shape_cast %swap3A_292 : vector<1x16xf32> to vector<16xf32>
      %swap3A_294 = vector.shape_cast %max3A_290 : vector<16xf32> to vector<1x16xf32>
      tpu.vector_store %arg25[%swap3A, %swap3A_291], %swap3A_294 {strides = array<i32>} : memref<640x16xf32, #tpu.memory_space<vmem>>, vector<1x16xf32>,
      %add3A_295 = arith.constant 1 : i32
      %add3A_296 = arith.addi %add3A_271, %add3A_295 : i32
      %get3A_297 = arith.index_cast %add3A_296 : i32 to index
      %get3A_298 = arith.constant 0 : index
      %get3A_299 = tpu.vector_load %arg23[%get3A_297, %get3A_298] {strides = array<i32>} : memref<640x16xf32, #tpu.memory_space<vmem>>, vector<1x16xf32>,
      %get3A_300 = vector.shape_cast %get3A_299 : vector<1x16xf32> to vector<16xf32>
      %get3A_301 = arith.index_cast %add3A_296 : i32 to index
      %get3A_302 = arith.constant 0 : index
      %get3A_303 = tpu.vector_load %arg24[%get3A_301, %get3A_302] {strides = array<i32>} : memref<640x16xf32, #tpu.memory_space<vmem>>, vector<1x16xf32>,
      %get3A_304 = vector.shape_cast %get3A_303 : vector<1x16xf32> to vector<16xf32>
      %add3A_305 = arith.addf %get3A_300, %get3A_304 : vector<16xf32>
      %get3A_306 = arith.index_cast %add3A_296 : i32 to index
      %get3A_307 = arith.constant 0 : index
      %get3A_308 = tpu.vector_load %arg25[%get3A_306, %get3A_307] {strides = array<i32>} : memref<640x16xf32, #tpu.memory_space<vmem>>, vector<1x16xf32>,
      %get3A_309 = vector.shape_cast %get3A_308 : vector<1x16xf32> to vector<16xf32>
      %add3A_310 = arith.addf %add3A_305, %get3A_309 : vector<16xf32>
      %add3A_311 = arith.addf %add3A_310, %get3A_96 : vector<16xf32>
      %max3A_312 = arith.constant 0.000000e+00 : f32
      %max3A_313 = vector.broadcast %max3A_312 : f32 to vector<16xf32>
      %max3A_314 = arith.maximumf %add3A_311, %max3A_313 : vector<16xf32>
      %swap3A_315 = arith.index_cast %add3A_296 : i32 to index
      %swap3A_316 = arith.constant 0 : index
      %swap3A_317 = tpu.vector_load %arg25[%swap3A_315, %swap3A_316] {strides = array<i32>} : memref<640x16xf32, #tpu.memory_space<vmem>>, vector<1x16xf32>,
      %swap3A_318 = vector.shape_cast %swap3A_317 : vector<1x16xf32> to vector<16xf32>
      %swap3A_319 = vector.shape_cast %max3A_314 : vector<16xf32> to vector<1x16xf32>
      tpu.vector_store %arg25[%swap3A_315, %swap3A_316], %swap3A_319 {strides = array<i32>} : memref<640x16xf32, #tpu.memory_space<vmem>>, vector<1x16xf32>,
      %add3A_320 = arith.constant 2 : i32
      %add3A_321 = arith.addi %add3A_271, %add3A_320 : i32
      %get3A_322 = arith.index_cast %add3A_321 : i32 to index
      %get3A_323 = arith.constant 0 : index
      %get3A_324 = tpu.vector_load %arg23[%get3A_322, %get3A_323] {strides = array<i32>} : memref<640x16xf32, #tpu.memory_space<vmem>>, vector<1x16xf32>,
      %get3A_325 = vector.shape_cast %get3A_324 : vector<1x16xf32> to vector<16xf32>
      %get3A_326 = arith.index_cast %add3A_321 : i32 to index
      %get3A_327 = arith.constant 0 : index
      %get3A_328 = tpu.vector_load %arg24[%get3A_326, %get3A_327] {strides = array<i32>} : memref<640x16xf32, #tpu.memory_space<vmem>>, vector<1x16xf32>,
      %get3A_329 = vector.shape_cast %get3A_328 : vector<1x16xf32> to vector<16xf32>
      %add3A_330 = arith.addf %get3A_325, %get3A_329 : vector<16xf32>
      %get3A_331 = arith.index_cast %add3A_321 : i32 to index
      %get3A_332 = arith.constant 0 : index
      %get3A_333 = tpu.vector_load %arg25[%get3A_331, %get3A_332] {strides = array<i32>} : memref<640x16xf32, #tpu.memory_space<vmem>>, vector<1x16xf32>,
      %get3A_334 = vector.shape_cast %get3A_333 : vector<1x16xf32> to vector<16xf32>
      %add3A_335 = arith.addf %add3A_330, %get3A_334 : vector<16xf32>
      %add3A_336 = arith.addf %add3A_335, %get3A_96 : vector<16xf32>
      %max3A_337 = arith.constant 0.000000e+00 : f32
      %max3A_338 = vector.broadcast %max3A_337 : f32 to vector<16xf32>
      %max3A_339 = arith.maximumf %add3A_336, %max3A_338 : vector<16xf32>
      %swap3A_340 = arith.index_cast %add3A_321 : i32 to index
      %swap3A_341 = arith.constant 0 : index
      %swap3A_342 = tpu.vector_load %arg25[%swap3A_340, %swap3A_341] {strides = array<i32>} : memref<640x16xf32, #tpu.memory_space<vmem>>, vector<1x16xf32>,
      %swap3A_343 = vector.shape_cast %swap3A_342 : vector<1x16xf32> to vector<16xf32>
      %swap3A_344 = vector.shape_cast %max3A_339 : vector<16xf32> to vector<1x16xf32>
      tpu.vector_store %arg25[%swap3A_340, %swap3A_341], %swap3A_344 {strides = array<i32>} : memref<640x16xf32, #tpu.memory_space<vmem>>, vector<1x16xf32>,
      %add3A_345 = arith.constant 3 : i32
      %add3A_346 = arith.addi %add3A_271, %add3A_345 : i32
      %get3A_347 = arith.index_cast %add3A_346 : i32 to index
      %get3A_348 = arith.constant 0 : index
      %get3A_349 = tpu.vector_load %arg23[%get3A_347, %get3A_348] {strides = array<i32>} : memref<640x16xf32, #tpu.memory_space<vmem>>, vector<1x16xf32>,
      %get3A_350 = vector.shape_cast %get3A_349 : vector<1x16xf32> to vector<16xf32>
      %get3A_351 = arith.index_cast %add3A_346 : i32 to index
      %get3A_352 = arith.constant 0 : index
      %get3A_353 = tpu.vector_load %arg24[%get3A_351, %get3A_352] {strides = array<i32>} : memref<640x16xf32, #tpu.memory_space<vmem>>, vector<1x16xf32>,
      %get3A_354 = vector.shape_cast %get3A_353 : vector<1x16xf32> to vector<16xf32>
      %add3A_355 = arith.addf %get3A_350, %get3A_354 : vector<16xf32>
      %get3A_356 = arith.index_cast %add3A_346 : i32 to index
      %get3A_357 = arith.constant 0 : index
      %get3A_358 = tpu.vector_load %arg25[%get3A_356, %get3A_357] {strides = array<i32>} : memref<640x16xf32, #tpu.memory_space<vmem>>, vector<1x16xf32>,
      %get3A_359 = vector.shape_cast %get3A_358 : vector<1x16xf32> to vector<16xf32>
      %add3A_360 = arith.addf %add3A_355, %get3A_359 : vector<16xf32>
      %add3A_361 = arith.addf %add3A_360, %get3A_96 : vector<16xf32>
      %max3A_362 = arith.constant 0.000000e+00 : f32
      %max3A_363 = vector.broadcast %max3A_362 : f32 to vector<16xf32>
      %max3A_364 = arith.maximumf %add3A_361, %max3A_363 : vector<16xf32>
      %swap3A_365 = arith.index_cast %add3A_346 : i32 to index
      %swap3A_366 = arith.constant 0 : index
      %swap3A_367 = tpu.vector_load %arg25[%swap3A_365, %swap3A_366] {strides = array<i32>} : memref<640x16xf32, #tpu.memory_space<vmem>>, vector<1x16xf32>,
      %swap3A_368 = vector.shape_cast %swap3A_367 : vector<1x16xf32> to vector<16xf32>
      %swap3A_369 = vector.shape_cast %max3A_364 : vector<16xf32> to vector<1x16xf32>
      tpu.vector_store %arg25[%swap3A_365, %swap3A_366], %swap3A_369 {strides = array<i32>} : memref<640x16xf32, #tpu.memory_space<vmem>>, vector<1x16xf32>,
    }
    %scan3A_100 = arith.constant 160 : i32
    "tpu.region"() ({
      %run_scoped3A = tpu.sem_alloc : memref<!tpu.dma_semaphore, #tpu.memory_space<semaphore_mem>>
      %dma_start3A_267 = arith.constant 0 : i32
      %dma_start3A_268 = tpu.memref_slice %arg14[%mul3A_2, %dma_start3A_267] : memref<10240x16xf32, #tpu.memory_space<vmem_shared>> -> memref<640x16xf32, #tpu.memory_space<vmem_shared>>
      %dma_start3A_269 = arith.constant 0 : i32
      %dma_start3A_270 = tpu.memref_slice %arg14[%mul3A_2, %dma_start3A_269] : memref<10240x16xf32, #tpu.memory_space<vmem_shared>> -> memref<640x16xf32, #tpu.memory_space<vmem_shared>>
      tpu.enqueue_dma source(%arg25 : memref<640x16xf32, #tpu.memory_space<vmem>>) target(%dma_start3A_270 : memref<640x16xf32, #tpu.memory_space<vmem_shared>>) target_semaphore(%run_scoped3A : memref<!tpu.dma_semaphore, #tpu.memory_space<semaphore_mem>>)
      %dma_wait3A_271 = arith.constant 0 : i32
      %dma_wait3A_272 = tpu.memref_slice %arg14[%mul3A_2, %dma_wait3A_271] : memref<10240x16xf32, #tpu.memory_space<vmem_shared>> -> memref<640x16xf32, #tpu.memory_space<vmem_shared>>
      %dma_wait3A_273 = arith.constant 0 : i32
      %dma_wait3A_274 = tpu.memref_slice %arg14[%mul3A_2, %dma_wait3A_273] : memref<10240x16xf32, #tpu.memory_space<vmem_shared>> -> memref<640x16xf32, #tpu.memory_space<vmem_shared>>
      tpu.wait_dma2 semaphore(%run_scoped3A : memref<!tpu.dma_semaphore, #tpu.memory_space<semaphore_mem>>) src(%arg25 : memref<640x16xf32, #tpu.memory_space<vmem>>) dst(%dma_wait3A_274 : memref<640x16xf32, #tpu.memory_space<vmem_shared>>)
      tpu.yield
    }) : () -> ()
    %eq3A = arith.constant 0 : i32
    %eq3A_101 = arith.cmpi eq, %arg0, %eq3A : i32
    %convert_element_type3A = arith.extui %eq3A_101 : i1 to i32
    %cond3A = arith.constant 0 : i32
    %cond3A_102 = arith.cmpi ne, %convert_element_type3A, %cond3A : i32
    scf.if %cond3A_102 {
      "tpu.region"() ({
        %run_scoped3A = tpu.sem_alloc : memref<!tpu.dma_semaphore, #tpu.memory_space<semaphore_mem>>
        %dma_start3A_267 = arith.constant 0 : i32
        %dma_start3A_268 = tpu.memref_slice %arg8[%mul3A_2, %dma_start3A_267] : memref<10240x16xf32, #tpu.memory_space<hbm>> -> memref<640x16xf32, #tpu.memory_space<hbm>>
        %dma_start3A_269 = arith.constant 0 : i32
        %dma_start3A_270 = tpu.memref_slice %arg8[%mul3A_2, %dma_start3A_269] : memref<10240x16xf32, #tpu.memory_space<hbm>> -> memref<640x16xf32, #tpu.memory_space<hbm>>
        tpu.enqueue_dma source(%arg25 : memref<640x16xf32, #tpu.memory_space<vmem>>) target(%dma_start3A_270 : memref<640x16xf32, #tpu.memory_space<hbm>>) target_semaphore(%run_scoped3A : memref<!tpu.dma_semaphore, #tpu.memory_space<semaphore_mem>>)
        %dma_wait3A_271 = arith.constant 0 : i32
        %dma_wait3A_272 = tpu.memref_slice %arg8[%mul3A_2, %dma_wait3A_271] : memref<10240x16xf32, #tpu.memory_space<hbm>> -> memref<640x16xf32, #tpu.memory_space<hbm>>
        %dma_wait3A_273 = arith.constant 0 : i32
        %dma_wait3A_274 = tpu.memref_slice %arg8[%mul3A_2, %dma_wait3A_273] : memref<10240x16xf32, #tpu.memory_space<hbm>> -> memref<640x16xf32, #tpu.memory_space<hbm>>
        tpu.wait_dma2 semaphore(%run_scoped3A : memref<!tpu.dma_semaphore, #tpu.memory_space<semaphore_mem>>) src(%arg25 : memref<640x16xf32, #tpu.memory_space<vmem>>) dst(%dma_wait3A_274 : memref<640x16xf32, #tpu.memory_space<hbm>>)
        tpu.yield
      }) : () -> ()
    } else {
    }
    %dma_wait3A_103 = arith.constant 0 : i32
    %dma_wait3A_104 = arith.constant 0 : i32
    %dma_wait3A_105 = arith.constant 0 : i32
    %dma_wait3A_106 = tpu.memref_slice %arg5[%dma_wait3A_103, %add3A, %dma_wait3A_104, %dma_wait3A_105] : memref<2x32x80x128xi32, #tpu.memory_space<hbm>> -> memref<1x1x80x128xi32, #tpu.memory_space<hbm>>
    %dma_wait3A_107 = tpu.memref_squeeze %dma_wait3A_106 : memref<1x1x80x128xi32, #tpu.memory_space<hbm>> -> memref<80x128xi32, #tpu.memory_space<hbm>>
    %dma_wait3A_108 = arith.constant 0 : i32
    %dma_wait3A_109 = arith.constant 0 : i32
    %dma_wait3A_110 = tpu.memref_slice %arg5[%dma_wait3A_103, %add3A, %dma_wait3A_108, %dma_wait3A_109] : memref<2x32x80x128xi32, #tpu.memory_space<hbm>> -> memref<1x1x80x128xi32, #tpu.memory_space<hbm>>
    %dma_wait3A_111 = tpu.memref_squeeze %dma_wait3A_110 : memref<1x1x80x128xi32, #tpu.memory_space<hbm>> -> memref<80x128xi32, #tpu.memory_space<hbm>>
    tpu.wait_dma2 semaphore(%arg15 : memref<!tpu.dma_semaphore, #tpu.memory_space<semaphore_mem>>) src(%dma_wait3A_111 : memref<80x128xi32, #tpu.memory_space<hbm>>) dst(%arg9 : memref<80x128xi32, #tpu.memory_space<vmem>>)
    %dma_wait3A_112 = arith.constant 1 : i32
    %dma_wait3A_113 = arith.constant 0 : i32
    %dma_wait3A_114 = arith.constant 0 : i32
    %dma_wait3A_115 = tpu.memref_slice %arg5[%dma_wait3A_112, %add3A, %dma_wait3A_113, %dma_wait3A_114] : memref<2x32x80x128xi32, #tpu.memory_space<hbm>> -> memref<1x1x80x128xi32, #tpu.memory_space<hbm>>
    %dma_wait3A_116 = tpu.memref_squeeze %dma_wait3A_115 : memref<1x1x80x128xi32, #tpu.memory_space<hbm>> -> memref<80x128xi32, #tpu.memory_space<hbm>>
    %dma_wait3A_117 = arith.constant 0 : i32
    %dma_wait3A_118 = arith.constant 0 : i32
    %dma_wait3A_119 = tpu.memref_slice %arg5[%dma_wait3A_112, %add3A, %dma_wait3A_117, %dma_wait3A_118] : memref<2x32x80x128xi32, #tpu.memory_space<hbm>> -> memref<1x1x80x128xi32, #tpu.memory_space<hbm>>
    %dma_wait3A_120 = tpu.memref_squeeze %dma_wait3A_119 : memref<1x1x80x128xi32, #tpu.memory_space<hbm>> -> memref<80x128xi32, #tpu.memory_space<hbm>>
    tpu.wait_dma2 semaphore(%arg16 : memref<!tpu.dma_semaphore, #tpu.memory_space<semaphore_mem>>) src(%dma_wait3A_120 : memref<80x128xi32, #tpu.memory_space<hbm>>) dst(%arg10 : memref<80x128xi32, #tpu.memory_space<vmem>>)
    %mul3A_121 = arith.constant 640 : i32
    %mul3A_122 = arith.muli %arg1, %mul3A_121 : i32
    %add3A_123 = arith.constant 0 : i32
    %add3A_124 = arith.addi %mul3A_122, %add3A_123 : i32
    %dma_wait3A_125 = arith.constant 0 : i32
    %dma_wait3A_126 = tpu.memref_slice %arg13[%add3A_124, %dma_wait3A_125] : memref<10240x16xf32, #tpu.memory_space<vmem_shared>> -> memref<128x16xf32, #tpu.memory_space<vmem_shared>>
    %dma_wait3A_127 = arith.constant 0 : i32
    %dma_wait3A_128 = tpu.memref_slice %arg13[%add3A_124, %dma_wait3A_127] : memref<10240x16xf32, #tpu.memory_space<vmem_shared>> -> memref<128x16xf32, #tpu.memory_space<vmem_shared>>
    tpu.wait_dma2 semaphore(%arg17 : memref<!tpu.dma_semaphore, #tpu.memory_space<semaphore_mem>>) src(%arg12 : memref<128x16xf32, #tpu.memory_space<vmem>>) dst(%dma_wait3A_128 : memref<128x16xf32, #tpu.memory_space<vmem_shared>>)
    %mul3A_129 = arith.constant 640 : i32
    %mul3A_130 = arith.muli %arg1, %mul3A_129 : i32
    %add3A_131 = arith.constant 128 : i32
    %add3A_132 = arith.addi %mul3A_130, %add3A_131 : i32
    %dma_wait3A_133 = arith.constant 0 : i32
    %dma_wait3A_134 = tpu.memref_slice %arg13[%add3A_132, %dma_wait3A_133] : memref<10240x16xf32, #tpu.memory_space<vmem_shared>> -> memref<128x16xf32, #tpu.memory_space<vmem_shared>>
    %dma_wait3A_135 = arith.constant 0 : i32
    %dma_wait3A_136 = tpu.memref_slice %arg13[%add3A_132, %dma_wait3A_135] : memref<10240x16xf32, #tpu.memory_space<vmem_shared>> -> memref<128x16xf32, #tpu.memory_space<vmem_shared>>
    tpu.wait_dma2 semaphore(%arg18 : memref<!tpu.dma_semaphore, #tpu.memory_space<semaphore_mem>>) src(%arg12 : memref<128x16xf32, #tpu.memory_space<vmem>>) dst(%dma_wait3A_136 : memref<128x16xf32, #tpu.memory_space<vmem_shared>>)
    %mul3A_137 = arith.constant 640 : i32
    %mul3A_138 = arith.muli %arg1, %mul3A_137 : i32
    %add3A_139 = arith.constant 256 : i32
    %add3A_140 = arith.addi %mul3A_138, %add3A_139 : i32
    %dma_wait3A_141 = arith.constant 0 : i32
    %dma_wait3A_142 = tpu.memref_slice %arg13[%add3A_140, %dma_wait3A_141] : memref<10240x16xf32, #tpu.memory_space<vmem_shared>> -> memref<128x16xf32, #tpu.memory_space<vmem_shared>>
    %dma_wait3A_143 = arith.constant 0 : i32
    %dma_wait3A_144 = tpu.memref_slice %arg13[%add3A_140, %dma_wait3A_143] : memref<10240x16xf32, #tpu.memory_space<vmem_shared>> -> memref<128x16xf32, #tpu.memory_space<vmem_shared>>
    tpu.wait_dma2 semaphore(%arg19 : memref<!tpu.dma_semaphore, #tpu.memory_space<semaphore_mem>>) src(%arg12 : memref<128x16xf32, #tpu.memory_space<vmem>>) dst(%dma_wait3A_144 : memref<128x16xf32, #tpu.memory_space<vmem_shared>>)
    %mul3A_145 = arith.constant 640 : i32
    %mul3A_146 = arith.muli %arg1, %mul3A_145 : i32
    %add3A_147 = arith.constant 384 : i32
    %add3A_148 = arith.addi %mul3A_146, %add3A_147 : i32
    %dma_wait3A_149 = arith.constant 0 : i32
    %dma_wait3A_150 = tpu.memref_slice %arg13[%add3A_148, %dma_wait3A_149] : memref<10240x16xf32, #tpu.memory_space<vmem_shared>> -> memref<128x16xf32, #tpu.memory_space<vmem_shared>>
    %dma_wait3A_151 = arith.constant 0 : i32
    %dma_wait3A_152 = tpu.memref_slice %arg13[%add3A_148, %dma_wait3A_151] : memref<10240x16xf32, #tpu.memory_space<vmem_shared>> -> memref<128x16xf32, #tpu.memory_space<vmem_shared>>
    tpu.wait_dma2 semaphore(%arg20 : memref<!tpu.dma_semaphore, #tpu.memory_space<semaphore_mem>>) src(%arg12 : memref<128x16xf32, #tpu.memory_space<vmem>>) dst(%dma_wait3A_152 : memref<128x16xf32, #tpu.memory_space<vmem_shared>>)
    %mul3A_153 = arith.constant 640 : i32
    %mul3A_154 = arith.muli %arg1, %mul3A_153 : i32
    %add3A_155 = arith.constant 512 : i32
    %add3A_156 = arith.addi %mul3A_154, %add3A_155 : i32
    %dma_wait3A_157 = arith.constant 0 : i32
    %dma_wait3A_158 = tpu.memref_slice %arg13[%add3A_156, %dma_wait3A_157] : memref<10240x16xf32, #tpu.memory_space<vmem_shared>> -> memref<128x16xf32, #tpu.memory_space<vmem_shared>>
    %dma_wait3A_159 = arith.constant 0 : i32
    %dma_wait3A_160 = tpu.memref_slice %arg13[%add3A_156, %dma_wait3A_159] : memref<10240x16xf32, #tpu.memory_space<vmem_shared>> -> memref<128x16xf32, #tpu.memory_space<vmem_shared>>
    tpu.wait_dma2 semaphore(%arg21 : memref<!tpu.dma_semaphore, #tpu.memory_space<semaphore_mem>>) src(%arg12 : memref<128x16xf32, #tpu.memory_space<vmem>>) dst(%dma_wait3A_160 : memref<128x16xf32, #tpu.memory_space<vmem_shared>>)
    %barrier3A = arith.constant 0 : index
    tpu.barrier barrier_id(%barrier3A)
    %dma_start3A_161 = arith.constant 0 : i32
    %dma_start3A_162 = arith.constant 0 : i32
    %dma_start3A_163 = arith.constant 0 : i32
    %dma_start3A_164 = arith.constant 0 : i32
    %dma_start3A_165 = tpu.memref_slice %arg11[%dma_start3A_162, %dma_start3A_163, %dma_start3A_164] : memref<8x128x16xf32, #tpu.memory_space<vmem>> -> memref<1x128x16xf32, #tpu.memory_space<vmem>>
    %dma_start3A_166 = tpu.memref_squeeze %dma_start3A_165 : memref<1x128x16xf32, #tpu.memory_space<vmem>> -> memref<128x16xf32, #tpu.memory_space<vmem>>
    %dma_start3A_167 = arith.constant 0 : i32
    %dma_start3A_168 = tpu.memref_slice %arg9[%dma_start3A_161, %dma_start3A_167] : memref<80x128xi32, #tpu.memory_space<vmem>> -> memref<1x128xi32, #tpu.memory_space<vmem>>
    %dma_start3A_169 = tpu.memref_squeeze %dma_start3A_168 : memref<1x128xi32, #tpu.memory_space<vmem>> -> memref<128xi32, #tpu.memory_space<vmem>>
    %dma_start3A_170 = arith.constant 0 : i32
    %dma_start3A_171 = arith.constant 0 : i32
    %dma_start3A_172 = tpu.memref_slice %arg14[%dma_start3A_170, %dma_start3A_171] : memref<10240x16xf32, #tpu.memory_space<vmem_shared>> -> memref<10240x16xf32, #tpu.memory_space<vmem_shared>>
    tpu.enqueue_indirect_dma source(%dma_start3A_172 : memref<10240x16xf32, #tpu.memory_space<vmem_shared>>) target(%dma_start3A_166 : memref<128x16xf32, #tpu.memory_space<vmem>>) offsets(%dma_start3A_169 : memref<128xi32, #tpu.memory_space<vmem>>) semaphore(%arg15 : memref<!tpu.dma_semaphore, #tpu.memory_space<semaphore_mem>>)
    %dma_start3A_173 = arith.constant 1 : i32
    %dma_start3A_174 = arith.constant 1 : i32
    %dma_start3A_175 = arith.constant 0 : i32
    %dma_start3A_176 = arith.constant 0 : i32
    %dma_start3A_177 = tpu.memref_slice %arg11[%dma_start3A_174, %dma_start3A_175, %dma_start3A_176] : memref<8x128x16xf32, #tpu.memory_space<vmem>> -> memref<1x128x16xf32, #tpu.memory_space<vmem>>
    %dma_start3A_178 = tpu.memref_squeeze %dma_start3A_177 : memref<1x128x16xf32, #tpu.memory_space<vmem>> -> memref<128x16xf32, #tpu.memory_space<vmem>>
    %dma_start3A_179 = arith.constant 0 : i32
    %dma_start3A_180 = tpu.memref_slice %arg9[%dma_start3A_173, %dma_start3A_179] : memref<80x128xi32, #tpu.memory_space<vmem>> -> memref<1x128xi32, #tpu.memory_space<vmem>>
    %dma_start3A_181 = tpu.memref_squeeze %dma_start3A_180 : memref<1x128xi32, #tpu.memory_space<vmem>> -> memref<128xi32, #tpu.memory_space<vmem>>
    %dma_start3A_182 = arith.constant 0 : i32
    %dma_start3A_183 = arith.constant 0 : i32
    %dma_start3A_184 = tpu.memref_slice %arg14[%dma_start3A_182, %dma_start3A_183] : memref<10240x16xf32, #tpu.memory_space<vmem_shared>> -> memref<10240x16xf32, #tpu.memory_space<vmem_shared>>
    tpu.enqueue_indirect_dma source(%dma_start3A_184 : memref<10240x16xf32, #tpu.memory_space<vmem_shared>>) target(%dma_start3A_178 : memref<128x16xf32, #tpu.memory_space<vmem>>) offsets(%dma_start3A_181 : memref<128xi32, #tpu.memory_space<vmem>>) semaphore(%arg16 : memref<!tpu.dma_semaphore, #tpu.memory_space<semaphore_mem>>)
    %dma_start3A_185 = arith.constant 2 : i32
    %dma_start3A_186 = arith.constant 2 : i32
    %dma_start3A_187 = arith.constant 0 : i32
    %dma_start3A_188 = arith.constant 0 : i32
    %dma_start3A_189 = tpu.memref_slice %arg11[%dma_start3A_186, %dma_start3A_187, %dma_start3A_188] : memref<8x128x16xf32, #tpu.memory_space<vmem>> -> memref<1x128x16xf32, #tpu.memory_space<vmem>>
    %dma_start3A_190 = tpu.memref_squeeze %dma_start3A_189 : memref<1x128x16xf32, #tpu.memory_space<vmem>> -> memref<128x16xf32, #tpu.memory_space<vmem>>
    %dma_start3A_191 = arith.constant 0 : i32
    %dma_start3A_192 = tpu.memref_slice %arg9[%dma_start3A_185, %dma_start3A_191] : memref<80x128xi32, #tpu.memory_space<vmem>> -> memref<1x128xi32, #tpu.memory_space<vmem>>
    %dma_start3A_193 = tpu.memref_squeeze %dma_start3A_192 : memref<1x128xi32, #tpu.memory_space<vmem>> -> memref<128xi32, #tpu.memory_space<vmem>>
    %dma_start3A_194 = arith.constant 0 : i32
    %dma_start3A_195 = arith.constant 0 : i32
    %dma_start3A_196 = tpu.memref_slice %arg14[%dma_start3A_194, %dma_start3A_195] : memref<10240x16xf32, #tpu.memory_space<vmem_shared>> -> memref<10240x16xf32, #tpu.memory_space<vmem_shared>>
    tpu.enqueue_indirect_dma source(%dma_start3A_196 : memref<10240x16xf32, #tpu.memory_space<vmem_shared>>) target(%dma_start3A_190 : memref<128x16xf32, #tpu.memory_space<vmem>>) offsets(%dma_start3A_193 : memref<128xi32, #tpu.memory_space<vmem>>) semaphore(%arg17 : memref<!tpu.dma_semaphore, #tpu.memory_space<semaphore_mem>>)
    %dma_start3A_197 = arith.constant 3 : i32
    %dma_start3A_198 = arith.constant 3 : i32
    %dma_start3A_199 = arith.constant 0 : i32
    %dma_start3A_200 = arith.constant 0 : i32
    %dma_start3A_201 = tpu.memref_slice %arg11[%dma_start3A_198, %dma_start3A_199, %dma_start3A_200] : memref<8x128x16xf32, #tpu.memory_space<vmem>> -> memref<1x128x16xf32, #tpu.memory_space<vmem>>
    %dma_start3A_202 = tpu.memref_squeeze %dma_start3A_201 : memref<1x128x16xf32, #tpu.memory_space<vmem>> -> memref<128x16xf32, #tpu.memory_space<vmem>>
    %dma_start3A_203 = arith.constant 0 : i32
    %dma_start3A_204 = tpu.memref_slice %arg9[%dma_start3A_197, %dma_start3A_203] : memref<80x128xi32, #tpu.memory_space<vmem>> -> memref<1x128xi32, #tpu.memory_space<vmem>>
    %dma_start3A_205 = tpu.memref_squeeze %dma_start3A_204 : memref<1x128xi32, #tpu.memory_space<vmem>> -> memref<128xi32, #tpu.memory_space<vmem>>
    %dma_start3A_206 = arith.constant 0 : i32
    %dma_start3A_207 = arith.constant 0 : i32
    %dma_start3A_208 = tpu.memref_slice %arg14[%dma_start3A_206, %dma_start3A_207] : memref<10240x16xf32, #tpu.memory_space<vmem_shared>> -> memref<10240x16xf32, #tpu.memory_space<vmem_shared>>
    tpu.enqueue_indirect_dma source(%dma_start3A_208 : memref<10240x16xf32, #tpu.memory_space<vmem_shared>>) target(%dma_start3A_202 : memref<128x16xf32, #tpu.memory_space<vmem>>) offsets(%dma_start3A_205 : memref<128xi32, #tpu.memory_space<vmem>>) semaphore(%arg18 : memref<!tpu.dma_semaphore, #tpu.memory_space<semaphore_mem>>)
    %dma_start3A_209 = arith.constant 4 : i32
    %dma_start3A_210 = arith.constant 4 : i32
    %dma_start3A_211 = arith.constant 0 : i32
    %dma_start3A_212 = arith.constant 0 : i32
    %dma_start3A_213 = tpu.memref_slice %arg11[%dma_start3A_210, %dma_start3A_211, %dma_start3A_212] : memref<8x128x16xf32, #tpu.memory_space<vmem>> -> memref<1x128x16xf32, #tpu.memory_space<vmem>>
    %dma_start3A_214 = tpu.memref_squeeze %dma_start3A_213 : memref<1x128x16xf32, #tpu.memory_space<vmem>> -> memref<128x16xf32, #tpu.memory_space<vmem>>
    %dma_start3A_215 = arith.constant 0 : i32
    %dma_start3A_216 = tpu.memref_slice %arg9[%dma_start3A_209, %dma_start3A_215] : memref<80x128xi32, #tpu.memory_space<vmem>> -> memref<1x128xi32, #tpu.memory_space<vmem>>
    %dma_start3A_217 = tpu.memref_squeeze %dma_start3A_216 : memref<1x128xi32, #tpu.memory_space<vmem>> -> memref<128xi32, #tpu.memory_space<vmem>>
    %dma_start3A_218 = arith.constant 0 : i32
    %dma_start3A_219 = arith.constant 0 : i32
    %dma_start3A_220 = tpu.memref_slice %arg14[%dma_start3A_218, %dma_start3A_219] : memref<10240x16xf32, #tpu.memory_space<vmem_shared>> -> memref<10240x16xf32, #tpu.memory_space<vmem_shared>>
    tpu.enqueue_indirect_dma source(%dma_start3A_220 : memref<10240x16xf32, #tpu.memory_space<vmem_shared>>) target(%dma_start3A_214 : memref<128x16xf32, #tpu.memory_space<vmem>>) offsets(%dma_start3A_217 : memref<128xi32, #tpu.memory_space<vmem>>) semaphore(%arg19 : memref<!tpu.dma_semaphore, #tpu.memory_space<semaphore_mem>>)
    %dma_start3A_221 = arith.constant 5 : i32
    %dma_start3A_222 = arith.constant 5 : i32
    %dma_start3A_223 = arith.constant 0 : i32
    %dma_start3A_224 = arith.constant 0 : i32
    %dma_start3A_225 = tpu.memref_slice %arg11[%dma_start3A_222, %dma_start3A_223, %dma_start3A_224] : memref<8x128x16xf32, #tpu.memory_space<vmem>> -> memref<1x128x16xf32, #tpu.memory_space<vmem>>
    %dma_start3A_226 = tpu.memref_squeeze %dma_start3A_225 : memref<1x128x16xf32, #tpu.memory_space<vmem>> -> memref<128x16xf32, #tpu.memory_space<vmem>>
    %dma_start3A_227 = arith.constant 0 : i32
    %dma_start3A_228 = tpu.memref_slice %arg9[%dma_start3A_221, %dma_start3A_227] : memref<80x128xi32, #tpu.memory_space<vmem>> -> memref<1x128xi32, #tpu.memory_space<vmem>>
    %dma_start3A_229 = tpu.memref_squeeze %dma_start3A_228 : memref<1x128xi32, #tpu.memory_space<vmem>> -> memref<128xi32, #tpu.memory_space<vmem>>
    %dma_start3A_230 = arith.constant 0 : i32
    %dma_start3A_231 = arith.constant 0 : i32
    %dma_start3A_232 = tpu.memref_slice %arg14[%dma_start3A_230, %dma_start3A_231] : memref<10240x16xf32, #tpu.memory_space<vmem_shared>> -> memref<10240x16xf32, #tpu.memory_space<vmem_shared>>
    tpu.enqueue_indirect_dma source(%dma_start3A_232 : memref<10240x16xf32, #tpu.memory_space<vmem_shared>>) target(%dma_start3A_226 : memref<128x16xf32, #tpu.memory_space<vmem>>) offsets(%dma_start3A_229 : memref<128xi32, #tpu.memory_space<vmem>>) semaphore(%arg20 : memref<!tpu.dma_semaphore, #tpu.memory_space<semaphore_mem>>)
    %dma_start3A_233 = arith.constant 6 : i32
    %dma_start3A_234 = arith.constant 6 : i32
    %dma_start3A_235 = arith.constant 0 : i32
    %dma_start3A_236 = arith.constant 0 : i32
    %dma_start3A_237 = tpu.memref_slice %arg11[%dma_start3A_234, %dma_start3A_235, %dma_start3A_236] : memref<8x128x16xf32, #tpu.memory_space<vmem>> -> memref<1x128x16xf32, #tpu.memory_space<vmem>>
    %dma_start3A_238 = tpu.memref_squeeze %dma_start3A_237 : memref<1x128x16xf32, #tpu.memory_space<vmem>> -> memref<128x16xf32, #tpu.memory_space<vmem>>
    %dma_start3A_239 = arith.constant 0 : i32
    %dma_start3A_240 = tpu.memref_slice %arg9[%dma_start3A_233, %dma_start3A_239] : memref<80x128xi32, #tpu.memory_space<vmem>> -> memref<1x128xi32, #tpu.memory_space<vmem>>
    %dma_start3A_241 = tpu.memref_squeeze %dma_start3A_240 : memref<1x128xi32, #tpu.memory_space<vmem>> -> memref<128xi32, #tpu.memory_space<vmem>>
    %dma_start3A_242 = arith.constant 0 : i32
    %dma_start3A_243 = arith.constant 0 : i32
    %dma_start3A_244 = tpu.memref_slice %arg14[%dma_start3A_242, %dma_start3A_243] : memref<10240x16xf32, #tpu.memory_space<vmem_shared>> -> memref<10240x16xf32, #tpu.memory_space<vmem_shared>>
    tpu.enqueue_indirect_dma source(%dma_start3A_244 : memref<10240x16xf32, #tpu.memory_space<vmem_shared>>) target(%dma_start3A_238 : memref<128x16xf32, #tpu.memory_space<vmem>>) offsets(%dma_start3A_241 : memref<128xi32, #tpu.memory_space<vmem>>) semaphore(%arg21 : memref<!tpu.dma_semaphore, #tpu.memory_space<semaphore_mem>>)
    %dma_start3A_245 = arith.constant 7 : i32
    %dma_start3A_246 = arith.constant 7 : i32
    %dma_start3A_247 = arith.constant 0 : i32
    %dma_start3A_248 = arith.constant 0 : i32
    %dma_start3A_249 = tpu.memref_slice %arg11[%dma_start3A_246, %dma_start3A_247, %dma_start3A_248] : memref<8x128x16xf32, #tpu.memory_space<vmem>> -> memref<1x128x16xf32, #tpu.memory_space<vmem>>
    %dma_start3A_250 = tpu.memref_squeeze %dma_start3A_249 : memref<1x128x16xf32, #tpu.memory_space<vmem>> -> memref<128x16xf32, #tpu.memory_space<vmem>>
    %dma_start3A_251 = arith.constant 0 : i32
    %dma_start3A_252 = tpu.memref_slice %arg9[%dma_start3A_245, %dma_start3A_251] : memref<80x128xi32, #tpu.memory_space<vmem>> -> memref<1x128xi32, #tpu.memory_space<vmem>>
    %dma_start3A_253 = tpu.memref_squeeze %dma_start3A_252 : memref<1x128xi32, #tpu.memory_space<vmem>> -> memref<128xi32, #tpu.memory_space<vmem>>
    %dma_start3A_254 = arith.constant 0 : i32
    %dma_start3A_255 = arith.constant 0 : i32
    %dma_start3A_256 = tpu.memref_slice %arg14[%dma_start3A_254, %dma_start3A_255] : memref<10240x16xf32, #tpu.memory_space<vmem_shared>> -> memref<10240x16xf32, #tpu.memory_space<vmem_shared>>
    tpu.enqueue_indirect_dma source(%dma_start3A_256 : memref<10240x16xf32, #tpu.memory_space<vmem_shared>>) target(%dma_start3A_250 : memref<128x16xf32, #tpu.memory_space<vmem>>) offsets(%dma_start3A_253 : memref<128xi32, #tpu.memory_space<vmem>>) semaphore(%arg22 : memref<!tpu.dma_semaphore, #tpu.memory_space<semaphore_mem>>)
    %scan3A_257 = arith.constant 0 : i32
    %scan3A_258 = arith.constant 10 : i32
    %scan3A_259 = arith.addi %scan3A_257, %scan3A_258 : i32
    %scan3A_260 = arith.constant 1 : i32
    scf.for %scan3A_267 = %scan3A_257 to %scan3A_259 step %scan3A_260  : i32 {
      %mul3A_268 = arith.constant 8 : i32
      %mul3A_269 = arith.muli %scan3A_267, %mul3A_268 : i32
      %add3A_270 = arith.constant 0 : i32
      %add3A_271 = arith.addi %add3A_270, %mul3A_269 : i32
      %add3A_272 = arith.constant 0 : i32
      %add3A_273 = arith.addi %add3A_271, %add3A_272 : i32
      %dma_wait3A_274 = arith.constant 0 : i32
      %dma_wait3A_275 = arith.constant 0 : i32
      %dma_wait3A_276 = arith.constant 0 : i32
      %dma_wait3A_277 = tpu.memref_slice %arg11[%dma_wait3A_274, %dma_wait3A_275, %dma_wait3A_276] : memref<8x128x16xf32, #tpu.memory_space<vmem>> -> memref<1x128x16xf32, #tpu.memory_space<vmem>>
      %dma_wait3A_278 = tpu.memref_squeeze %dma_wait3A_277 : memref<1x128x16xf32, #tpu.memory_space<vmem>> -> memref<128x16xf32, #tpu.memory_space<vmem>>
      %dma_wait3A_279 = arith.constant 0 : i32
      %dma_wait3A_280 = tpu.memref_slice %arg9[%add3A_273, %dma_wait3A_279] : memref<80x128xi32, #tpu.memory_space<vmem>> -> memref<1x128xi32, #tpu.memory_space<vmem>>
      %dma_wait3A_281 = tpu.memref_squeeze %dma_wait3A_280 : memref<1x128xi32, #tpu.memory_space<vmem>> -> memref<128xi32, #tpu.memory_space<vmem>>
      %dma_wait3A_282 = arith.constant 0 : i32
      %dma_wait3A_283 = arith.constant 0 : i32
      %dma_wait3A_284 = tpu.memref_slice %arg14[%dma_wait3A_282, %dma_wait3A_283] : memref<10240x16xf32, #tpu.memory_space<vmem_shared>> -> memref<10240x16xf32, #tpu.memory_space<vmem_shared>>
      tpu.wait_indirect_dma semaphore(%arg15 : memref<!tpu.dma_semaphore, #tpu.memory_space<semaphore_mem>>) src(%dma_wait3A_284 : memref<10240x16xf32, #tpu.memory_space<vmem_shared>>) dst(%dma_wait3A_278 : memref<128x16xf32, #tpu.memory_space<vmem>>)
      %run_scoped3A = arith.constant 0 : i32
      "tpu.region"() ({
        %run_scoped3A_438 = tpu.sem_alloc : memref<!tpu.dma_semaphore, #tpu.memory_space<semaphore_mem>>
        %dma_start3A_439 = arith.constant 0 : i32
        %dma_start3A_440 = arith.constant 0 : i32
        %dma_start3A_441 = tpu.memref_slice %arg11[%run_scoped3A, %dma_start3A_439, %dma_start3A_440] : memref<8x128x16xf32, #tpu.memory_space<vmem>> -> memref<1x128x16xf32, #tpu.memory_space<vmem>>
        %dma_start3A_442 = tpu.memref_squeeze %dma_start3A_441 : memref<1x128x16xf32, #tpu.memory_space<vmem>> -> memref<128x16xf32, #tpu.memory_space<vmem>>
        %dma_start3A_443 = arith.constant 0 : i32
        %dma_start3A_444 = tpu.memref_slice %arg10[%add3A_273, %dma_start3A_443] : memref<80x128xi32, #tpu.memory_space<vmem>> -> memref<1x128xi32, #tpu.memory_space<vmem>>
        %dma_start3A_445 = tpu.memref_squeeze %dma_start3A_444 : memref<1x128xi32, #tpu.memory_space<vmem>> -> memref<128xi32, #tpu.memory_space<vmem>>
        %dma_start3A_446 = arith.constant 0 : i32
        %dma_start3A_447 = arith.constant 0 : i32
        %dma_start3A_448 = tpu.memref_slice %arg13[%dma_start3A_446, %dma_start3A_447] : memref<10240x16xf32, #tpu.memory_space<vmem_shared>> -> memref<10240x16xf32, #tpu.memory_space<vmem_shared>>
        tpu.enqueue_indirect_dma source(%dma_start3A_442 : memref<128x16xf32, #tpu.memory_space<vmem>>) target(%dma_start3A_448 : memref<10240x16xf32, #tpu.memory_space<vmem_shared>>) offsets(%dma_start3A_445 : memref<128xi32, #tpu.memory_space<vmem>>) semaphore(%run_scoped3A_438 : memref<!tpu.dma_semaphore, #tpu.memory_space<semaphore_mem>>) {add = true}
        %dma_wait3A_449 = arith.constant 0 : i32
        %dma_wait3A_450 = arith.constant 0 : i32
        %dma_wait3A_451 = tpu.memref_slice %arg11[%run_scoped3A, %dma_wait3A_449, %dma_wait3A_450] : memref<8x128x16xf32, #tpu.memory_space<vmem>> -> memref<1x128x16xf32, #tpu.memory_space<vmem>>
        %dma_wait3A_452 = tpu.memref_squeeze %dma_wait3A_451 : memref<1x128x16xf32, #tpu.memory_space<vmem>> -> memref<128x16xf32, #tpu.memory_space<vmem>>
        %dma_wait3A_453 = arith.constant 0 : i32
        %dma_wait3A_454 = tpu.memref_slice %arg10[%add3A_273, %dma_wait3A_453] : memref<80x128xi32, #tpu.memory_space<vmem>> -> memref<1x128xi32, #tpu.memory_space<vmem>>
        %dma_wait3A_455 = tpu.memref_squeeze %dma_wait3A_454 : memref<1x128xi32, #tpu.memory_space<vmem>> -> memref<128xi32, #tpu.memory_space<vmem>>
        %dma_wait3A_456 = arith.constant 0 : i32
        %dma_wait3A_457 = arith.constant 0 : i32
        %dma_wait3A_458 = tpu.memref_slice %arg13[%dma_wait3A_456, %dma_wait3A_457] : memref<10240x16xf32, #tpu.memory_space<vmem_shared>> -> memref<10240x16xf32, #tpu.memory_space<vmem_shared>>
        tpu.wait_indirect_dma semaphore(%run_scoped3A_438 : memref<!tpu.dma_semaphore, #tpu.memory_space<semaphore_mem>>) src(%dma_wait3A_452 : memref<128x16xf32, #tpu.memory_space<vmem>>) dst(%dma_wait3A_458 : memref<10240x16xf32, #tpu.memory_space<vmem_shared>>)
        tpu.yield
      }) : () -> ()
      %add3A_285 = arith.constant 8 : i32
      %add3A_286 = arith.addi %add3A_273, %add3A_285 : i32
      %lt3A = arith.constant 80 : i32
      %lt3A_287 = arith.cmpi slt, %add3A_286, %lt3A : i32
      %convert_element_type3A_288 = arith.extui %lt3A_287 : i1 to i32
      %cond3A_289 = arith.constant 0 : i32
      %cond3A_290 = arith.cmpi ne, %convert_element_type3A_288, %cond3A_289 : i32
      scf.if %cond3A_290 {
        %add3A_438 = arith.constant 8 : i32
        %add3A_439 = arith.addi %add3A_273, %add3A_438 : i32
        %dma_start3A_440 = arith.constant 0 : i32
        %dma_start3A_441 = arith.constant 0 : i32
        %dma_start3A_442 = arith.constant 0 : i32
        %dma_start3A_443 = tpu.memref_slice %arg11[%dma_start3A_440, %dma_start3A_441, %dma_start3A_442] : memref<8x128x16xf32, #tpu.memory_space<vmem>> -> memref<1x128x16xf32, #tpu.memory_space<vmem>>
        %dma_start3A_444 = tpu.memref_squeeze %dma_start3A_443 : memref<1x128x16xf32, #tpu.memory_space<vmem>> -> memref<128x16xf32, #tpu.memory_space<vmem>>
        %dma_start3A_445 = arith.constant 0 : i32
        %dma_start3A_446 = tpu.memref_slice %arg9[%add3A_439, %dma_start3A_445] : memref<80x128xi32, #tpu.memory_space<vmem>> -> memref<1x128xi32, #tpu.memory_space<vmem>>
        %dma_start3A_447 = tpu.memref_squeeze %dma_start3A_446 : memref<1x128xi32, #tpu.memory_space<vmem>> -> memref<128xi32, #tpu.memory_space<vmem>>
        %dma_start3A_448 = arith.constant 0 : i32
        %dma_start3A_449 = arith.constant 0 : i32
        %dma_start3A_450 = tpu.memref_slice %arg14[%dma_start3A_448, %dma_start3A_449] : memref<10240x16xf32, #tpu.memory_space<vmem_shared>> -> memref<10240x16xf32, #tpu.memory_space<vmem_shared>>
        tpu.enqueue_indirect_dma source(%dma_start3A_450 : memref<10240x16xf32, #tpu.memory_space<vmem_shared>>) target(%dma_start3A_444 : memref<128x16xf32, #tpu.memory_space<vmem>>) offsets(%dma_start3A_447 : memref<128xi32, #tpu.memory_space<vmem>>) semaphore(%arg15 : memref<!tpu.dma_semaphore, #tpu.memory_space<semaphore_mem>>)
      } else {
      }
      %add3A_291 = arith.constant 1 : i32
      %add3A_292 = arith.addi %add3A_271, %add3A_291 : i32
      %dma_wait3A_293 = arith.constant 1 : i32
      %dma_wait3A_294 = arith.constant 0 : i32
      %dma_wait3A_295 = arith.constant 0 : i32
      %dma_wait3A_296 = tpu.memref_slice %arg11[%dma_wait3A_293, %dma_wait3A_294, %dma_wait3A_295] : memref<8x128x16xf32, #tpu.memory_space<vmem>> -> memref<1x128x16xf32, #tpu.memory_space<vmem>>
      %dma_wait3A_297 = tpu.memref_squeeze %dma_wait3A_296 : memref<1x128x16xf32, #tpu.memory_space<vmem>> -> memref<128x16xf32, #tpu.memory_space<vmem>>
      %dma_wait3A_298 = arith.constant 0 : i32
      %dma_wait3A_299 = tpu.memref_slice %arg9[%add3A_292, %dma_wait3A_298] : memref<80x128xi32, #tpu.memory_space<vmem>> -> memref<1x128xi32, #tpu.memory_space<vmem>>
      %dma_wait3A_300 = tpu.memref_squeeze %dma_wait3A_299 : memref<1x128xi32, #tpu.memory_space<vmem>> -> memref<128xi32, #tpu.memory_space<vmem>>
      %dma_wait3A_301 = arith.constant 0 : i32
      %dma_wait3A_302 = arith.constant 0 : i32
      %dma_wait3A_303 = tpu.memref_slice %arg14[%dma_wait3A_301, %dma_wait3A_302] : memref<10240x16xf32, #tpu.memory_space<vmem_shared>> -> memref<10240x16xf32, #tpu.memory_space<vmem_shared>>
      tpu.wait_indirect_dma semaphore(%arg16 : memref<!tpu.dma_semaphore, #tpu.memory_space<semaphore_mem>>) src(%dma_wait3A_303 : memref<10240x16xf32, #tpu.memory_space<vmem_shared>>) dst(%dma_wait3A_297 : memref<128x16xf32, #tpu.memory_space<vmem>>)
      %run_scoped3A_304 = arith.constant 1 : i32
      "tpu.region"() ({
        %run_scoped3A_438 = tpu.sem_alloc : memref<!tpu.dma_semaphore, #tpu.memory_space<semaphore_mem>>
        %dma_start3A_439 = arith.constant 0 : i32
        %dma_start3A_440 = arith.constant 0 : i32
        %dma_start3A_441 = tpu.memref_slice %arg11[%run_scoped3A_304, %dma_start3A_439, %dma_start3A_440] : memref<8x128x16xf32, #tpu.memory_space<vmem>> -> memref<1x128x16xf32, #tpu.memory_space<vmem>>
        %dma_start3A_442 = tpu.memref_squeeze %dma_start3A_441 : memref<1x128x16xf32, #tpu.memory_space<vmem>> -> memref<128x16xf32, #tpu.memory_space<vmem>>
        %dma_start3A_443 = arith.constant 0 : i32
        %dma_start3A_444 = tpu.memref_slice %arg10[%add3A_292, %dma_start3A_443] : memref<80x128xi32, #tpu.memory_space<vmem>> -> memref<1x128xi32, #tpu.memory_space<vmem>>
        %dma_start3A_445 = tpu.memref_squeeze %dma_start3A_444 : memref<1x128xi32, #tpu.memory_space<vmem>> -> memref<128xi32, #tpu.memory_space<vmem>>
        %dma_start3A_446 = arith.constant 0 : i32
        %dma_start3A_447 = arith.constant 0 : i32
        %dma_start3A_448 = tpu.memref_slice %arg13[%dma_start3A_446, %dma_start3A_447] : memref<10240x16xf32, #tpu.memory_space<vmem_shared>> -> memref<10240x16xf32, #tpu.memory_space<vmem_shared>>
        tpu.enqueue_indirect_dma source(%dma_start3A_442 : memref<128x16xf32, #tpu.memory_space<vmem>>) target(%dma_start3A_448 : memref<10240x16xf32, #tpu.memory_space<vmem_shared>>) offsets(%dma_start3A_445 : memref<128xi32, #tpu.memory_space<vmem>>) semaphore(%run_scoped3A_438 : memref<!tpu.dma_semaphore, #tpu.memory_space<semaphore_mem>>) {add = true}
        %dma_wait3A_449 = arith.constant 0 : i32
        %dma_wait3A_450 = arith.constant 0 : i32
        %dma_wait3A_451 = tpu.memref_slice %arg11[%run_scoped3A_304, %dma_wait3A_449, %dma_wait3A_450] : memref<8x128x16xf32, #tpu.memory_space<vmem>> -> memref<1x128x16xf32, #tpu.memory_space<vmem>>
        %dma_wait3A_452 = tpu.memref_squeeze %dma_wait3A_451 : memref<1x128x16xf32, #tpu.memory_space<vmem>> -> memref<128x16xf32, #tpu.memory_space<vmem>>
        %dma_wait3A_453 = arith.constant 0 : i32
        %dma_wait3A_454 = tpu.memref_slice %arg10[%add3A_292, %dma_wait3A_453] : memref<80x128xi32, #tpu.memory_space<vmem>> -> memref<1x128xi32, #tpu.memory_space<vmem>>
        %dma_wait3A_455 = tpu.memref_squeeze %dma_wait3A_454 : memref<1x128xi32, #tpu.memory_space<vmem>> -> memref<128xi32, #tpu.memory_space<vmem>>
        %dma_wait3A_456 = arith.constant 0 : i32
        %dma_wait3A_457 = arith.constant 0 : i32
        %dma_wait3A_458 = tpu.memref_slice %arg13[%dma_wait3A_456, %dma_wait3A_457] : memref<10240x16xf32, #tpu.memory_space<vmem_shared>> -> memref<10240x16xf32, #tpu.memory_space<vmem_shared>>
        tpu.wait_indirect_dma semaphore(%run_scoped3A_438 : memref<!tpu.dma_semaphore, #tpu.memory_space<semaphore_mem>>) src(%dma_wait3A_452 : memref<128x16xf32, #tpu.memory_space<vmem>>) dst(%dma_wait3A_458 : memref<10240x16xf32, #tpu.memory_space<vmem_shared>>)
        tpu.yield
      }) : () -> ()
      %add3A_305 = arith.constant 8 : i32
      %add3A_306 = arith.addi %add3A_292, %add3A_305 : i32
      %lt3A_307 = arith.constant 80 : i32
      %lt3A_308 = arith.cmpi slt, %add3A_306, %lt3A_307 : i32
      %convert_element_type3A_309 = arith.extui %lt3A_308 : i1 to i32
      %cond3A_310 = arith.constant 0 : i32
      %cond3A_311 = arith.cmpi ne, %convert_element_type3A_309, %cond3A_310 : i32
      scf.if %cond3A_311 {
        %add3A_438 = arith.constant 8 : i32
        %add3A_439 = arith.addi %add3A_292, %add3A_438 : i32
        %dma_start3A_440 = arith.constant 1 : i32
        %dma_start3A_441 = arith.constant 0 : i32
        %dma_start3A_442 = arith.constant 0 : i32
        %dma_start3A_443 = tpu.memref_slice %arg11[%dma_start3A_440, %dma_start3A_441, %dma_start3A_442] : memref<8x128x16xf32, #tpu.memory_space<vmem>> -> memref<1x128x16xf32, #tpu.memory_space<vmem>>
        %dma_start3A_444 = tpu.memref_squeeze %dma_start3A_443 : memref<1x128x16xf32, #tpu.memory_space<vmem>> -> memref<128x16xf32, #tpu.memory_space<vmem>>
        %dma_start3A_445 = arith.constant 0 : i32
        %dma_start3A_446 = tpu.memref_slice %arg9[%add3A_439, %dma_start3A_445] : memref<80x128xi32, #tpu.memory_space<vmem>> -> memref<1x128xi32, #tpu.memory_space<vmem>>
        %dma_start3A_447 = tpu.memref_squeeze %dma_start3A_446 : memref<1x128xi32, #tpu.memory_space<vmem>> -> memref<128xi32, #tpu.memory_space<vmem>>
        %dma_start3A_448 = arith.constant 0 : i32
        %dma_start3A_449 = arith.constant 0 : i32
        %dma_start3A_450 = tpu.memref_slice %arg14[%dma_start3A_448, %dma_start3A_449] : memref<10240x16xf32, #tpu.memory_space<vmem_shared>> -> memref<10240x16xf32, #tpu.memory_space<vmem_shared>>
        tpu.enqueue_indirect_dma source(%dma_start3A_450 : memref<10240x16xf32, #tpu.memory_space<vmem_shared>>) target(%dma_start3A_444 : memref<128x16xf32, #tpu.memory_space<vmem>>) offsets(%dma_start3A_447 : memref<128xi32, #tpu.memory_space<vmem>>) semaphore(%arg16 : memref<!tpu.dma_semaphore, #tpu.memory_space<semaphore_mem>>)
      } else {
      }
      %add3A_312 = arith.constant 2 : i32
      %add3A_313 = arith.addi %add3A_271, %add3A_312 : i32
      %dma_wait3A_314 = arith.constant 2 : i32
      %dma_wait3A_315 = arith.constant 0 : i32
      %dma_wait3A_316 = arith.constant 0 : i32
      %dma_wait3A_317 = tpu.memref_slice %arg11[%dma_wait3A_314, %dma_wait3A_315, %dma_wait3A_316] : memref<8x128x16xf32, #tpu.memory_space<vmem>> -> memref<1x128x16xf32, #tpu.memory_space<vmem>>
      %dma_wait3A_318 = tpu.memref_squeeze %dma_wait3A_317 : memref<1x128x16xf32, #tpu.memory_space<vmem>> -> memref<128x16xf32, #tpu.memory_space<vmem>>
      %dma_wait3A_319 = arith.constant 0 : i32
      %dma_wait3A_320 = tpu.memref_slice %arg9[%add3A_313, %dma_wait3A_319] : memref<80x128xi32, #tpu.memory_space<vmem>> -> memref<1x128xi32, #tpu.memory_space<vmem>>
      %dma_wait3A_321 = tpu.memref_squeeze %dma_wait3A_320 : memref<1x128xi32, #tpu.memory_space<vmem>> -> memref<128xi32, #tpu.memory_space<vmem>>
      %dma_wait3A_322 = arith.constant 0 : i32
      %dma_wait3A_323 = arith.constant 0 : i32
      %dma_wait3A_324 = tpu.memref_slice %arg14[%dma_wait3A_322, %dma_wait3A_323] : memref<10240x16xf32, #tpu.memory_space<vmem_shared>> -> memref<10240x16xf32, #tpu.memory_space<vmem_shared>>
      tpu.wait_indirect_dma semaphore(%arg17 : memref<!tpu.dma_semaphore, #tpu.memory_space<semaphore_mem>>) src(%dma_wait3A_324 : memref<10240x16xf32, #tpu.memory_space<vmem_shared>>) dst(%dma_wait3A_318 : memref<128x16xf32, #tpu.memory_space<vmem>>)
      %run_scoped3A_325 = arith.constant 2 : i32
      "tpu.region"() ({
        %run_scoped3A_438 = tpu.sem_alloc : memref<!tpu.dma_semaphore, #tpu.memory_space<semaphore_mem>>
        %dma_start3A_439 = arith.constant 0 : i32
        %dma_start3A_440 = arith.constant 0 : i32
        %dma_start3A_441 = tpu.memref_slice %arg11[%run_scoped3A_325, %dma_start3A_439, %dma_start3A_440] : memref<8x128x16xf32, #tpu.memory_space<vmem>> -> memref<1x128x16xf32, #tpu.memory_space<vmem>>
        %dma_start3A_442 = tpu.memref_squeeze %dma_start3A_441 : memref<1x128x16xf32, #tpu.memory_space<vmem>> -> memref<128x16xf32, #tpu.memory_space<vmem>>
        %dma_start3A_443 = arith.constant 0 : i32
        %dma_start3A_444 = tpu.memref_slice %arg10[%add3A_313, %dma_start3A_443] : memref<80x128xi32, #tpu.memory_space<vmem>> -> memref<1x128xi32, #tpu.memory_space<vmem>>
        %dma_start3A_445 = tpu.memref_squeeze %dma_start3A_444 : memref<1x128xi32, #tpu.memory_space<vmem>> -> memref<128xi32, #tpu.memory_space<vmem>>
        %dma_start3A_446 = arith.constant 0 : i32
        %dma_start3A_447 = arith.constant 0 : i32
        %dma_start3A_448 = tpu.memref_slice %arg13[%dma_start3A_446, %dma_start3A_447] : memref<10240x16xf32, #tpu.memory_space<vmem_shared>> -> memref<10240x16xf32, #tpu.memory_space<vmem_shared>>
        tpu.enqueue_indirect_dma source(%dma_start3A_442 : memref<128x16xf32, #tpu.memory_space<vmem>>) target(%dma_start3A_448 : memref<10240x16xf32, #tpu.memory_space<vmem_shared>>) offsets(%dma_start3A_445 : memref<128xi32, #tpu.memory_space<vmem>>) semaphore(%run_scoped3A_438 : memref<!tpu.dma_semaphore, #tpu.memory_space<semaphore_mem>>) {add = true}
        %dma_wait3A_449 = arith.constant 0 : i32
        %dma_wait3A_450 = arith.constant 0 : i32
        %dma_wait3A_451 = tpu.memref_slice %arg11[%run_scoped3A_325, %dma_wait3A_449, %dma_wait3A_450] : memref<8x128x16xf32, #tpu.memory_space<vmem>> -> memref<1x128x16xf32, #tpu.memory_space<vmem>>
        %dma_wait3A_452 = tpu.memref_squeeze %dma_wait3A_451 : memref<1x128x16xf32, #tpu.memory_space<vmem>> -> memref<128x16xf32, #tpu.memory_space<vmem>>
        %dma_wait3A_453 = arith.constant 0 : i32
        %dma_wait3A_454 = tpu.memref_slice %arg10[%add3A_313, %dma_wait3A_453] : memref<80x128xi32, #tpu.memory_space<vmem>> -> memref<1x128xi32, #tpu.memory_space<vmem>>
        %dma_wait3A_455 = tpu.memref_squeeze %dma_wait3A_454 : memref<1x128xi32, #tpu.memory_space<vmem>> -> memref<128xi32, #tpu.memory_space<vmem>>
        %dma_wait3A_456 = arith.constant 0 : i32
        %dma_wait3A_457 = arith.constant 0 : i32
        %dma_wait3A_458 = tpu.memref_slice %arg13[%dma_wait3A_456, %dma_wait3A_457] : memref<10240x16xf32, #tpu.memory_space<vmem_shared>> -> memref<10240x16xf32, #tpu.memory_space<vmem_shared>>
        tpu.wait_indirect_dma semaphore(%run_scoped3A_438 : memref<!tpu.dma_semaphore, #tpu.memory_space<semaphore_mem>>) src(%dma_wait3A_452 : memref<128x16xf32, #tpu.memory_space<vmem>>) dst(%dma_wait3A_458 : memref<10240x16xf32, #tpu.memory_space<vmem_shared>>)
        tpu.yield
      }) : () -> ()
      %add3A_326 = arith.constant 8 : i32
      %add3A_327 = arith.addi %add3A_313, %add3A_326 : i32
      %lt3A_328 = arith.constant 80 : i32
      %lt3A_329 = arith.cmpi slt, %add3A_327, %lt3A_328 : i32
      %convert_element_type3A_330 = arith.extui %lt3A_329 : i1 to i32
      %cond3A_331 = arith.constant 0 : i32
      %cond3A_332 = arith.cmpi ne, %convert_element_type3A_330, %cond3A_331 : i32
      scf.if %cond3A_332 {
        %add3A_438 = arith.constant 8 : i32
        %add3A_439 = arith.addi %add3A_313, %add3A_438 : i32
        %dma_start3A_440 = arith.constant 2 : i32
        %dma_start3A_441 = arith.constant 0 : i32
        %dma_start3A_442 = arith.constant 0 : i32
        %dma_start3A_443 = tpu.memref_slice %arg11[%dma_start3A_440, %dma_start3A_441, %dma_start3A_442] : memref<8x128x16xf32, #tpu.memory_space<vmem>> -> memref<1x128x16xf32, #tpu.memory_space<vmem>>
        %dma_start3A_444 = tpu.memref_squeeze %dma_start3A_443 : memref<1x128x16xf32, #tpu.memory_space<vmem>> -> memref<128x16xf32, #tpu.memory_space<vmem>>
        %dma_start3A_445 = arith.constant 0 : i32
        %dma_start3A_446 = tpu.memref_slice %arg9[%add3A_439, %dma_start3A_445] : memref<80x128xi32, #tpu.memory_space<vmem>> -> memref<1x128xi32, #tpu.memory_space<vmem>>
        %dma_start3A_447 = tpu.memref_squeeze %dma_start3A_446 : memref<1x128xi32, #tpu.memory_space<vmem>> -> memref<128xi32, #tpu.memory_space<vmem>>
        %dma_start3A_448 = arith.constant 0 : i32
        %dma_start3A_449 = arith.constant 0 : i32
        %dma_start3A_450 = tpu.memref_slice %arg14[%dma_start3A_448, %dma_start3A_449] : memref<10240x16xf32, #tpu.memory_space<vmem_shared>> -> memref<10240x16xf32, #tpu.memory_space<vmem_shared>>
        tpu.enqueue_indirect_dma source(%dma_start3A_450 : memref<10240x16xf32, #tpu.memory_space<vmem_shared>>) target(%dma_start3A_444 : memref<128x16xf32, #tpu.memory_space<vmem>>) offsets(%dma_start3A_447 : memref<128xi32, #tpu.memory_space<vmem>>) semaphore(%arg17 : memref<!tpu.dma_semaphore, #tpu.memory_space<semaphore_mem>>)
      } else {
      }
      %add3A_333 = arith.constant 3 : i32
      %add3A_334 = arith.addi %add3A_271, %add3A_333 : i32
      %dma_wait3A_335 = arith.constant 3 : i32
      %dma_wait3A_336 = arith.constant 0 : i32
      %dma_wait3A_337 = arith.constant 0 : i32
      %dma_wait3A_338 = tpu.memref_slice %arg11[%dma_wait3A_335, %dma_wait3A_336, %dma_wait3A_337] : memref<8x128x16xf32, #tpu.memory_space<vmem>> -> memref<1x128x16xf32, #tpu.memory_space<vmem>>
      %dma_wait3A_339 = tpu.memref_squeeze %dma_wait3A_338 : memref<1x128x16xf32, #tpu.memory_space<vmem>> -> memref<128x16xf32, #tpu.memory_space<vmem>>
      %dma_wait3A_340 = arith.constant 0 : i32
      %dma_wait3A_341 = tpu.memref_slice %arg9[%add3A_334, %dma_wait3A_340] : memref<80x128xi32, #tpu.memory_space<vmem>> -> memref<1x128xi32, #tpu.memory_space<vmem>>
      %dma_wait3A_342 = tpu.memref_squeeze %dma_wait3A_341 : memref<1x128xi32, #tpu.memory_space<vmem>> -> memref<128xi32, #tpu.memory_space<vmem>>
      %dma_wait3A_343 = arith.constant 0 : i32
      %dma_wait3A_344 = arith.constant 0 : i32
      %dma_wait3A_345 = tpu.memref_slice %arg14[%dma_wait3A_343, %dma_wait3A_344] : memref<10240x16xf32, #tpu.memory_space<vmem_shared>> -> memref<10240x16xf32, #tpu.memory_space<vmem_shared>>
      tpu.wait_indirect_dma semaphore(%arg18 : memref<!tpu.dma_semaphore, #tpu.memory_space<semaphore_mem>>) src(%dma_wait3A_345 : memref<10240x16xf32, #tpu.memory_space<vmem_shared>>) dst(%dma_wait3A_339 : memref<128x16xf32, #tpu.memory_space<vmem>>)
      %run_scoped3A_346 = arith.constant 3 : i32
      "tpu.region"() ({
        %run_scoped3A_438 = tpu.sem_alloc : memref<!tpu.dma_semaphore, #tpu.memory_space<semaphore_mem>>
        %dma_start3A_439 = arith.constant 0 : i32
        %dma_start3A_440 = arith.constant 0 : i32
        %dma_start3A_441 = tpu.memref_slice %arg11[%run_scoped3A_346, %dma_start3A_439, %dma_start3A_440] : memref<8x128x16xf32, #tpu.memory_space<vmem>> -> memref<1x128x16xf32, #tpu.memory_space<vmem>>
        %dma_start3A_442 = tpu.memref_squeeze %dma_start3A_441 : memref<1x128x16xf32, #tpu.memory_space<vmem>> -> memref<128x16xf32, #tpu.memory_space<vmem>>
        %dma_start3A_443 = arith.constant 0 : i32
        %dma_start3A_444 = tpu.memref_slice %arg10[%add3A_334, %dma_start3A_443] : memref<80x128xi32, #tpu.memory_space<vmem>> -> memref<1x128xi32, #tpu.memory_space<vmem>>
        %dma_start3A_445 = tpu.memref_squeeze %dma_start3A_444 : memref<1x128xi32, #tpu.memory_space<vmem>> -> memref<128xi32, #tpu.memory_space<vmem>>
        %dma_start3A_446 = arith.constant 0 : i32
        %dma_start3A_447 = arith.constant 0 : i32
        %dma_start3A_448 = tpu.memref_slice %arg13[%dma_start3A_446, %dma_start3A_447] : memref<10240x16xf32, #tpu.memory_space<vmem_shared>> -> memref<10240x16xf32, #tpu.memory_space<vmem_shared>>
        tpu.enqueue_indirect_dma source(%dma_start3A_442 : memref<128x16xf32, #tpu.memory_space<vmem>>) target(%dma_start3A_448 : memref<10240x16xf32, #tpu.memory_space<vmem_shared>>) offsets(%dma_start3A_445 : memref<128xi32, #tpu.memory_space<vmem>>) semaphore(%run_scoped3A_438 : memref<!tpu.dma_semaphore, #tpu.memory_space<semaphore_mem>>) {add = true}
        %dma_wait3A_449 = arith.constant 0 : i32
        %dma_wait3A_450 = arith.constant 0 : i32
        %dma_wait3A_451 = tpu.memref_slice %arg11[%run_scoped3A_346, %dma_wait3A_449, %dma_wait3A_450] : memref<8x128x16xf32, #tpu.memory_space<vmem>> -> memref<1x128x16xf32, #tpu.memory_space<vmem>>
        %dma_wait3A_452 = tpu.memref_squeeze %dma_wait3A_451 : memref<1x128x16xf32, #tpu.memory_space<vmem>> -> memref<128x16xf32, #tpu.memory_space<vmem>>
        %dma_wait3A_453 = arith.constant 0 : i32
        %dma_wait3A_454 = tpu.memref_slice %arg10[%add3A_334, %dma_wait3A_453] : memref<80x128xi32, #tpu.memory_space<vmem>> -> memref<1x128xi32, #tpu.memory_space<vmem>>
        %dma_wait3A_455 = tpu.memref_squeeze %dma_wait3A_454 : memref<1x128xi32, #tpu.memory_space<vmem>> -> memref<128xi32, #tpu.memory_space<vmem>>
        %dma_wait3A_456 = arith.constant 0 : i32
        %dma_wait3A_457 = arith.constant 0 : i32
        %dma_wait3A_458 = tpu.memref_slice %arg13[%dma_wait3A_456, %dma_wait3A_457] : memref<10240x16xf32, #tpu.memory_space<vmem_shared>> -> memref<10240x16xf32, #tpu.memory_space<vmem_shared>>
        tpu.wait_indirect_dma semaphore(%run_scoped3A_438 : memref<!tpu.dma_semaphore, #tpu.memory_space<semaphore_mem>>) src(%dma_wait3A_452 : memref<128x16xf32, #tpu.memory_space<vmem>>) dst(%dma_wait3A_458 : memref<10240x16xf32, #tpu.memory_space<vmem_shared>>)
        tpu.yield
      }) : () -> ()
      %add3A_347 = arith.constant 8 : i32
      %add3A_348 = arith.addi %add3A_334, %add3A_347 : i32
      %lt3A_349 = arith.constant 80 : i32
      %lt3A_350 = arith.cmpi slt, %add3A_348, %lt3A_349 : i32
      %convert_element_type3A_351 = arith.extui %lt3A_350 : i1 to i32
      %cond3A_352 = arith.constant 0 : i32
      %cond3A_353 = arith.cmpi ne, %convert_element_type3A_351, %cond3A_352 : i32
      scf.if %cond3A_353 {
        %add3A_438 = arith.constant 8 : i32
        %add3A_439 = arith.addi %add3A_334, %add3A_438 : i32
        %dma_start3A_440 = arith.constant 3 : i32
        %dma_start3A_441 = arith.constant 0 : i32
        %dma_start3A_442 = arith.constant 0 : i32
        %dma_start3A_443 = tpu.memref_slice %arg11[%dma_start3A_440, %dma_start3A_441, %dma_start3A_442] : memref<8x128x16xf32, #tpu.memory_space<vmem>> -> memref<1x128x16xf32, #tpu.memory_space<vmem>>
        %dma_start3A_444 = tpu.memref_squeeze %dma_start3A_443 : memref<1x128x16xf32, #tpu.memory_space<vmem>> -> memref<128x16xf32, #tpu.memory_space<vmem>>
        %dma_start3A_445 = arith.constant 0 : i32
        %dma_start3A_446 = tpu.memref_slice %arg9[%add3A_439, %dma_start3A_445] : memref<80x128xi32, #tpu.memory_space<vmem>> -> memref<1x128xi32, #tpu.memory_space<vmem>>
        %dma_start3A_447 = tpu.memref_squeeze %dma_start3A_446 : memref<1x128xi32, #tpu.memory_space<vmem>> -> memref<128xi32, #tpu.memory_space<vmem>>
        %dma_start3A_448 = arith.constant 0 : i32
        %dma_start3A_449 = arith.constant 0 : i32
        %dma_start3A_450 = tpu.memref_slice %arg14[%dma_start3A_448, %dma_start3A_449] : memref<10240x16xf32, #tpu.memory_space<vmem_shared>> -> memref<10240x16xf32, #tpu.memory_space<vmem_shared>>
        tpu.enqueue_indirect_dma source(%dma_start3A_450 : memref<10240x16xf32, #tpu.memory_space<vmem_shared>>) target(%dma_start3A_444 : memref<128x16xf32, #tpu.memory_space<vmem>>) offsets(%dma_start3A_447 : memref<128xi32, #tpu.memory_space<vmem>>) semaphore(%arg18 : memref<!tpu.dma_semaphore, #tpu.memory_space<semaphore_mem>>)
      } else {
      }
      %add3A_354 = arith.constant 4 : i32
      %add3A_355 = arith.addi %add3A_271, %add3A_354 : i32
      %dma_wait3A_356 = arith.constant 4 : i32
      %dma_wait3A_357 = arith.constant 0 : i32
      %dma_wait3A_358 = arith.constant 0 : i32
      %dma_wait3A_359 = tpu.memref_slice %arg11[%dma_wait3A_356, %dma_wait3A_357, %dma_wait3A_358] : memref<8x128x16xf32, #tpu.memory_space<vmem>> -> memref<1x128x16xf32, #tpu.memory_space<vmem>>
      %dma_wait3A_360 = tpu.memref_squeeze %dma_wait3A_359 : memref<1x128x16xf32, #tpu.memory_space<vmem>> -> memref<128x16xf32, #tpu.memory_space<vmem>>
      %dma_wait3A_361 = arith.constant 0 : i32
      %dma_wait3A_362 = tpu.memref_slice %arg9[%add3A_355, %dma_wait3A_361] : memref<80x128xi32, #tpu.memory_space<vmem>> -> memref<1x128xi32, #tpu.memory_space<vmem>>
      %dma_wait3A_363 = tpu.memref_squeeze %dma_wait3A_362 : memref<1x128xi32, #tpu.memory_space<vmem>> -> memref<128xi32, #tpu.memory_space<vmem>>
      %dma_wait3A_364 = arith.constant 0 : i32
      %dma_wait3A_365 = arith.constant 0 : i32
      %dma_wait3A_366 = tpu.memref_slice %arg14[%dma_wait3A_364, %dma_wait3A_365] : memref<10240x16xf32, #tpu.memory_space<vmem_shared>> -> memref<10240x16xf32, #tpu.memory_space<vmem_shared>>
      tpu.wait_indirect_dma semaphore(%arg19 : memref<!tpu.dma_semaphore, #tpu.memory_space<semaphore_mem>>) src(%dma_wait3A_366 : memref<10240x16xf32, #tpu.memory_space<vmem_shared>>) dst(%dma_wait3A_360 : memref<128x16xf32, #tpu.memory_space<vmem>>)
      %run_scoped3A_367 = arith.constant 4 : i32
      "tpu.region"() ({
        %run_scoped3A_438 = tpu.sem_alloc : memref<!tpu.dma_semaphore, #tpu.memory_space<semaphore_mem>>
        %dma_start3A_439 = arith.constant 0 : i32
        %dma_start3A_440 = arith.constant 0 : i32
        %dma_start3A_441 = tpu.memref_slice %arg11[%run_scoped3A_367, %dma_start3A_439, %dma_start3A_440] : memref<8x128x16xf32, #tpu.memory_space<vmem>> -> memref<1x128x16xf32, #tpu.memory_space<vmem>>
        %dma_start3A_442 = tpu.memref_squeeze %dma_start3A_441 : memref<1x128x16xf32, #tpu.memory_space<vmem>> -> memref<128x16xf32, #tpu.memory_space<vmem>>
        %dma_start3A_443 = arith.constant 0 : i32
        %dma_start3A_444 = tpu.memref_slice %arg10[%add3A_355, %dma_start3A_443] : memref<80x128xi32, #tpu.memory_space<vmem>> -> memref<1x128xi32, #tpu.memory_space<vmem>>
        %dma_start3A_445 = tpu.memref_squeeze %dma_start3A_444 : memref<1x128xi32, #tpu.memory_space<vmem>> -> memref<128xi32, #tpu.memory_space<vmem>>
        %dma_start3A_446 = arith.constant 0 : i32
        %dma_start3A_447 = arith.constant 0 : i32
        %dma_start3A_448 = tpu.memref_slice %arg13[%dma_start3A_446, %dma_start3A_447] : memref<10240x16xf32, #tpu.memory_space<vmem_shared>> -> memref<10240x16xf32, #tpu.memory_space<vmem_shared>>
        tpu.enqueue_indirect_dma source(%dma_start3A_442 : memref<128x16xf32, #tpu.memory_space<vmem>>) target(%dma_start3A_448 : memref<10240x16xf32, #tpu.memory_space<vmem_shared>>) offsets(%dma_start3A_445 : memref<128xi32, #tpu.memory_space<vmem>>) semaphore(%run_scoped3A_438 : memref<!tpu.dma_semaphore, #tpu.memory_space<semaphore_mem>>) {add = true}
        %dma_wait3A_449 = arith.constant 0 : i32
        %dma_wait3A_450 = arith.constant 0 : i32
        %dma_wait3A_451 = tpu.memref_slice %arg11[%run_scoped3A_367, %dma_wait3A_449, %dma_wait3A_450] : memref<8x128x16xf32, #tpu.memory_space<vmem>> -> memref<1x128x16xf32, #tpu.memory_space<vmem>>
        %dma_wait3A_452 = tpu.memref_squeeze %dma_wait3A_451 : memref<1x128x16xf32, #tpu.memory_space<vmem>> -> memref<128x16xf32, #tpu.memory_space<vmem>>
        %dma_wait3A_453 = arith.constant 0 : i32
        %dma_wait3A_454 = tpu.memref_slice %arg10[%add3A_355, %dma_wait3A_453] : memref<80x128xi32, #tpu.memory_space<vmem>> -> memref<1x128xi32, #tpu.memory_space<vmem>>
        %dma_wait3A_455 = tpu.memref_squeeze %dma_wait3A_454 : memref<1x128xi32, #tpu.memory_space<vmem>> -> memref<128xi32, #tpu.memory_space<vmem>>
        %dma_wait3A_456 = arith.constant 0 : i32
        %dma_wait3A_457 = arith.constant 0 : i32
        %dma_wait3A_458 = tpu.memref_slice %arg13[%dma_wait3A_456, %dma_wait3A_457] : memref<10240x16xf32, #tpu.memory_space<vmem_shared>> -> memref<10240x16xf32, #tpu.memory_space<vmem_shared>>
        tpu.wait_indirect_dma semaphore(%run_scoped3A_438 : memref<!tpu.dma_semaphore, #tpu.memory_space<semaphore_mem>>) src(%dma_wait3A_452 : memref<128x16xf32, #tpu.memory_space<vmem>>) dst(%dma_wait3A_458 : memref<10240x16xf32, #tpu.memory_space<vmem_shared>>)
        tpu.yield
      }) : () -> ()
      %add3A_368 = arith.constant 8 : i32
      %add3A_369 = arith.addi %add3A_355, %add3A_368 : i32
      %lt3A_370 = arith.constant 80 : i32
      %lt3A_371 = arith.cmpi slt, %add3A_369, %lt3A_370 : i32
      %convert_element_type3A_372 = arith.extui %lt3A_371 : i1 to i32
      %cond3A_373 = arith.constant 0 : i32
      %cond3A_374 = arith.cmpi ne, %convert_element_type3A_372, %cond3A_373 : i32
      scf.if %cond3A_374 {
        %add3A_438 = arith.constant 8 : i32
        %add3A_439 = arith.addi %add3A_355, %add3A_438 : i32
        %dma_start3A_440 = arith.constant 4 : i32
        %dma_start3A_441 = arith.constant 0 : i32
        %dma_start3A_442 = arith.constant 0 : i32
        %dma_start3A_443 = tpu.memref_slice %arg11[%dma_start3A_440, %dma_start3A_441, %dma_start3A_442] : memref<8x128x16xf32, #tpu.memory_space<vmem>> -> memref<1x128x16xf32, #tpu.memory_space<vmem>>
        %dma_start3A_444 = tpu.memref_squeeze %dma_start3A_443 : memref<1x128x16xf32, #tpu.memory_space<vmem>> -> memref<128x16xf32, #tpu.memory_space<vmem>>
        %dma_start3A_445 = arith.constant 0 : i32
        %dma_start3A_446 = tpu.memref_slice %arg9[%add3A_439, %dma_start3A_445] : memref<80x128xi32, #tpu.memory_space<vmem>> -> memref<1x128xi32, #tpu.memory_space<vmem>>
        %dma_start3A_447 = tpu.memref_squeeze %dma_start3A_446 : memref<1x128xi32, #tpu.memory_space<vmem>> -> memref<128xi32, #tpu.memory_space<vmem>>
        %dma_start3A_448 = arith.constant 0 : i32
        %dma_start3A_449 = arith.constant 0 : i32
        %dma_start3A_450 = tpu.memref_slice %arg14[%dma_start3A_448, %dma_start3A_449] : memref<10240x16xf32, #tpu.memory_space<vmem_shared>> -> memref<10240x16xf32, #tpu.memory_space<vmem_shared>>
        tpu.enqueue_indirect_dma source(%dma_start3A_450 : memref<10240x16xf32, #tpu.memory_space<vmem_shared>>) target(%dma_start3A_444 : memref<128x16xf32, #tpu.memory_space<vmem>>) offsets(%dma_start3A_447 : memref<128xi32, #tpu.memory_space<vmem>>) semaphore(%arg19 : memref<!tpu.dma_semaphore, #tpu.memory_space<semaphore_mem>>)
      } else {
      }
      %add3A_375 = arith.constant 5 : i32
      %add3A_376 = arith.addi %add3A_271, %add3A_375 : i32
      %dma_wait3A_377 = arith.constant 5 : i32
      %dma_wait3A_378 = arith.constant 0 : i32
      %dma_wait3A_379 = arith.constant 0 : i32
      %dma_wait3A_380 = tpu.memref_slice %arg11[%dma_wait3A_377, %dma_wait3A_378, %dma_wait3A_379] : memref<8x128x16xf32, #tpu.memory_space<vmem>> -> memref<1x128x16xf32, #tpu.memory_space<vmem>>
      %dma_wait3A_381 = tpu.memref_squeeze %dma_wait3A_380 : memref<1x128x16xf32, #tpu.memory_space<vmem>> -> memref<128x16xf32, #tpu.memory_space<vmem>>
      %dma_wait3A_382 = arith.constant 0 : i32
      %dma_wait3A_383 = tpu.memref_slice %arg9[%add3A_376, %dma_wait3A_382] : memref<80x128xi32, #tpu.memory_space<vmem>> -> memref<1x128xi32, #tpu.memory_space<vmem>>
      %dma_wait3A_384 = tpu.memref_squeeze %dma_wait3A_383 : memref<1x128xi32, #tpu.memory_space<vmem>> -> memref<128xi32, #tpu.memory_space<vmem>>
      %dma_wait3A_385 = arith.constant 0 : i32
      %dma_wait3A_386 = arith.constant 0 : i32
      %dma_wait3A_387 = tpu.memref_slice %arg14[%dma_wait3A_385, %dma_wait3A_386] : memref<10240x16xf32, #tpu.memory_space<vmem_shared>> -> memref<10240x16xf32, #tpu.memory_space<vmem_shared>>
      tpu.wait_indirect_dma semaphore(%arg20 : memref<!tpu.dma_semaphore, #tpu.memory_space<semaphore_mem>>) src(%dma_wait3A_387 : memref<10240x16xf32, #tpu.memory_space<vmem_shared>>) dst(%dma_wait3A_381 : memref<128x16xf32, #tpu.memory_space<vmem>>)
      %run_scoped3A_388 = arith.constant 5 : i32
      "tpu.region"() ({
        %run_scoped3A_438 = tpu.sem_alloc : memref<!tpu.dma_semaphore, #tpu.memory_space<semaphore_mem>>
        %dma_start3A_439 = arith.constant 0 : i32
        %dma_start3A_440 = arith.constant 0 : i32
        %dma_start3A_441 = tpu.memref_slice %arg11[%run_scoped3A_388, %dma_start3A_439, %dma_start3A_440] : memref<8x128x16xf32, #tpu.memory_space<vmem>> -> memref<1x128x16xf32, #tpu.memory_space<vmem>>
        %dma_start3A_442 = tpu.memref_squeeze %dma_start3A_441 : memref<1x128x16xf32, #tpu.memory_space<vmem>> -> memref<128x16xf32, #tpu.memory_space<vmem>>
        %dma_start3A_443 = arith.constant 0 : i32
        %dma_start3A_444 = tpu.memref_slice %arg10[%add3A_376, %dma_start3A_443] : memref<80x128xi32, #tpu.memory_space<vmem>> -> memref<1x128xi32, #tpu.memory_space<vmem>>
        %dma_start3A_445 = tpu.memref_squeeze %dma_start3A_444 : memref<1x128xi32, #tpu.memory_space<vmem>> -> memref<128xi32, #tpu.memory_space<vmem>>
        %dma_start3A_446 = arith.constant 0 : i32
        %dma_start3A_447 = arith.constant 0 : i32
        %dma_start3A_448 = tpu.memref_slice %arg13[%dma_start3A_446, %dma_start3A_447] : memref<10240x16xf32, #tpu.memory_space<vmem_shared>> -> memref<10240x16xf32, #tpu.memory_space<vmem_shared>>
        tpu.enqueue_indirect_dma source(%dma_start3A_442 : memref<128x16xf32, #tpu.memory_space<vmem>>) target(%dma_start3A_448 : memref<10240x16xf32, #tpu.memory_space<vmem_shared>>) offsets(%dma_start3A_445 : memref<128xi32, #tpu.memory_space<vmem>>) semaphore(%run_scoped3A_438 : memref<!tpu.dma_semaphore, #tpu.memory_space<semaphore_mem>>) {add = true}
        %dma_wait3A_449 = arith.constant 0 : i32
        %dma_wait3A_450 = arith.constant 0 : i32
        %dma_wait3A_451 = tpu.memref_slice %arg11[%run_scoped3A_388, %dma_wait3A_449, %dma_wait3A_450] : memref<8x128x16xf32, #tpu.memory_space<vmem>> -> memref<1x128x16xf32, #tpu.memory_space<vmem>>
        %dma_wait3A_452 = tpu.memref_squeeze %dma_wait3A_451 : memref<1x128x16xf32, #tpu.memory_space<vmem>> -> memref<128x16xf32, #tpu.memory_space<vmem>>
        %dma_wait3A_453 = arith.constant 0 : i32
        %dma_wait3A_454 = tpu.memref_slice %arg10[%add3A_376, %dma_wait3A_453] : memref<80x128xi32, #tpu.memory_space<vmem>> -> memref<1x128xi32, #tpu.memory_space<vmem>>
        %dma_wait3A_455 = tpu.memref_squeeze %dma_wait3A_454 : memref<1x128xi32, #tpu.memory_space<vmem>> -> memref<128xi32, #tpu.memory_space<vmem>>
        %dma_wait3A_456 = arith.constant 0 : i32
        %dma_wait3A_457 = arith.constant 0 : i32
        %dma_wait3A_458 = tpu.memref_slice %arg13[%dma_wait3A_456, %dma_wait3A_457] : memref<10240x16xf32, #tpu.memory_space<vmem_shared>> -> memref<10240x16xf32, #tpu.memory_space<vmem_shared>>
        tpu.wait_indirect_dma semaphore(%run_scoped3A_438 : memref<!tpu.dma_semaphore, #tpu.memory_space<semaphore_mem>>) src(%dma_wait3A_452 : memref<128x16xf32, #tpu.memory_space<vmem>>) dst(%dma_wait3A_458 : memref<10240x16xf32, #tpu.memory_space<vmem_shared>>)
        tpu.yield
      }) : () -> ()
      %add3A_389 = arith.constant 8 : i32
      %add3A_390 = arith.addi %add3A_376, %add3A_389 : i32
      %lt3A_391 = arith.constant 80 : i32
      %lt3A_392 = arith.cmpi slt, %add3A_390, %lt3A_391 : i32
      %convert_element_type3A_393 = arith.extui %lt3A_392 : i1 to i32
      %cond3A_394 = arith.constant 0 : i32
      %cond3A_395 = arith.cmpi ne, %convert_element_type3A_393, %cond3A_394 : i32
      scf.if %cond3A_395 {
        %add3A_438 = arith.constant 8 : i32
        %add3A_439 = arith.addi %add3A_376, %add3A_438 : i32
        %dma_start3A_440 = arith.constant 5 : i32
        %dma_start3A_441 = arith.constant 0 : i32
        %dma_start3A_442 = arith.constant 0 : i32
        %dma_start3A_443 = tpu.memref_slice %arg11[%dma_start3A_440, %dma_start3A_441, %dma_start3A_442] : memref<8x128x16xf32, #tpu.memory_space<vmem>> -> memref<1x128x16xf32, #tpu.memory_space<vmem>>
        %dma_start3A_444 = tpu.memref_squeeze %dma_start3A_443 : memref<1x128x16xf32, #tpu.memory_space<vmem>> -> memref<128x16xf32, #tpu.memory_space<vmem>>
        %dma_start3A_445 = arith.constant 0 : i32
        %dma_start3A_446 = tpu.memref_slice %arg9[%add3A_439, %dma_start3A_445] : memref<80x128xi32, #tpu.memory_space<vmem>> -> memref<1x128xi32, #tpu.memory_space<vmem>>
        %dma_start3A_447 = tpu.memref_squeeze %dma_start3A_446 : memref<1x128xi32, #tpu.memory_space<vmem>> -> memref<128xi32, #tpu.memory_space<vmem>>
        %dma_start3A_448 = arith.constant 0 : i32
        %dma_start3A_449 = arith.constant 0 : i32
        %dma_start3A_450 = tpu.memref_slice %arg14[%dma_start3A_448, %dma_start3A_449] : memref<10240x16xf32, #tpu.memory_space<vmem_shared>> -> memref<10240x16xf32, #tpu.memory_space<vmem_shared>>
        tpu.enqueue_indirect_dma source(%dma_start3A_450 : memref<10240x16xf32, #tpu.memory_space<vmem_shared>>) target(%dma_start3A_444 : memref<128x16xf32, #tpu.memory_space<vmem>>) offsets(%dma_start3A_447 : memref<128xi32, #tpu.memory_space<vmem>>) semaphore(%arg20 : memref<!tpu.dma_semaphore, #tpu.memory_space<semaphore_mem>>)
      } else {
      }
      %add3A_396 = arith.constant 6 : i32
      %add3A_397 = arith.addi %add3A_271, %add3A_396 : i32
      %dma_wait3A_398 = arith.constant 6 : i32
      %dma_wait3A_399 = arith.constant 0 : i32
      %dma_wait3A_400 = arith.constant 0 : i32
      %dma_wait3A_401 = tpu.memref_slice %arg11[%dma_wait3A_398, %dma_wait3A_399, %dma_wait3A_400] : memref<8x128x16xf32, #tpu.memory_space<vmem>> -> memref<1x128x16xf32, #tpu.memory_space<vmem>>
      %dma_wait3A_402 = tpu.memref_squeeze %dma_wait3A_401 : memref<1x128x16xf32, #tpu.memory_space<vmem>> -> memref<128x16xf32, #tpu.memory_space<vmem>>
      %dma_wait3A_403 = arith.constant 0 : i32
      %dma_wait3A_404 = tpu.memref_slice %arg9[%add3A_397, %dma_wait3A_403] : memref<80x128xi32, #tpu.memory_space<vmem>> -> memref<1x128xi32, #tpu.memory_space<vmem>>
      %dma_wait3A_405 = tpu.memref_squeeze %dma_wait3A_404 : memref<1x128xi32, #tpu.memory_space<vmem>> -> memref<128xi32, #tpu.memory_space<vmem>>
      %dma_wait3A_406 = arith.constant 0 : i32
      %dma_wait3A_407 = arith.constant 0 : i32
      %dma_wait3A_408 = tpu.memref_slice %arg14[%dma_wait3A_406, %dma_wait3A_407] : memref<10240x16xf32, #tpu.memory_space<vmem_shared>> -> memref<10240x16xf32, #tpu.memory_space<vmem_shared>>
      tpu.wait_indirect_dma semaphore(%arg21 : memref<!tpu.dma_semaphore, #tpu.memory_space<semaphore_mem>>) src(%dma_wait3A_408 : memref<10240x16xf32, #tpu.memory_space<vmem_shared>>) dst(%dma_wait3A_402 : memref<128x16xf32, #tpu.memory_space<vmem>>)
      %run_scoped3A_409 = arith.constant 6 : i32
      "tpu.region"() ({
        %run_scoped3A_438 = tpu.sem_alloc : memref<!tpu.dma_semaphore, #tpu.memory_space<semaphore_mem>>
        %dma_start3A_439 = arith.constant 0 : i32
        %dma_start3A_440 = arith.constant 0 : i32
        %dma_start3A_441 = tpu.memref_slice %arg11[%run_scoped3A_409, %dma_start3A_439, %dma_start3A_440] : memref<8x128x16xf32, #tpu.memory_space<vmem>> -> memref<1x128x16xf32, #tpu.memory_space<vmem>>
        %dma_start3A_442 = tpu.memref_squeeze %dma_start3A_441 : memref<1x128x16xf32, #tpu.memory_space<vmem>> -> memref<128x16xf32, #tpu.memory_space<vmem>>
        %dma_start3A_443 = arith.constant 0 : i32
        %dma_start3A_444 = tpu.memref_slice %arg10[%add3A_397, %dma_start3A_443] : memref<80x128xi32, #tpu.memory_space<vmem>> -> memref<1x128xi32, #tpu.memory_space<vmem>>
        %dma_start3A_445 = tpu.memref_squeeze %dma_start3A_444 : memref<1x128xi32, #tpu.memory_space<vmem>> -> memref<128xi32, #tpu.memory_space<vmem>>
        %dma_start3A_446 = arith.constant 0 : i32
        %dma_start3A_447 = arith.constant 0 : i32
        %dma_start3A_448 = tpu.memref_slice %arg13[%dma_start3A_446, %dma_start3A_447] : memref<10240x16xf32, #tpu.memory_space<vmem_shared>> -> memref<10240x16xf32, #tpu.memory_space<vmem_shared>>
        tpu.enqueue_indirect_dma source(%dma_start3A_442 : memref<128x16xf32, #tpu.memory_space<vmem>>) target(%dma_start3A_448 : memref<10240x16xf32, #tpu.memory_space<vmem_shared>>) offsets(%dma_start3A_445 : memref<128xi32, #tpu.memory_space<vmem>>) semaphore(%run_scoped3A_438 : memref<!tpu.dma_semaphore, #tpu.memory_space<semaphore_mem>>) {add = true}
        %dma_wait3A_449 = arith.constant 0 : i32
        %dma_wait3A_450 = arith.constant 0 : i32
        %dma_wait3A_451 = tpu.memref_slice %arg11[%run_scoped3A_409, %dma_wait3A_449, %dma_wait3A_450] : memref<8x128x16xf32, #tpu.memory_space<vmem>> -> memref<1x128x16xf32, #tpu.memory_space<vmem>>
        %dma_wait3A_452 = tpu.memref_squeeze %dma_wait3A_451 : memref<1x128x16xf32, #tpu.memory_space<vmem>> -> memref<128x16xf32, #tpu.memory_space<vmem>>
        %dma_wait3A_453 = arith.constant 0 : i32
        %dma_wait3A_454 = tpu.memref_slice %arg10[%add3A_397, %dma_wait3A_453] : memref<80x128xi32, #tpu.memory_space<vmem>> -> memref<1x128xi32, #tpu.memory_space<vmem>>
        %dma_wait3A_455 = tpu.memref_squeeze %dma_wait3A_454 : memref<1x128xi32, #tpu.memory_space<vmem>> -> memref<128xi32, #tpu.memory_space<vmem>>
        %dma_wait3A_456 = arith.constant 0 : i32
        %dma_wait3A_457 = arith.constant 0 : i32
        %dma_wait3A_458 = tpu.memref_slice %arg13[%dma_wait3A_456, %dma_wait3A_457] : memref<10240x16xf32, #tpu.memory_space<vmem_shared>> -> memref<10240x16xf32, #tpu.memory_space<vmem_shared>>
        tpu.wait_indirect_dma semaphore(%run_scoped3A_438 : memref<!tpu.dma_semaphore, #tpu.memory_space<semaphore_mem>>) src(%dma_wait3A_452 : memref<128x16xf32, #tpu.memory_space<vmem>>) dst(%dma_wait3A_458 : memref<10240x16xf32, #tpu.memory_space<vmem_shared>>)
        tpu.yield
      }) : () -> ()
      %add3A_410 = arith.constant 8 : i32
      %add3A_411 = arith.addi %add3A_397, %add3A_410 : i32
      %lt3A_412 = arith.constant 80 : i32
      %lt3A_413 = arith.cmpi slt, %add3A_411, %lt3A_412 : i32
      %convert_element_type3A_414 = arith.extui %lt3A_413 : i1 to i32
      %cond3A_415 = arith.constant 0 : i32
      %cond3A_416 = arith.cmpi ne, %convert_element_type3A_414, %cond3A_415 : i32
      scf.if %cond3A_416 {
        %add3A_438 = arith.constant 8 : i32
        %add3A_439 = arith.addi %add3A_397, %add3A_438 : i32
        %dma_start3A_440 = arith.constant 6 : i32
        %dma_start3A_441 = arith.constant 0 : i32
        %dma_start3A_442 = arith.constant 0 : i32
        %dma_start3A_443 = tpu.memref_slice %arg11[%dma_start3A_440, %dma_start3A_441, %dma_start3A_442] : memref<8x128x16xf32, #tpu.memory_space<vmem>> -> memref<1x128x16xf32, #tpu.memory_space<vmem>>
        %dma_start3A_444 = tpu.memref_squeeze %dma_start3A_443 : memref<1x128x16xf32, #tpu.memory_space<vmem>> -> memref<128x16xf32, #tpu.memory_space<vmem>>
        %dma_start3A_445 = arith.constant 0 : i32
        %dma_start3A_446 = tpu.memref_slice %arg9[%add3A_439, %dma_start3A_445] : memref<80x128xi32, #tpu.memory_space<vmem>> -> memref<1x128xi32, #tpu.memory_space<vmem>>
        %dma_start3A_447 = tpu.memref_squeeze %dma_start3A_446 : memref<1x128xi32, #tpu.memory_space<vmem>> -> memref<128xi32, #tpu.memory_space<vmem>>
        %dma_start3A_448 = arith.constant 0 : i32
        %dma_start3A_449 = arith.constant 0 : i32
        %dma_start3A_450 = tpu.memref_slice %arg14[%dma_start3A_448, %dma_start3A_449] : memref<10240x16xf32, #tpu.memory_space<vmem_shared>> -> memref<10240x16xf32, #tpu.memory_space<vmem_shared>>
        tpu.enqueue_indirect_dma source(%dma_start3A_450 : memref<10240x16xf32, #tpu.memory_space<vmem_shared>>) target(%dma_start3A_444 : memref<128x16xf32, #tpu.memory_space<vmem>>) offsets(%dma_start3A_447 : memref<128xi32, #tpu.memory_space<vmem>>) semaphore(%arg21 : memref<!tpu.dma_semaphore, #tpu.memory_space<semaphore_mem>>)
      } else {
      }
      %add3A_417 = arith.constant 7 : i32
      %add3A_418 = arith.addi %add3A_271, %add3A_417 : i32
      %dma_wait3A_419 = arith.constant 7 : i32
      %dma_wait3A_420 = arith.constant 0 : i32
      %dma_wait3A_421 = arith.constant 0 : i32
      %dma_wait3A_422 = tpu.memref_slice %arg11[%dma_wait3A_419, %dma_wait3A_420, %dma_wait3A_421] : memref<8x128x16xf32, #tpu.memory_space<vmem>> -> memref<1x128x16xf32, #tpu.memory_space<vmem>>
      %dma_wait3A_423 = tpu.memref_squeeze %dma_wait3A_422 : memref<1x128x16xf32, #tpu.memory_space<vmem>> -> memref<128x16xf32, #tpu.memory_space<vmem>>
      %dma_wait3A_424 = arith.constant 0 : i32
      %dma_wait3A_425 = tpu.memref_slice %arg9[%add3A_418, %dma_wait3A_424] : memref<80x128xi32, #tpu.memory_space<vmem>> -> memref<1x128xi32, #tpu.memory_space<vmem>>
      %dma_wait3A_426 = tpu.memref_squeeze %dma_wait3A_425 : memref<1x128xi32, #tpu.memory_space<vmem>> -> memref<128xi32, #tpu.memory_space<vmem>>
      %dma_wait3A_427 = arith.constant 0 : i32
      %dma_wait3A_428 = arith.constant 0 : i32
      %dma_wait3A_429 = tpu.memref_slice %arg14[%dma_wait3A_427, %dma_wait3A_428] : memref<10240x16xf32, #tpu.memory_space<vmem_shared>> -> memref<10240x16xf32, #tpu.memory_space<vmem_shared>>
      tpu.wait_indirect_dma semaphore(%arg22 : memref<!tpu.dma_semaphore, #tpu.memory_space<semaphore_mem>>) src(%dma_wait3A_429 : memref<10240x16xf32, #tpu.memory_space<vmem_shared>>) dst(%dma_wait3A_423 : memref<128x16xf32, #tpu.memory_space<vmem>>)
      %run_scoped3A_430 = arith.constant 7 : i32
      "tpu.region"() ({
        %run_scoped3A_438 = tpu.sem_alloc : memref<!tpu.dma_semaphore, #tpu.memory_space<semaphore_mem>>
        %dma_start3A_439 = arith.constant 0 : i32
        %dma_start3A_440 = arith.constant 0 : i32
        %dma_start3A_441 = tpu.memref_slice %arg11[%run_scoped3A_430, %dma_start3A_439, %dma_start3A_440] : memref<8x128x16xf32, #tpu.memory_space<vmem>> -> memref<1x128x16xf32, #tpu.memory_space<vmem>>
        %dma_start3A_442 = tpu.memref_squeeze %dma_start3A_441 : memref<1x128x16xf32, #tpu.memory_space<vmem>> -> memref<128x16xf32, #tpu.memory_space<vmem>>
        %dma_start3A_443 = arith.constant 0 : i32
        %dma_start3A_444 = tpu.memref_slice %arg10[%add3A_418, %dma_start3A_443] : memref<80x128xi32, #tpu.memory_space<vmem>> -> memref<1x128xi32, #tpu.memory_space<vmem>>
        %dma_start3A_445 = tpu.memref_squeeze %dma_start3A_444 : memref<1x128xi32, #tpu.memory_space<vmem>> -> memref<128xi32, #tpu.memory_space<vmem>>
        %dma_start3A_446 = arith.constant 0 : i32
        %dma_start3A_447 = arith.constant 0 : i32
        %dma_start3A_448 = tpu.memref_slice %arg13[%dma_start3A_446, %dma_start3A_447] : memref<10240x16xf32, #tpu.memory_space<vmem_shared>> -> memref<10240x16xf32, #tpu.memory_space<vmem_shared>>
        tpu.enqueue_indirect_dma source(%dma_start3A_442 : memref<128x16xf32, #tpu.memory_space<vmem>>) target(%dma_start3A_448 : memref<10240x16xf32, #tpu.memory_space<vmem_shared>>) offsets(%dma_start3A_445 : memref<128xi32, #tpu.memory_space<vmem>>) semaphore(%run_scoped3A_438 : memref<!tpu.dma_semaphore, #tpu.memory_space<semaphore_mem>>) {add = true}
        %dma_wait3A_449 = arith.constant 0 : i32
        %dma_wait3A_450 = arith.constant 0 : i32
        %dma_wait3A_451 = tpu.memref_slice %arg11[%run_scoped3A_430, %dma_wait3A_449, %dma_wait3A_450] : memref<8x128x16xf32, #tpu.memory_space<vmem>> -> memref<1x128x16xf32, #tpu.memory_space<vmem>>
        %dma_wait3A_452 = tpu.memref_squeeze %dma_wait3A_451 : memref<1x128x16xf32, #tpu.memory_space<vmem>> -> memref<128x16xf32, #tpu.memory_space<vmem>>
        %dma_wait3A_453 = arith.constant 0 : i32
        %dma_wait3A_454 = tpu.memref_slice %arg10[%add3A_418, %dma_wait3A_453] : memref<80x128xi32, #tpu.memory_space<vmem>> -> memref<1x128xi32, #tpu.memory_space<vmem>>
        %dma_wait3A_455 = tpu.memref_squeeze %dma_wait3A_454 : memref<1x128xi32, #tpu.memory_space<vmem>> -> memref<128xi32, #tpu.memory_space<vmem>>
        %dma_wait3A_456 = arith.constant 0 : i32
        %dma_wait3A_457 = arith.constant 0 : i32
        %dma_wait3A_458 = tpu.memref_slice %arg13[%dma_wait3A_456, %dma_wait3A_457] : memref<10240x16xf32, #tpu.memory_space<vmem_shared>> -> memref<10240x16xf32, #tpu.memory_space<vmem_shared>>
        tpu.wait_indirect_dma semaphore(%run_scoped3A_438 : memref<!tpu.dma_semaphore, #tpu.memory_space<semaphore_mem>>) src(%dma_wait3A_452 : memref<128x16xf32, #tpu.memory_space<vmem>>) dst(%dma_wait3A_458 : memref<10240x16xf32, #tpu.memory_space<vmem_shared>>)
        tpu.yield
      }) : () -> ()
      %add3A_431 = arith.constant 8 : i32
      %add3A_432 = arith.addi %add3A_418, %add3A_431 : i32
      %lt3A_433 = arith.constant 80 : i32
      %lt3A_434 = arith.cmpi slt, %add3A_432, %lt3A_433 : i32
      %convert_element_type3A_435 = arith.extui %lt3A_434 : i1 to i32
      %cond3A_436 = arith.constant 0 : i32
      %cond3A_437 = arith.cmpi ne, %convert_element_type3A_435, %cond3A_436 : i32
      scf.if %cond3A_437 {
        %add3A_438 = arith.constant 8 : i32
        %add3A_439 = arith.addi %add3A_418, %add3A_438 : i32
        %dma_start3A_440 = arith.constant 7 : i32
        %dma_start3A_441 = arith.constant 0 : i32
        %dma_start3A_442 = arith.constant 0 : i32
        %dma_start3A_443 = tpu.memref_slice %arg11[%dma_start3A_440, %dma_start3A_441, %dma_start3A_442] : memref<8x128x16xf32, #tpu.memory_space<vmem>> -> memref<1x128x16xf32, #tpu.memory_space<vmem>>
        %dma_start3A_444 = tpu.memref_squeeze %dma_start3A_443 : memref<1x128x16xf32, #tpu.memory_space<vmem>> -> memref<128x16xf32, #tpu.memory_space<vmem>>
        %dma_start3A_445 = arith.constant 0 : i32
        %dma_start3A_446 = tpu.memref_slice %arg9[%add3A_439, %dma_start3A_445] : memref<80x128xi32, #tpu.memory_space<vmem>> -> memref<1x128xi32, #tpu.memory_space<vmem>>
        %dma_start3A_447 = tpu.memref_squeeze %dma_start3A_446 : memref<1x128xi32, #tpu.memory_space<vmem>> -> memref<128xi32, #tpu.memory_space<vmem>>
        %dma_start3A_448 = arith.constant 0 : i32
        %dma_start3A_449 = arith.constant 0 : i32
        %dma_start3A_450 = tpu.memref_slice %arg14[%dma_start3A_448, %dma_start3A_449] : memref<10240x16xf32, #tpu.memory_space<vmem_shared>> -> memref<10240x16xf32, #tpu.memory_space<vmem_shared>>
        tpu.enqueue_indirect_dma source(%dma_start3A_450 : memref<10240x16xf32, #tpu.memory_space<vmem_shared>>) target(%dma_start3A_444 : memref<128x16xf32, #tpu.memory_space<vmem>>) offsets(%dma_start3A_447 : memref<128xi32, #tpu.memory_space<vmem>>) semaphore(%arg22 : memref<!tpu.dma_semaphore, #tpu.memory_space<semaphore_mem>>)
      } else {
      }
    }
    %scan3A_261 = arith.constant 10 : i32
    %barrier3A_262 = arith.constant 0 : index
    tpu.barrier barrier_id(%barrier3A_262)
    %mul3A_263 = arith.constant 640 : i32
    %mul3A_264 = arith.muli %arg1, %mul3A_263 : i32
    %mul3A_265 = arith.constant 640 : i32
    %mul3A_266 = arith.muli %arg1, %mul3A_265 : i32
    "tpu.region"() ({
      %run_scoped3A = tpu.sem_alloc : memref<!tpu.dma_semaphore, #tpu.memory_space<semaphore_mem>>
      %dma_start3A_267 = arith.constant 0 : i32
      %dma_start3A_268 = tpu.memref_slice %arg7[%arg0, %mul3A_266, %dma_start3A_267] : memref<2x10240x16xf32, #tpu.memory_space<hbm>> -> memref<1x640x16xf32, #tpu.memory_space<hbm>>
      %dma_start3A_269 = tpu.memref_squeeze %dma_start3A_268 : memref<1x640x16xf32, #tpu.memory_space<hbm>> -> memref<640x16xf32, #tpu.memory_space<hbm>>
      %dma_start3A_270 = arith.constant 0 : i32
      %dma_start3A_271 = tpu.memref_slice %arg13[%mul3A_264, %dma_start3A_270] : memref<10240x16xf32, #tpu.memory_space<vmem_shared>> -> memref<640x16xf32, #tpu.memory_space<vmem_shared>>
      tpu.enqueue_dma source(%dma_start3A_271 : memref<640x16xf32, #tpu.memory_space<vmem_shared>>) target(%dma_start3A_269 : memref<640x16xf32, #tpu.memory_space<hbm>>) target_semaphore(%run_scoped3A : memref<!tpu.dma_semaphore, #tpu.memory_space<semaphore_mem>>)
      %dma_wait3A_272 = arith.constant 0 : i32
      %dma_wait3A_273 = tpu.memref_slice %arg7[%arg0, %mul3A_266, %dma_wait3A_272] : memref<2x10240x16xf32, #tpu.memory_space<hbm>> -> memref<1x640x16xf32, #tpu.memory_space<hbm>>
      %dma_wait3A_274 = tpu.memref_squeeze %dma_wait3A_273 : memref<1x640x16xf32, #tpu.memory_space<hbm>> -> memref<640x16xf32, #tpu.memory_space<hbm>>
      %dma_wait3A_275 = arith.constant 0 : i32
      %dma_wait3A_276 = tpu.memref_slice %arg13[%mul3A_264, %dma_wait3A_275] : memref<10240x16xf32, #tpu.memory_space<vmem_shared>> -> memref<640x16xf32, #tpu.memory_space<vmem_shared>>
      tpu.wait_dma2 semaphore(%run_scoped3A : memref<!tpu.dma_semaphore, #tpu.memory_space<semaphore_mem>>) src(%dma_wait3A_276 : memref<640x16xf32, #tpu.memory_space<vmem_shared>>) dst(%dma_wait3A_274 : memref<640x16xf32, #tpu.memory_space<hbm>>)
      tpu.yield
    }) : () -> ()
    return
  }
}

module attributes {stable_mosaic.version = 14 : i64} {
  func.func @body(%arg0: memref<1280x1024xf32, #tpu.memory_space<vmem>>, %arg1: memref<1024x128xf32, #tpu.memory_space<vmem>>, %arg2: memref<1024x128xf32, #tpu.memory_space<vmem>>, %arg3: memref<1280x128xf32, #tpu.memory_space<vmem>>, %arg4: memref<1280x128xf32, #tpu.memory_space<vmem>>) attributes {dimension_semantics = [], scalar_prefetch = 0 : i64, scratch_operands = 0 : i64, tpu.core_type = #tpu.core_type<tc>} {
    %get3A = arith.constant 0 : index
    %get3A_0 = arith.constant 0 : index
    %get3A_1 = vector.load %arg0[%get3A, %get3A_0] : memref<1280x1024xf32, #tpu.memory_space<vmem>>, vector<1280x1024xf32>
    %get3A_2 = arith.constant 0 : index
    %get3A_3 = arith.constant 0 : index
    %get3A_4 = vector.load %arg1[%get3A_2, %get3A_3] : memref<1024x128xf32, #tpu.memory_space<vmem>>, vector<1024x128xf32>
    %dot_general3A = arith.constant dense<0.000000e+00> : vector<1280x128xf32>
    %dot_general3A_5 = tpu.matmul %get3A_1, %get3A_4, %dot_general3A {dimension_numbers = #tpu.dot_dimension_numbers<[1], [0], [0], [1], [0, 0, 1, 1], [], []>, transpose_lhs_hint = false} : vector<1280x1024xf32>, vector<1024x128xf32>, vector<1280x128xf32> -> vector<1280x128xf32>
    %swap3A = arith.constant 0 : index
    %swap3A_6 = arith.constant 0 : index
    %swap3A_7 = vector.load %arg3[%swap3A, %swap3A_6] : memref<1280x128xf32, #tpu.memory_space<vmem>>, vector<1280x128xf32>
    tpu.vector_store %arg3[%swap3A, %swap3A_6], %dot_general3A_5 {strides = array<i32>} : memref<1280x128xf32, #tpu.memory_space<vmem>>, vector<1280x128xf32>,
    %get3A_8 = arith.constant 0 : index
    %get3A_9 = arith.constant 0 : index
    %get3A_10 = vector.load %arg2[%get3A_8, %get3A_9] : memref<1024x128xf32, #tpu.memory_space<vmem>>, vector<1024x128xf32>
    %dot_general3A_11 = arith.constant dense<0.000000e+00> : vector<1280x128xf32>
    %dot_general3A_12 = tpu.matmul %get3A_1, %get3A_10, %dot_general3A_11 {dimension_numbers = #tpu.dot_dimension_numbers<[1], [0], [0], [1], [0, 0, 1, 1], [], []>, transpose_lhs_hint = false} : vector<1280x1024xf32>, vector<1024x128xf32>, vector<1280x128xf32> -> vector<1280x128xf32>
    %swap3A_13 = arith.constant 0 : index
    %swap3A_14 = arith.constant 0 : index
    %swap3A_15 = vector.load %arg4[%swap3A_13, %swap3A_14] : memref<1280x128xf32, #tpu.memory_space<vmem>>, vector<1280x128xf32>
    tpu.vector_store %arg4[%swap3A_13, %swap3A_14], %dot_general3A_12 {strides = array<i32>} : memref<1280x128xf32, #tpu.memory_space<vmem>>, vector<1280x128xf32>,
    return
  }
}

module attributes {stable_mosaic.version = 14 : i64} {
  func.func @body(%arg0: memref<2x1280x128xf32, #tpu.memory_space<vmem>>, %arg1: memref<1280x128xf32, #tpu.memory_space<vmem>>, %arg2: memref<128x16xf32, #tpu.memory_space<vmem>>, %arg3: memref<16xf32, #tpu.memory_space<vmem>>, %arg4: memref<128x16xf32, #tpu.memory_space<vmem>>, %arg5: memref<1280x16xf32, #tpu.memory_space<vmem>>) attributes {dimension_semantics = [], scalar_prefetch = 0 : i64, scratch_operands = 0 : i64, tpu.core_type = #tpu.core_type<tc>} {
    %get3A = arith.constant 0 : index
    %get3A_0 = arith.constant 0 : index
    %get3A_1 = arith.constant 0 : index
    %get3A_2 = vector.load %arg0[%get3A, %get3A_0, %get3A_1] : memref<2x1280x128xf32, #tpu.memory_space<vmem>>, vector<1x1280x128xf32>
    %get3A_3 = vector.shape_cast %get3A_2 : vector<1x1280x128xf32> to vector<1280x128xf32>
    %get3A_4 = arith.constant 1 : index
    %get3A_5 = arith.constant 0 : index
    %get3A_6 = arith.constant 0 : index
    %get3A_7 = vector.load %arg0[%get3A_4, %get3A_5, %get3A_6] : memref<2x1280x128xf32, #tpu.memory_space<vmem>>, vector<1x1280x128xf32>
    %get3A_8 = vector.shape_cast %get3A_7 : vector<1x1280x128xf32> to vector<1280x128xf32>
    %add3A = arith.addf %get3A_3, %get3A_8 : vector<1280x128xf32>
    %get3A_9 = arith.constant 0 : index
    %get3A_10 = arith.constant 0 : index
    %get3A_11 = vector.load %arg2[%get3A_9, %get3A_10] : memref<128x16xf32, #tpu.memory_space<vmem>>, vector<128x16xf32>
    %dot_general3A = arith.constant dense<0.000000e+00> : vector<1280x16xf32>
    %dot_general3A_12 = tpu.matmul %add3A, %get3A_11, %dot_general3A {dimension_numbers = #tpu.dot_dimension_numbers<[1], [0], [0], [1], [0, 0, 1, 1], [], []>, transpose_lhs_hint = false} : vector<1280x128xf32>, vector<128x16xf32>, vector<1280x16xf32> -> vector<1280x16xf32>
    %get3A_13 = arith.constant 0 : index
    %get3A_14 = arith.constant 0 : index
    %get3A_15 = vector.load %arg1[%get3A_13, %get3A_14] : memref<1280x128xf32, #tpu.memory_space<vmem>>, vector<1280x128xf32>
    %get3A_16 = arith.constant 0 : index
    %get3A_17 = arith.constant 0 : index
    %get3A_18 = vector.load %arg4[%get3A_16, %get3A_17] : memref<128x16xf32, #tpu.memory_space<vmem>>, vector<128x16xf32>
    %dot_general3A_19 = arith.constant dense<0.000000e+00> : vector<1280x16xf32>
    %dot_general3A_20 = tpu.matmul %get3A_15, %get3A_18, %dot_general3A_19 {dimension_numbers = #tpu.dot_dimension_numbers<[1], [0], [0], [1], [0, 0, 1, 1], [], []>, transpose_lhs_hint = false} : vector<1280x128xf32>, vector<128x16xf32>, vector<1280x16xf32> -> vector<1280x16xf32>
    %add3A_21 = arith.addf %dot_general3A_12, %dot_general3A_20 : vector<1280x16xf32>
    %get3A_22 = arith.constant 0 : index
    %get3A_23 = vector.load %arg3[%get3A_22] : memref<16xf32, #tpu.memory_space<vmem>>, vector<16xf32>
    %broadcast_in_dim3A = vector.shape_cast %get3A_23 : vector<16xf32> to vector<1x16xf32>
    %add3A_24 = vector.broadcast %broadcast_in_dim3A : vector<1x16xf32> to vector<1280x16xf32>
    %add3A_25 = arith.addf %add3A_21, %add3A_24 : vector<1280x16xf32>
    %swap3A = arith.constant 0 : index
    %swap3A_26 = arith.constant 0 : index
    %swap3A_27 = vector.load %arg5[%swap3A, %swap3A_26] : memref<1280x16xf32, #tpu.memory_space<vmem>>, vector<1280x16xf32>
    tpu.vector_store %arg5[%swap3A, %swap3A_26], %add3A_25 {strides = array<i32>} : memref<1280x16xf32, #tpu.memory_space<vmem>>, vector<1280x16xf32>,
    return
  }
}

</mosaic_0001>

<sc_bundles>
// kernel: kernel.6.cloned.1.call-start
scs
__scs_entry_jumppad:
0x0: {  	(pc) =	sbr.rel $0x88, $3  }
0x1: {  	(tag) =	ssettag $0x0;
	lr =	simm.s32 $0x1  }
0x2: {  	[smem:$0x3F99] =	sst lr;
	_ =	strace $0xD0000000  }
0x3: {  	_ = 	snop  }
0x4: {  	_ = 	snop  }
0x5: {  	_ = 	snop  }
0x6: {  	_ = 	snop  }
0x7: {  	_ = 	snop  }
__scs_overlays_trampoline_lowered:
0x8: {  	[smem:$0x3FA8] =	sst s0  }
0x9: {  	[smem:$0x3FA9] =	sst s1  }
0xa: {  	[smem:$0x3FAA] =	sst s2  }
0xb: {  	[smem:$0x3FAB] =	sst s3  }
0xc: {  	[smem:$0x3FAC] =	sst s4  }
0xd: {  	[smem:$0x3FAD] =	sst s5  }
0xe: {  	[smem:$0x3FAE] =	sst s6  }
0xf: {  	[smem:$0x3FAF] =	sst s7  }
0x10: {  	[smem:$0x3FB0] =	sst s8  }
0x11: {  	[smem:$0x3FB1] =	sst s9;
	s0 =	simm.s32 @!p0 $0x0  }
0x12: {  	s1 =	sld [smem:$0x3F97];
	s0 =	simm.s32 @p0 $0x1  }
0x13: {  	[smem:$0x3FB2] =	sst s0;
	s0 =	simm.s32 @!p1 $0x0  }
0x14: {  	s2 =	sld [smem:$0x3F96];
	s0 =	simm.s32 @p1 $0x1  }
0x15: {  	[smem:$0x3FB3] =	sst s0;
	s0 =	simm.s32 @!p2 $0x0  }
0x16: {  	s3 =	sld [smem:$0x3FDB];
	s0 =	simm.s32 @p2 $0x1  }
0x17: {  	s4 =	simm.s32 $0x1BF5;
	[smem:$0x3FB5] =	sst s0  }
0x18: {  	s0 =	sld [smem:$0x3F98];
	_ =	swait.ge [sflag:s4], $0x0  }
0x19: {  	s7 =	sld [smem:$0x3F99]  }
0x1a: {  	s8 =	sadd.s32 $0xFFFFE003, lr  }
0x1b: {  	s9 =	sadd.s32 $0xFFFFFEF7, lr;
	s5 =	simm.s32 $0xFFFFFFFF;
	p2 =	slt.u32 s8, $0xFFFFF086  }
0x1c: {  	p1 =	slt.u32 s9, $0xF7A;
	s5 =	simm.s32 @!p2 $0x0  }
0x1d: {  	s5 =	simm.s32 @p1 $0x1;
	p0 =	seq.s32 s7, s2  }
0x1e: {  	s7 =	smul.u32 @!p0 $0xF7A, s2;
	p2 =	seq.s32 @!p0 s5, $0x0  }
0x1f: {  	s9 =	smul.u32 $0xF7A, s1;
	s8 =	simm.s32 @!p0 $0x1BF5;
	p2 =	por !p2, p0  }
0x20: {  	[sflag:s8] =	ssyncset.s32 @!p0 $0xFFFFF086;
	s6 =	sadd.s32 @!p0 s3, s7;
	s7 =	simm.s32 @!p0 $0x108  }
0x21: {  	s3 =	sadd.s32 s3, s9;
	s6 =	sadd.s32 @!p0 $0x88, s6;
	s7 =	simm.s32 @p2 $0x1082  }
0x22: {  	[simem:s7], [sflag:s8] =	dma.local @!p0 [hbm:s6], $0xF7A  }
0x23: {  	s9 =	sor.u32 $0xD0000000, s2;
	s6 =	simm.s32 $0x108;
	_ =	swait.ge @!p0 [sflag:s8], $0x0  }
0x24: {  	s3 =	sadd.s32 $0x88, s3;
	s6 =	simm.s32 @!p1 $0x1082;
	[sflag:s4] =	ssyncset.s32 $0xFFFFF086  }
0x25: {  	[simem:s6], [sflag:s4] =	dma.local [hbm:s3], $0xF7A  }
0x26: {  	[smem:$0x3F99] =	sst s1;
	(tag) =	ssettag s2;
	_ =	strace s9  }
0x27: {  	s1 =	sld [smem:$0x3FA9]  }
0x28: {  	s2 =	sld [smem:$0x3FAA]  }
0x29: {  	s4 =	sld [smem:$0x3FAC]  }
0x2a: {  	p0 =	seq.s32 s5, $0x0;
	s5 =	sld [smem:$0x3FAD]  }
0x2b: {  	s6 =	sld [smem:$0x3FAE]  }
0x2c: {  	s7 =	sld [smem:$0x3FAF]  }
0x2d: {  	s3 =	simm.s32 $0x108;
	s8 =	sld [smem:$0x3FB0]  }
0x2e: {  	s3 =	simm.s32 @!p0 $0x1082;
	s9 =	sld [smem:$0x3FB1]  }
0x2f: {  	lr =	sadd.s32 s0, s3;
	s0 =	sld [smem:$0x3FA8]  }
0x30: {  	s3 =	sld [smem:$0x3FAB]  }
0x31: {  	[smem:$0x3FB4] =	sst s10  }
0x32: {  	s10 =	sld [smem:$0x3FB2];
	_ =	sdelay $0x3  }
0x33: {  	p0 =	seq.s32 s10, $0x1;
	s10 =	sld [smem:$0x3FB4];
	_ =	sdelay $0x3  }
0x34: {  	[smem:$0x3FB4] =	sst s10  }
0x35: {  	s10 =	sld [smem:$0x3FB3];
	_ =	sdelay $0x3  }
0x36: {  	p1 =	seq.s32 s10, $0x1;
	s10 =	sld [smem:$0x3FB4];
	_ =	sdelay $0x3  }
0x37: {  	[smem:$0x3FB4] =	sst s10  }
0x38: {  	s10 =	sld [smem:$0x3FB5]  }
0x39: {  	_ = 	snop;
	(pc) =	sbr.ind lr, $3  }
0x3a: {  	_ = 	snop  }
0x3b: {  	_ = 	snop  }
0x3c: {  	p2 =	seq.s32 s10, $0x1;
	s10 =	sld [smem:$0x3FB4]  }
0x3d: {  	_ =	shalt  }
0x3e: {  	_ =	shalt  }
0x3f: {  	_ =	shalt  }
0x40: {  	_ =	shalt  }
0x41: {  	_ =	shalt  }
0x42: {  	_ =	shalt  }
0x43: {  	_ =	shalt  }
0x44: {  	_ =	shalt  }
0x45: {  	_ =	shalt  }
0x46: {  	_ =	shalt  }
0x47: {  	_ =	shalt  }
0x48: {  	_ =	shalt  }
0x49: {  	_ =	shalt  }
0x4a: {  	_ =	shalt  }
0x4b: {  	_ =	shalt  }
0x4c: {  	_ =	shalt  }
0x4d: {  	_ =	shalt  }
0x4e: {  	_ =	shalt  }
0x4f: {  	_ =	shalt  }
0x50: {  	_ =	shalt  }
0x51: {  	_ =	shalt  }
0x52: {  	_ =	shalt  }
0x53: {  	_ =	shalt  }
0x54: {  	_ =	shalt  }
0x55: {  	_ =	shalt  }
0x56: {  	_ =	shalt  }
0x57: {  	_ =	shalt  }
0x58: {  	_ =	shalt  }
0x59: {  	_ =	shalt  }
0x5a: {  	_ =	shalt  }
0x5b: {  	_ =	shalt  }
0x5c: {  	_ =	shalt  }
0x5d: {  	_ =	shalt  }
0x5e: {  	_ =	shalt  }
0x5f: {  	_ =	shalt  }
0x60: {  	_ =	shalt  }
0x61: {  	_ =	shalt  }
0x62: {  	_ =	shalt  }
0x63: {  	_ =	shalt  }
0x64: {  	_ =	shalt  }
0x65: {  	_ =	shalt  }
0x66: {  	_ =	shalt  }
0x67: {  	_ =	shalt  }
0x68: {  	_ =	shalt  }
0x69: {  	_ =	shalt  }
0x6a: {  	_ =	shalt  }
0x6b: {  	_ =	shalt  }
0x6c: {  	_ =	shalt  }
0x6d: {  	_ =	shalt  }
0x6e: {  	_ =	shalt  }
0x6f: {  	_ =	shalt  }
0x70: {  	_ =	shalt  }
0x71: {  	_ =	shalt  }
0x72: {  	_ =	shalt  }
0x73: {  	_ =	shalt  }
0x74: {  	_ =	shalt  }
0x75: {  	_ =	shalt  }
0x76: {  	_ =	shalt  }
0x77: {  	_ =	shalt  }
0x78: {  	_ =	shalt  }
0x79: {  	_ =	shalt  }
0x7a: {  	_ =	shalt  }
0x7b: {  	_ =	shalt  }
0x7c: {  	_ =	shalt  }
0x7d: {  	_ =	shalt  }
0x7e: {  	_ =	shalt  }
0x7f: {  	_ =	shalt  }
0x80: {  	_ =	shalt  }
0x81: {  	_ =	shalt  }
0x82: {  	_ =	shalt  }
0x83: {  	_ =	shalt  }
0x84: {  	_ =	shalt  }
0x85: {  	_ =	shalt  }
0x86: {  	_ =	shalt  }
0x87: {  	_ =	shalt  }
.Lfunc_end0:
.L_simem_size_0:
called_computation_lowered:
.L_overlay_start_0:
0x88: {  	s2 =	sld [smem:$0x3FD9]  }
0x89: {  	s3 =	sld [smem:$0x3FFE];
	_ =	sdelay $0x1  }
0x8a: {  	s1 =	srdreg.scid  }
0x8b: {  	s0 =	sand.u32 $0x1, s1  }
0x8c: {  	s17 =	sshll.u32 s0, $0xA;
	s2 =	sadd.s32 s3, s2  }
0x8d: {  	s2 =	sadd.s32 s2, s17  }
0x8e: {  	[smem:$0x3FC0] =	sst s2  }
0x8f: {  	_ = 	snop  }
0x90: {  	s2 =	sld [smem:$0x3FD0];
	(tm) =	ssettm $0x1  }
0x91: {  	s18 =	sld [smem:$0x3FFB];
	_ =	sdelay $0x3  }
0x92: {  	_ =	strace s18  }
0x93: {  	s3 =	sld [smem:$0x3FFC];
	_ =	sdelay $0x3  }
0x94: {  	_ =	strace s3  }
0x95: {  	s3 =	sld [smem:$0x3FFD];
	_ =	sdelay $0x3  }
0x96: {  	_ =	strace s3  }
0x97: {  	_ =	strace $0x8FFFFFFF  }
0x98: {  	s19 =	sld [smem:$0x3FDB];
	_ =	sdelay $0x1  }
0x99: {  	s4 =	simm.s32 $_scs_section_size  }
0x9a: {  	s5 =	simm.s32 $_size__tile_overlayer_lowered;
	s6 =	simm.s32 $_tile_overlayer_lowered  }
0x9b: {  	s22 =	simm.s32 $0x1BFF;
	s21 =	sshll.u32 s6, $0x1;
	s3 =	sadd.s32 s4, s19  }
0x9c: {  	s7 =	simm.s32 $0x0;
	s20 =	sshll.u32 s5, $0x1;
	s5 =	sadd.s32 s21, s3  }
0x9d: {  	[timem:s7], [sflag:s22] =	dma.local [hbm:s5], s20  }
0x9e: {  	_ =	swait.ge [sflag:s22], s20  }
0x9f: {  	s4 =	ssub.s32 $0x0, s20;
	[sflag:s22] =	ssyncset.done $0x0  }
0xa0: {  	[sflag:s22] =	ssyncadd.s32 s4;
	_ =	sdelay $0x1  }
0xa1: {  	s23 =	simm.s32 $0x1B8B  }
0xa2: {  	_ =	swait.ge [sflag:s23], $0x1  }
0xa3: {  	[sflag:s23] =	ssyncset.done $0x0  }
0xa4: {  	s25 =	simm.s32 $0x1B8E;
	s24 =	sld [smem:$0x3FFE];
	[sflag:s23] =	ssyncadd.s32 $0xFFFFFFFF  }
0xa5: {  	s26 =	simm.s32 $execute0_lowered;
	[smem:$0x3FD2] =	sst s25  }
0xa6: {  	s5 =	sshll.u32 s26, $0x1;
	_ =	strace $0x80000046;
	[dreg:$0x1] =	wrdreg $0xFFFFFFFF  }
0xa7: {  	s28 =	simm.s32 $_size_execute0_lowered;
	s3 =	sadd.s32 s3, s5;
	[dreg:$0x0] =	wrdreg $0x0  }
0xa8: {  	s5 =	sshll.u32 s28, $0x1;
	[dreg:$0x2] =	wrdreg s3  }
0xa9: {  	[dreg:$0x3] =	wrdreg s5  }
0xaa: {  	[dreg:$0x4] =	wrdreg $0xC0  }
0xab: {  	_ =	task [dreg:s7], $0x5FFFF  }
0xac: {  	[dreg:$0x1] =	wrdreg $0xFFFFFFFF  }
0xad: {  	[dreg:$0x0] =	wrdreg $0x60  }
0xae: {  	[dreg:$0x2] =	wrdreg s24  }
0xaf: {  	[dreg:$0x3] =	wrdreg s2  }
0xb0: {  	[dreg:$0x4] =	wrdreg $0xC0000  }
0xb1: {  	[dreg:$0x5] =	wrdreg $0x98000  }
0xb2: {  	[dreg:$0x6] =	wrdreg $0x9  }
0xb3: {  	_ =	task.clear_ibuf [dreg:s7], $0x7FFFF;
	_ =	strace $0x90000046  }
0xb4: {  	s29 =	simm.s32 $0x9;
	_ =	strace $0x80000048  }
0xb5: {  	_ =	swait.ge [sflag:s29], $0x1  }
0xb6: {  	[sflag:s29] =	ssyncadd.s32 $0xFFFFFFFF  }
0xb7: {  	_ =	strace $0x90000048  }
0xb8: {  	_ =	sfence  }
0xb9: {  	s30 =	sld [smem:$0x0];
	_ =	sdelay $0x2  }
0xba: {  	s31 =	sshll.u32 s1, $0xD;
	s1 =	sshrl.u32 s1, $0x2  }
0xbb: {  	s3 =	sand.u32 $0x4000, s31;
	s1 =	sadd.s32 s1, s30  }
0xbc: {  	s0 =	sor.u32 s3, s0;
	s1 =	sshll.u32 s1, $0x11  }
0xbd: {  	s0 =	sor.u32 s1, s0  }
0xbe: {  	s0 =	sadd.s32 $0x8F2B, s0  }
0xbf: {  	[sflag:s0] =	ssyncadd.remote.s32 $0x1  }
0xc0: {  	_ =	sfence.sel $0xFFFF  }
0xc1: {  	[dreg:$0x0] =	wrdreg $0xFFFFFFFF;
	(pc) =	sbr.abs _section_cstart, $3  }
0xc2: {  	[dreg:$0x1] =	wrdreg $0xFFFFFFFF  }
0xc3: {  	_ =	task.clear_ibuf [dreg:s7], $0x2FFFF;
	_ =	strace $0x9FFFFFFF  }
0xc4: {  	(tm) =	ssettm $0x7FFFFFFF  }
0xc5: {  	_ =	shalt  }
tec
execute0_lowered:
.L_overlay_start_1:
0x0: {  	(tag) =	ssettag $0x1  }
0x1: {  	s0 =	rddreg [dreg:$0x0]  }
0x2: {  	s1 =	srdreg.scid;
	s3 =	rddreg [dreg:$0x2]  }
0x3: {  	s11 =	stileid.u32;
	s4 =	rddreg [dreg:$0x3]  }
0x4: {  	s5 =	simm.s32 $0x0;
	s28 =	simm.s32 $0x7;
	s29 =	simm.s32 $0x8  }
0x5: {  	s30 =	simm.s32 $0x80;
	s31 =	simm.s32 $0x5000;
	s6 =	smul.u32 $0x2800, s11  }
0x6: {  	s1 =	sand.u32 $0x1, s1;
	[smem:$0x7FF] =	sst s5;
	s10 =	smul.u32 $0xA000, s11  }
0x7: {  	s18 =	sshll.u32 s11, $0x6;
	s2 =	sshll.u32 s1, $0x4;
	s8 =	smul.u32 $0x28000, s1  }
0x8: {  	_ =	strace $0x80000047;
	s1 =	ssub.s32 $0x2, s1;
	[dreg:$0x8] =	wrdreg s18  }
0x9: {  	s20 =	sor.u32 $0x1C03, s18;
	s18 =	simm.s32 $0x7000;
	s2 =	sor.u32 s11, s2  }
0xa: {  	s7 =	sshrl.u32 s6, $0x3;
	s9 =	sshrl.u32 s1, $0x1;
	s16 =	sadd.s32 s6, s3  }
0xb: {  	s17 =	sshrl.u32 s10, $0x2;
	[dreg:$0x9] =	wrdreg s20;
	s11 =	sadd.s32 s6, s4  }
0xc: {  	s20 =	simm.s32 $0x9000;
	s2 =	smul.u32 $0x2800, s2;
	s7 =	sadd.s32 s7, s0  }
0xd: {  	s8 =	sadd.s32 s6, s8;
	s1 =	ssub.s32 s1, s9;
	s26 =	sshrl.u32 s16, $0x3  }
0xe: {  	s19 =	sadd.s32 s17, s4;
	s7 =	sadd.s32 $0x16800, s7;
	[dreg:$0x10] =	wrdreg s26  }
0xf: {  	s6 =	simm.s32 $0x9;
	s21 =	sadd.s32 $0x800, s19;
	[dreg:$0x7] =	wrdreg s7  }
0x10: {  	s8 =	sshrl.u32 s8, $0x3;
	s22 =	sadd.s32 $0x1000, s19;
	[dreg:$0xa] =	wrdreg s21  }
0x11: {  	s23 =	sadd.s32 $0x1800, s19;
	s24 =	sadd.s32 $0x2000, s19;
	[dreg:$0xb] =	wrdreg s22  }
0x12: {  	s25 =	smax.u32 s1, $0x1;
	s26 =	simm.s32 $0x6;
	[dreg:$0xc] =	wrdreg s23  }
0x13: {  	s1 =	simm.s32 $0x6000;
	s2 =	sshrl.u32 s2, $0x3;
	[dreg:$0xd] =	wrdreg s24  }
0x14: {  	[dreg:$0xf] =	wrdreg s25;
	s21 =	simm.s32 $0x4;
	s22 =	simm.s32 $0x1  }
.Ltmp0:
0x15: {  	s23 =	simm.s32 $0x2;
	s2 =	sadd.s32 s2, s0;
	(pc) =	sbr.rel .LBB2_1-.Ltmp0, $4  }
0x16: {  	s24 =	simm.s32 $0x3;
	s25 =	simm.s32 $0x5;
	s15 =	sadd.s32 $0x2800, s2  }
0x17: {  	s0 =	sadd.s32 s8, s0;
	s2 =	sadd.s32 $0xC800, s2;
	[dreg:$0x5] =	wrdreg s15  }
0x18: {  	s7 =	simm.s32 $0x0;
	s0 =	sadd.s32 $0x20800, s0;
	[dreg:$0x6] =	wrdreg s2  }
0x19: {  	[dreg:$0xe] =	wrdreg s0;
	s0 =	simm.s32 $0x8000;
	s2 =	simm.s32 $0x8800  }
.LBB2_4:
0x1a: {  	_ =	swait.ge [sflag:s29], $0x800  }
0x1b: {  	[sflag:s29] =	ssyncset.done $0x0  }
0x1c: {  	[sflag:s29] =	ssyncadd.s32 $0xFFFFF800  }
0x1d: {  	[spmem:s4] =	stream.indirect.scatter.add.f32 [tilespmem:s2], [sflag:$0x9], $0x10, s9, s30, $0xb8;
	[tilespmem:$0xE800] =	vst v63  }
0x1e: {  	_ =	swait.ge [sflag:s6], $0x800  }
0x1f: {  	[sflag:s6] =	ssyncset.done $0x0  }
0x20: {  	[sflag:s6] =	ssyncadd.s32 $0xFFFFF800  }
0x21: {  	[bflag:$0x0] =	sbarrier.arrive $0xFFFF  }
0x22: {  	s8 =	rddreg [dreg:$0x8]  }
0x23: {  	s17 =	sshrl.u32 s11, $0x3;
	s10 =	rddreg [dreg:$0xe];
	s8 =	sor.u32 $0x1C09, s8  }
0x24: {  	[hbm:s10], [sflag:s8] =	dma.local [spmem:s17], $0x500  }
0x25: {  	_ =	swait.ge [sflag:s6], $0x500  }
0x26: {  	s7 =	sadd.s32 $0x1, s7;
	s19 =	rddreg [dreg:$0xf]  }
0x27: {  	p0 =	sne.s32 s7, s19  }
.Ltmp1:
0x28: {  	_ = 	snop;
	(pc) =	sbr.rel @!p0 .LBB2_5-.Ltmp1, $3  }
0x29: {  	_ =	sdelay $0x1  }
0x2a: {  	[sflag:s6] =	ssyncset.done $0x0  }
0x2b: {  	[sflag:s6] =	ssyncadd.s32 $0xFFFFFB00  }
.LBB2_1:
0x2c: {  	s8 =	rddreg [dreg:$0x5]  }
0x2d: {  	s12 =	rddreg [dreg:$0x6]  }
0x2e: {  	s13 =	rddreg [dreg:$0x7]  }
0x2f: {  	s14 =	rddreg [dreg:$0x9]  }
0x30: {  	[tilespmem:s5], [sflag:$0x1] =	stream.linear.gather [hbm4b:s8+s5], $0x2800, $0x38;
	[tilespmem:$0xE800] =	vst v63  }
0x31: {  	s9 =	simm.s32 $0x2800;
	s10 =	rddreg [dreg:$0x10]  }
0x32: {  	[tilespmem:s9], [sflag:$0x2] =	stream.linear.gather [hbm4b:s12+s5], $0x2800, $0x38;
	[tilespmem:$0xE800] =	vst v63  }
0x33: {  	[spmem:s10], [sflag:s14] =	dma.local [hbm:s13], $0x500  }
0x34: {  	s8 =	rddreg [dreg:$0x1]  }
0x35: {  	[tilespmem:s20], [sflag:$0x4] =	stream.linear.gather [hbm4b:s8+s5], $0x800, $0x38;
	[tilespmem:$0xE800] =	vst v63  }
0x36: {  	_ =	swait.ge [sflag:s21], $0x800  }
0x37: {  	[sflag:s21] =	ssyncset.done $0x0  }
0x38: {  	[sflag:s21] =	ssyncadd.s32 $0xFFFFF800  }
0x39: {  	[spmem:s11] =	stream.linear.scatter [tilespmem:s20], [sflag:$0x4], $0x800, $0x38;
	[tilespmem:$0xE800] =	vst v63  }
0x3a: {  	s15 =	rddreg [dreg:$0xa]  }
0x3b: {  	[spmem:s15] =	stream.linear.scatter [tilespmem:s20], [sflag:$0x5], $0x800, $0x38;
	[tilespmem:$0xE800] =	vst v63  }
0x3c: {  	s16 =	rddreg [dreg:$0xb]  }
0x3d: {  	[spmem:s16] =	stream.linear.scatter [tilespmem:s20], [sflag:$0x6], $0x800, $0x38;
	[tilespmem:$0xE800] =	vst v63  }
0x3e: {  	s17 =	rddreg [dreg:$0xc]  }
0x3f: {  	[spmem:s17] =	stream.linear.scatter [tilespmem:s20], [sflag:$0x7], $0x800, $0x38;
	[tilespmem:$0xE800] =	vst v63  }
0x40: {  	s19 =	rddreg [dreg:$0xd]  }
0x41: {  	[spmem:s19] =	stream.linear.scatter [tilespmem:s20], [sflag:$0x8], $0x800, $0x38;
	[tilespmem:$0xE800] =	vst v63  }
0x42: {  	_ =	swait.ge [sflag:s22], $0x2800  }
0x43: {  	[sflag:s22] =	ssyncset.done $0x0  }
0x44: {  	[sflag:s22] =	ssyncadd.s32 $0xFFFFD800  }
0x45: {  	_ =	swait.ge [sflag:s23], $0x2800  }
0x46: {  	[sflag:s23] =	ssyncset.done $0x0  }
0x47: {  	[sflag:s23] =	ssyncadd.s32 $0xFFFFD800  }
0x48: {  	_ =	swait.ge [sflag:s24], $0x500  }
0x49: {  	[sflag:s24] =	ssyncset.done $0x0  }
0x4a: {  	[sflag:s24] =	ssyncadd.s32 $0xFFFFFB00  }
0x4b: {  	_ =	swait.ge [sflag:s21], $0x800  }
0x4c: {  	[sflag:s21] =	ssyncset.done $0x0  }
0x4d: {  	[sflag:s21] =	ssyncadd.s32 $0xFFFFF800  }
0x4e: {  	_ =	swait.ge [sflag:s25], $0x800  }
0x4f: {  	[sflag:s25] =	ssyncset.done $0x0  }
0x50: {  	[sflag:s25] =	ssyncadd.s32 $0xFFFFF800  }
0x51: {  	_ =	swait.ge [sflag:s26], $0x800  }
0x52: {  	[sflag:s26] =	ssyncset.done $0x0  }
0x53: {  	[sflag:s26] =	ssyncadd.s32 $0xFFFFF800  }
0x54: {  	_ =	swait.ge [sflag:s28], $0x800  }
0x55: {  	[sflag:s28] =	ssyncset.done $0x0  }
0x56: {  	[sflag:s28] =	ssyncadd.s32 $0xFFFFF800  }
0x57: {  	_ =	swait.ge [sflag:s29], $0x800  }
0x58: {  	[sflag:s29] =	ssyncset.done $0x0  }
0x59: {  	[sflag:s29] =	ssyncadd.s32 $0xFFFFF800  }
0x5a: {  	[bflag:$0x0] =	sbarrier.arrive $0xFFFF  }
0x5b: {  	[tilespmem:s31], [sflag:$0x1] =	stream.indirect.gather [spmem:s3], $0x10, s5, s30, $0xb8;
	[tilespmem:$0xE800] =	vst v63  }
0x5c: {  	s9 =	simm.s32 $0x5800  }
0x5d: {  	[tilespmem:s9], [sflag:$0x2] =	stream.indirect.gather [spmem:s3], $0x10, s30, s30, $0xb8;
	[tilespmem:$0xE800] =	vst v63  }
0x5e: {  	s10 =	simm.s32 $0x100  }
0x5f: {  	[tilespmem:s1], [sflag:$0x3] =	stream.indirect.gather [spmem:s3], $0x10, s10, s30, $0xb8;
	[tilespmem:$0xE800] =	vst v63  }
0x60: {  	s12 =	simm.s32 $0x180;
	s13 =	simm.s32 $0x6800  }
0x61: {  	[tilespmem:s13], [sflag:$0x4] =	stream.indirect.gather [spmem:s3], $0x10, s12, s30, $0xb8;
	[tilespmem:$0xE800] =	vst v63  }
0x62: {  	s14 =	simm.s32 $0x200  }
0x63: {  	[tilespmem:s18], [sflag:$0x5] =	stream.indirect.gather [spmem:s3], $0x10, s14, s30, $0xb8;
	[tilespmem:$0xE800] =	vst v63  }
0x64: {  	s15 =	simm.s32 $0x280;
	s16 =	simm.s32 $0x7800  }
0x65: {  	[tilespmem:s16], [sflag:$0x6] =	stream.indirect.gather [spmem:s3], $0x10, s15, s30, $0xb8;
	[tilespmem:$0xE800] =	vst v63  }
0x66: {  	s17 =	simm.s32 $0x300  }
0x67: {  	[tilespmem:s0], [sflag:$0x7] =	stream.indirect.gather [spmem:s3], $0x10, s17, s30, $0xb8;
	[tilespmem:$0xE800] =	vst v63  }
0x68: {  	s8 =	simm.s32 $0x0;
	s19 =	simm.s32 $0x380  }
0x69: {  	[tilespmem:s2], [sflag:$0x8] =	stream.indirect.gather [spmem:s3], $0x10, s19, s30, $0xb8;
	[tilespmem:$0xE800] =	vst v63  }
.LBB2_2:
0x6a: {  	_ =	swait.ge [sflag:s22], $0x800  }
0x6b: {  	s10 =	sshra.s32 s8, $0x2;
	[sflag:s22] =	ssyncset.done $0x0  }
0x6c: {  	s9 =	sadd.s32 $0x2800, s10;
	[sflag:s22] =	ssyncadd.s32 $0xFFFFF800  }
0x6d: {  	[spmem:s4] =	stream.indirect.scatter.add.f32 [tilespmem:s31], [sflag:$0x9], $0x10, s9, s30, $0xb8;
	[tilespmem:$0xE800] =	vst v63  }
0x6e: {  	_ =	swait.ge [sflag:s6], $0x800  }
0x6f: {  	p0 =	seq.s32 s8, $0x9000;
	[sflag:s6] =	ssyncset.done $0x0  }
0x70: {  	s9 =	simm.s32 @p0 $0x2;
	[sflag:s6] =	ssyncadd.s32 $0xFFFFF800  }
0x71: {  	_ =	swait.ge @p0 [sflag:s9], $0x800  }
0x72: {  	s14 =	sshra.s32 @p0 s8, $0x2;
	s15 =	simm.s32 @p0 $0x80;
	[sflag:s9] =	ssyncset.done @p0 $0x0  }
0x73: {  	s12 =	simm.s32 @p0 $0x5800;
	[sflag:s9] =	ssyncadd.s32 @p0 $0xFFFFF800;
	s9 =	sadd.s32 @p0 $0x2880, s14  }
0x74: {  	[spmem:s4] =	stream.indirect.scatter.add.f32 @p0 [tilespmem:s12], [sflag:$0x9], $0x10, s9, s15, $0xb8;
	[tilespmem:$0xE800] =	vst v63  }
0x75: {  	s9 =	simm.s32 @p0 $0x9  }
0x76: {  	_ =	swait.ge @p0 [sflag:s9], $0x800  }
0x77: {  	s13 =	simm.s32 @!p0 $0x80;
	s12 =	sshra.s32 @!p0 s8, $0x2;
	[sflag:s9] =	ssyncset.done @p0 $0x0  }
0x78: {  	s17 =	simm.s32 @!p0 $0x5000;
	s16 =	sadd.s32 @!p0 $0x400, s12;
	[sflag:s9] =	ssyncadd.s32 @p0 $0xFFFFF800  }
0x79: {  	[tilespmem:s17], [sflag:$0x1] =	stream.indirect.gather @!p0 [spmem:s3], $0x10, s16, s13, $0xb8;
	[tilespmem:$0xE800] =	vst v63  }
0x7a: {  	s16 =	simm.s32 @!p0 $0x2  }
0x7b: {  	_ =	swait.ge @!p0 [sflag:s16], $0x800  }
0x7c: {  	[sflag:s16] =	ssyncset.done @!p0 $0x0  }
0x7d: {  	s17 =	simm.s32 @!p0 $0x5800;
	[sflag:s16] =	ssyncadd.s32 @!p0 $0xFFFFF800;
	s16 =	sadd.s32 @!p0 $0x2880, s12  }
0x7e: {  	[spmem:s4] =	stream.indirect.scatter.add.f32 @!p0 [tilespmem:s17], [sflag:$0x9], $0x10, s16, s13, $0xb8;
	[tilespmem:$0xE800] =	vst v63  }
0x7f: {  	s16 =	simm.s32 @!p0 $0x9  }
0x80: {  	_ =	swait.ge @!p0 [sflag:s16], $0x800  }
0x81: {  	[sflag:s16] =	ssyncset.done @!p0 $0x0  }
0x82: {  	s19 =	sadd.s32 @!p0 $0x480, s12;
	[sflag:s16] =	ssyncadd.s32 @!p0 $0xFFFFF800  }
0x83: {  	[tilespmem:s17], [sflag:$0x2] =	stream.indirect.gather @!p0 [spmem:s3], $0x10, s19, s13, $0xb8;
	[tilespmem:$0xE800] =	vst v63  }
0x84: {  	_ =	swait.ge [sflag:s24], $0x800  }
0x85: {  	[sflag:s24] =	ssyncset.done $0x0  }
0x86: {  	s19 =	sadd.s32 $0x2900, s10;
	[sflag:s24] =	ssyncadd.s32 $0xFFFFF800  }
0x87: {  	[spmem:s4] =	stream.indirect.scatter.add.f32 [tilespmem:s1], [sflag:$0x9], $0x10, s19, s30, $0xb8;
	[tilespmem:$0xE800] =	vst v63  }
0x88: {  	_ =	swait.ge [sflag:s6], $0x800  }
0x89: {  	[sflag:s6] =	ssyncset.done $0x0  }
0x8a: {  	s17 =	simm.s32 @p0 $0x4;
	[sflag:s6] =	ssyncadd.s32 $0xFFFFF800  }
0x8b: {  	_ =	swait.ge @p0 [sflag:s17], $0x800  }
0x8c: {  	[sflag:s17] =	ssyncset.done @p0 $0x0  }
0x8d: {  	s19 =	simm.s32 @p0 $0x6800;
	[sflag:s17] =	ssyncadd.s32 @p0 $0xFFFFF800;
	s17 =	sadd.s32 @p0 $0x2980, s14  }
0x8e: {  	[spmem:s4] =	stream.indirect.scatter.add.f32 @p0 [tilespmem:s19], [sflag:$0x9], $0x10, s17, s15, $0xb8;
	[tilespmem:$0xE800] =	vst v63  }
0x8f: {  	_ =	swait.ge @p0 [sflag:s9], $0x800  }
0x90: {  	[sflag:s9] =	ssyncset.done @p0 $0x0  }
0x91: {  	s17 =	sadd.s32 @!p0 $0x500, s12;
	s19 =	simm.s32 @!p0 $0x6000;
	[sflag:s9] =	ssyncadd.s32 @p0 $0xFFFFF800  }
0x92: {  	[tilespmem:s19], [sflag:$0x3] =	stream.indirect.gather @!p0 [spmem:s3], $0x10, s17, s13, $0xb8;
	[tilespmem:$0xE800] =	vst v63  }
0x93: {  	s17 =	simm.s32 @!p0 $0x4  }
0x94: {  	_ =	swait.ge @!p0 [sflag:s17], $0x800  }
0x95: {  	[sflag:s17] =	ssyncset.done @!p0 $0x0  }
0x96: {  	s19 =	simm.s32 @!p0 $0x6800;
	[sflag:s17] =	ssyncadd.s32 @!p0 $0xFFFFF800;
	s17 =	sadd.s32 @!p0 $0x2980, s12  }
0x97: {  	[spmem:s4] =	stream.indirect.scatter.add.f32 @!p0 [tilespmem:s19], [sflag:$0x9], $0x10, s17, s13, $0xb8;
	[tilespmem:$0xE800] =	vst v63  }
0x98: {  	_ =	swait.ge @!p0 [sflag:s16], $0x800  }
0x99: {  	[sflag:s16] =	ssyncset.done @!p0 $0x0  }
0x9a: {  	s17 =	sadd.s32 @!p0 $0x580, s12;
	[sflag:s16] =	ssyncadd.s32 @!p0 $0xFFFFF800  }
0x9b: {  	[tilespmem:s19], [sflag:$0x4] =	stream.indirect.gather @!p0 [spmem:s3], $0x10, s17, s13, $0xb8;
	[tilespmem:$0xE800] =	vst v63  }
0x9c: {  	_ =	swait.ge [sflag:s25], $0x800  }
0x9d: {  	[sflag:s25] =	ssyncset.done $0x0  }
0x9e: {  	s19 =	sadd.s32 $0x2A00, s10;
	[sflag:s25] =	ssyncadd.s32 $0xFFFFF800  }
0x9f: {  	[spmem:s4] =	stream.indirect.scatter.add.f32 [tilespmem:s18], [sflag:$0x9], $0x10, s19, s30, $0xb8;
	[tilespmem:$0xE800] =	vst v63  }
0xa0: {  	_ =	swait.ge [sflag:s6], $0x800  }
0xa1: {  	[sflag:s6] =	ssyncset.done $0x0  }
0xa2: {  	s17 =	simm.s32 @p0 $0x6;
	[sflag:s6] =	ssyncadd.s32 $0xFFFFF800  }
0xa3: {  	_ =	swait.ge @p0 [sflag:s17], $0x800  }
0xa4: {  	[sflag:s17] =	ssyncset.done @p0 $0x0  }
0xa5: {  	s14 =	sadd.s32 @p0 $0x2A80, s14;
	[sflag:s17] =	ssyncadd.s32 @p0 $0xFFFFF800;
	s17 =	simm.s32 @p0 $0x7800  }
0xa6: {  	[spmem:s4] =	stream.indirect.scatter.add.f32 @p0 [tilespmem:s17], [sflag:$0x9], $0x10, s14, s15, $0xb8;
	[tilespmem:$0xE800] =	vst v63  }
0xa7: {  	_ =	swait.ge @p0 [sflag:s9], $0x800  }
0xa8: {  	[sflag:s9] =	ssyncset.done @p0 $0x0  }
0xa9: {  	s14 =	simm.s32 @!p0 $0x7000;
	[sflag:s9] =	ssyncadd.s32 @p0 $0xFFFFF800;
	s9 =	sadd.s32 @!p0 $0x600, s12  }
0xaa: {  	[tilespmem:s14], [sflag:$0x5] =	stream.indirect.gather @!p0 [spmem:s3], $0x10, s9, s13, $0xb8;
	[tilespmem:$0xE800] =	vst v63  }
0xab: {  	s9 =	simm.s32 @!p0 $0x6  }
0xac: {  	_ =	swait.ge @!p0 [sflag:s9], $0x800  }
0xad: {  	[sflag:s9] =	ssyncset.done @!p0 $0x0  }
0xae: {  	s14 =	simm.s32 @!p0 $0x7800;
	[sflag:s9] =	ssyncadd.s32 @!p0 $0xFFFFF800;
	s9 =	sadd.s32 @!p0 $0x2A80, s12  }
0xaf: {  	[spmem:s4] =	stream.indirect.scatter.add.f32 @!p0 [tilespmem:s14], [sflag:$0x9], $0x10, s9, s13, $0xb8;
	[tilespmem:$0xE800] =	vst v63  }
0xb0: {  	_ =	swait.ge @!p0 [sflag:s16], $0x800  }
0xb1: {  	[sflag:s16] =	ssyncset.done @!p0 $0x0  }
0xb2: {  	s9 =	sadd.s32 @!p0 $0x680, s12;
	[sflag:s16] =	ssyncadd.s32 @!p0 $0xFFFFF800  }
0xb3: {  	[tilespmem:s14], [sflag:$0x6] =	stream.indirect.gather @!p0 [spmem:s3], $0x10, s9, s13, $0xb8;
	[tilespmem:$0xE800] =	vst v63  }
0xb4: {  	_ =	swait.ge [sflag:s28], $0x800  }
0xb5: {  	[sflag:s28] =	ssyncset.done $0x0  }
.Ltmp2:
0xb6: {  	s19 =	sadd.s32 $0x2B00, s10;
	[sflag:s28] =	ssyncadd.s32 $0xFFFFF800;
	(pc) =	sbr.rel @p0 .LBB2_4-.Ltmp2, $4  }
0xb7: {  	[spmem:s4] =	stream.indirect.scatter.add.f32 [tilespmem:s0], [sflag:$0x9], $0x10, s19, s30, $0xb8;
	[tilespmem:$0xE800] =	vst v63  }
0xb8: {  	_ =	swait.ge [sflag:s6], $0x800  }
0xb9: {  	[sflag:s6] =	ssyncset.done $0x0  }
0xba: {  	s9 =	sadd.s32 $0x2B80, s10;
	[sflag:s6] =	ssyncadd.s32 $0xFFFFF800  }
0xbb: {  	s12 =	sadd.s32 $0x700, s10  }
0xbc: {  	[tilespmem:s0], [sflag:$0x7] =	stream.indirect.gather [spmem:s3], $0x10, s12, s30, $0xb8;
	[tilespmem:$0xE800] =	vst v63  }
0xbd: {  	_ =	swait.ge [sflag:s29], $0x800  }
0xbe: {  	[sflag:s29] =	ssyncset.done $0x0  }
0xbf: {  	[sflag:s29] =	ssyncadd.s32 $0xFFFFF800  }
0xc0: {  	[spmem:s4] =	stream.indirect.scatter.add.f32 [tilespmem:s2], [sflag:$0x9], $0x10, s9, s30, $0xb8;
	[tilespmem:$0xE800] =	vst v63  }
.Ltmp3:
0xc1: {  	_ = 	snop;
	(pc) =	sbr.rel .LBB2_2-.Ltmp3, $4  }
0xc2: {  	_ =	swait.ge [sflag:s6], $0x800  }
0xc3: {  	[sflag:s6] =	ssyncset.done $0x0  }
0xc4: {  	s19 =	sadd.s32 $0x780, s10;
	s8 =	sadd.s32 $0x1000, s8;
	[sflag:s6] =	ssyncadd.s32 $0xFFFFF800  }
0xc5: {  	[tilespmem:s2], [sflag:$0x8] =	stream.indirect.gather [spmem:s3], $0x10, s19, s30, $0xb8;
	[tilespmem:$0xE800] =	vst v63  }
.LBB2_5:
0xc6: {  	_ =	sfence.sel $0x180000  }
0xc7: {  	[bflag:$0x0] =	sbarrier.arrive $0xFFFF  }
0xc8: {  	_ =	strace $0x90000047  }
0xc9: {  	s0 =	stileid.u32;
	[bflag:$0x2] =	sbarrier.arrive $0xFFFF  }
0xca: {  	p0 =	sne.s32 s0, $0x0;
	s0 =	rddreg [dreg:$0x4]  }
0xcb: {  	s0 =	sadd.s32 @!p0 $0x100000, s0  }
0xcc: {  	[sflag:s0] =	ssyncadd.tile.s32 @!p0 $0x1;
	_ =	shalt  }
.Lfunc_end2:
_tile_overlayer_lowered:
.L_overlay_start_2:
0xcd: {  	(tag) =	ssettag $0x2  }
0xce: {  	s0 =	rddreg [dreg:$0x0];
	s2 =	stileid.u32  }
0xcf: {  	s1 =	rddreg [dreg:$0x1];
	p0 =	sne.s32 s2, $0x0  }
0xd0: {  	s3 =	rddreg [dreg:$0x2];
	[bflag:$0x3] =	sbarrier.arrive $0xFFFF;
	s2 =	simm.s32 @!p0 $0x1C09  }
0xd1: {  	[timem:s3], [sflag:s2] =	dma.local @!p0 [hbm:s0], s1  }
0xd2: {  	s0 =	simm.s32 @!p0 $0x9  }
0xd3: {  	_ =	swait.ge @!p0 [sflag:s0], s1  }
0xd4: {  	s1 =	ssub.s32 @!p0 $0x0, s1;
	[sflag:s0] =	ssyncset.done @!p0 $0x0  }
0xd5: {  	[sflag:s0] =	ssyncadd.s32 @!p0 s1  }
0xd6: {  	[bflag:$0x3] =	sbarrier.arrive $0xFFFF  }
0xd7: {  	_ =	shalt  }

// kernel: kernel.9.cloned.1.call-start
scs
__scs_entry_jumppad:
0x0: {  	(pc) =	sbr.rel $0x88, $3  }
0x1: {  	(tag) =	ssettag $0x0;
	lr =	simm.s32 $0x1  }
0x2: {  	[smem:$0x3F99] =	sst lr;
	_ =	strace $0xD0000000  }
0x3: {  	_ = 	snop  }
0x4: {  	_ = 	snop  }
0x5: {  	_ = 	snop  }
0x6: {  	_ = 	snop  }
0x7: {  	_ = 	snop  }
__scs_overlays_trampoline_lowered:
0x8: {  	[smem:$0x3FA8] =	sst s0  }
0x9: {  	[smem:$0x3FA9] =	sst s1  }
0xa: {  	[smem:$0x3FAA] =	sst s2  }
0xb: {  	[smem:$0x3FAB] =	sst s3  }
0xc: {  	[smem:$0x3FAC] =	sst s4  }
0xd: {  	[smem:$0x3FAD] =	sst s5  }
0xe: {  	[smem:$0x3FAE] =	sst s6  }
0xf: {  	[smem:$0x3FAF] =	sst s7  }
0x10: {  	[smem:$0x3FB0] =	sst s8  }
0x11: {  	[smem:$0x3FB1] =	sst s9;
	s0 =	simm.s32 @!p0 $0x0  }
0x12: {  	s1 =	sld [smem:$0x3F97];
	s0 =	simm.s32 @p0 $0x1  }
0x13: {  	[smem:$0x3FB2] =	sst s0;
	s0 =	simm.s32 @!p1 $0x0  }
0x14: {  	s2 =	sld [smem:$0x3F96];
	s0 =	simm.s32 @p1 $0x1  }
0x15: {  	[smem:$0x3FB3] =	sst s0;
	s0 =	simm.s32 @!p2 $0x0  }
0x16: {  	s3 =	sld [smem:$0x3FDB];
	s0 =	simm.s32 @p2 $0x1  }
0x17: {  	s4 =	simm.s32 $0x1BF5;
	[smem:$0x3FB5] =	sst s0  }
0x18: {  	s0 =	sld [smem:$0x3F98];
	_ =	swait.ge [sflag:s4], $0x0  }
0x19: {  	s7 =	sld [smem:$0x3F99]  }
0x1a: {  	s8 =	sadd.s32 $0xFFFFE003, lr  }
0x1b: {  	s9 =	sadd.s32 $0xFFFFFEF7, lr;
	s5 =	simm.s32 $0xFFFFFFFF;
	p2 =	slt.u32 s8, $0xFFFFF086  }
0x1c: {  	p1 =	slt.u32 s9, $0xF7A;
	s5 =	simm.s32 @!p2 $0x0  }
0x1d: {  	s5 =	simm.s32 @p1 $0x1;
	p0 =	seq.s32 s7, s2  }
0x1e: {  	s7 =	smul.u32 @!p0 $0xF7A, s2;
	p2 =	seq.s32 @!p0 s5, $0x0  }
0x1f: {  	s9 =	smul.u32 $0xF7A, s1;
	s8 =	simm.s32 @!p0 $0x1BF5;
	p2 =	por !p2, p0  }
0x20: {  	[sflag:s8] =	ssyncset.s32 @!p0 $0xFFFFF086;
	s6 =	sadd.s32 @!p0 s3, s7;
	s7 =	simm.s32 @!p0 $0x108  }
0x21: {  	s3 =	sadd.s32 s3, s9;
	s6 =	sadd.s32 @!p0 $0x88, s6;
	s7 =	simm.s32 @p2 $0x1082  }
0x22: {  	[simem:s7], [sflag:s8] =	dma.local @!p0 [hbm:s6], $0xF7A  }
0x23: {  	s9 =	sor.u32 $0xD0000000, s2;
	s6 =	simm.s32 $0x108;
	_ =	swait.ge @!p0 [sflag:s8], $0x0  }
0x24: {  	s3 =	sadd.s32 $0x88, s3;
	s6 =	simm.s32 @!p1 $0x1082;
	[sflag:s4] =	ssyncset.s32 $0xFFFFF086  }
0x25: {  	[simem:s6], [sflag:s4] =	dma.local [hbm:s3], $0xF7A  }
0x26: {  	[smem:$0x3F99] =	sst s1;
	(tag) =	ssettag s2;
	_ =	strace s9  }
0x27: {  	s1 =	sld [smem:$0x3FA9]  }
0x28: {  	s2 =	sld [smem:$0x3FAA]  }
0x29: {  	s4 =	sld [smem:$0x3FAC]  }
0x2a: {  	p0 =	seq.s32 s5, $0x0;
	s5 =	sld [smem:$0x3FAD]  }
0x2b: {  	s6 =	sld [smem:$0x3FAE]  }
0x2c: {  	s7 =	sld [smem:$0x3FAF]  }
0x2d: {  	s3 =	simm.s32 $0x108;
	s8 =	sld [smem:$0x3FB0]  }
0x2e: {  	s3 =	simm.s32 @!p0 $0x1082;
	s9 =	sld [smem:$0x3FB1]  }
0x2f: {  	lr =	sadd.s32 s0, s3;
	s0 =	sld [smem:$0x3FA8]  }
0x30: {  	s3 =	sld [smem:$0x3FAB]  }
0x31: {  	[smem:$0x3FB4] =	sst s10  }
0x32: {  	s10 =	sld [smem:$0x3FB2];
	_ =	sdelay $0x3  }
0x33: {  	p0 =	seq.s32 s10, $0x1;
	s10 =	sld [smem:$0x3FB4];
	_ =	sdelay $0x3  }
0x34: {  	[smem:$0x3FB4] =	sst s10  }
0x35: {  	s10 =	sld [smem:$0x3FB3];
	_ =	sdelay $0x3  }
0x36: {  	p1 =	seq.s32 s10, $0x1;
	s10 =	sld [smem:$0x3FB4];
	_ =	sdelay $0x3  }
0x37: {  	[smem:$0x3FB4] =	sst s10  }
0x38: {  	s10 =	sld [smem:$0x3FB5]  }
0x39: {  	_ = 	snop;
	(pc) =	sbr.ind lr, $3  }
0x3a: {  	_ = 	snop  }
0x3b: {  	_ = 	snop  }
0x3c: {  	p2 =	seq.s32 s10, $0x1;
	s10 =	sld [smem:$0x3FB4]  }
0x3d: {  	_ =	shalt  }
0x3e: {  	_ =	shalt  }
0x3f: {  	_ =	shalt  }
0x40: {  	_ =	shalt  }
0x41: {  	_ =	shalt  }
0x42: {  	_ =	shalt  }
0x43: {  	_ =	shalt  }
0x44: {  	_ =	shalt  }
0x45: {  	_ =	shalt  }
0x46: {  	_ =	shalt  }
0x47: {  	_ =	shalt  }
0x48: {  	_ =	shalt  }
0x49: {  	_ =	shalt  }
0x4a: {  	_ =	shalt  }
0x4b: {  	_ =	shalt  }
0x4c: {  	_ =	shalt  }
0x4d: {  	_ =	shalt  }
0x4e: {  	_ =	shalt  }
0x4f: {  	_ =	shalt  }
0x50: {  	_ =	shalt  }
0x51: {  	_ =	shalt  }
0x52: {  	_ =	shalt  }
0x53: {  	_ =	shalt  }
0x54: {  	_ =	shalt  }
0x55: {  	_ =	shalt  }
0x56: {  	_ =	shalt  }
0x57: {  	_ =	shalt  }
0x58: {  	_ =	shalt  }
0x59: {  	_ =	shalt  }
0x5a: {  	_ =	shalt  }
0x5b: {  	_ =	shalt  }
0x5c: {  	_ =	shalt  }
0x5d: {  	_ =	shalt  }
0x5e: {  	_ =	shalt  }
0x5f: {  	_ =	shalt  }
0x60: {  	_ =	shalt  }
0x61: {  	_ =	shalt  }
0x62: {  	_ =	shalt  }
0x63: {  	_ =	shalt  }
0x64: {  	_ =	shalt  }
0x65: {  	_ =	shalt  }
0x66: {  	_ =	shalt  }
0x67: {  	_ =	shalt  }
0x68: {  	_ =	shalt  }
0x69: {  	_ =	shalt  }
0x6a: {  	_ =	shalt  }
0x6b: {  	_ =	shalt  }
0x6c: {  	_ =	shalt  }
0x6d: {  	_ =	shalt  }
0x6e: {  	_ =	shalt  }
0x6f: {  	_ =	shalt  }
0x70: {  	_ =	shalt  }
0x71: {  	_ =	shalt  }
0x72: {  	_ =	shalt  }
0x73: {  	_ =	shalt  }
0x74: {  	_ =	shalt  }
0x75: {  	_ =	shalt  }
0x76: {  	_ =	shalt  }
0x77: {  	_ =	shalt  }
0x78: {  	_ =	shalt  }
0x79: {  	_ =	shalt  }
0x7a: {  	_ =	shalt  }
0x7b: {  	_ =	shalt  }
0x7c: {  	_ =	shalt  }
0x7d: {  	_ =	shalt  }
0x7e: {  	_ =	shalt  }
0x7f: {  	_ =	shalt  }
0x80: {  	_ =	shalt  }
0x81: {  	_ =	shalt  }
0x82: {  	_ =	shalt  }
0x83: {  	_ =	shalt  }
0x84: {  	_ =	shalt  }
0x85: {  	_ =	shalt  }
0x86: {  	_ =	shalt  }
0x87: {  	_ =	shalt  }
.Lfunc_end0:
.L_simem_size_0:
called_computation.1_lowered:
.L_overlay_start_0:
0x88: {  	s2 =	sld [smem:$0x3FD9]  }
0x89: {  	s3 =	sld [smem:$0x3FFE];
	_ =	sdelay $0x1  }
0x8a: {  	s1 =	srdreg.scid  }
0x8b: {  	s0 =	sand.u32 $0x1, s1  }
0x8c: {  	s17 =	sshll.u32 s0, $0xA;
	s2 =	sadd.s32 s3, s2  }
0x8d: {  	s2 =	sadd.s32 s2, s17  }
0x8e: {  	[smem:$0x3FC0] =	sst s2  }
0x8f: {  	_ = 	snop  }
0x90: {  	s2 =	sld [smem:$0x3FC6]  }
0x91: {  	s18 =	sld [smem:$0x3FD0];
	(tm) =	ssettm $0x1  }
0x92: {  	s4 =	sld [smem:$0x3FFB];
	_ =	sdelay $0x3  }
0x93: {  	_ =	strace s4  }
0x94: {  	s4 =	sld [smem:$0x3FFC];
	_ =	sdelay $0x3  }
0x95: {  	_ =	strace s4  }
0x96: {  	s4 =	sld [smem:$0x3FFD];
	_ =	sdelay $0x3  }
0x97: {  	_ =	strace s4  }
0x98: {  	_ =	strace $0x8FFFFFFF  }
0x99: {  	s19 =	sld [smem:$0x3FDB];
	_ =	sdelay $0x1  }
0x9a: {  	s5 =	simm.s32 $_scs_section_size  }
0x9b: {  	s6 =	simm.s32 $_size__tile_overlayer_lowered;
	s7 =	simm.s32 $_tile_overlayer_lowered  }
0x9c: {  	s22 =	simm.s32 $0x1BFF;
	s21 =	sshll.u32 s7, $0x1;
	s4 =	sadd.s32 s5, s19  }
0x9d: {  	s8 =	simm.s32 $0x0;
	s20 =	sshll.u32 s6, $0x1;
	s6 =	sadd.s32 s21, s4  }
0x9e: {  	[timem:s8], [sflag:s22] =	dma.local [hbm:s6], s20  }
0x9f: {  	_ =	swait.ge [sflag:s22], s20  }
0xa0: {  	s5 =	ssub.s32 $0x0, s20;
	[sflag:s22] =	ssyncset.done $0x0  }
0xa1: {  	[sflag:s22] =	ssyncadd.s32 s5;
	_ =	sdelay $0x1  }
0xa2: {  	s23 =	simm.s32 $0x1B8B  }
0xa3: {  	_ =	swait.ge [sflag:s23], $0x1  }
0xa4: {  	[sflag:s23] =	ssyncset.done $0x0  }
0xa5: {  	s25 =	simm.s32 $0x1B8E;
	s24 =	sld [smem:$0x3FFE];
	[sflag:s23] =	ssyncadd.s32 $0xFFFFFFFF  }
0xa6: {  	s26 =	simm.s32 $execute0_lowered;
	[smem:$0x3FD2] =	sst s25  }
0xa7: {  	s6 =	sshll.u32 s26, $0x1;
	_ =	strace $0x80000049;
	[dreg:$0x1] =	wrdreg $0xFFFFFFFF  }
0xa8: {  	s28 =	simm.s32 $_size_execute0_lowered;
	s4 =	sadd.s32 s4, s6;
	[dreg:$0x0] =	wrdreg $0x0  }
0xa9: {  	s6 =	sshll.u32 s28, $0x1;
	[dreg:$0x2] =	wrdreg s4  }
0xaa: {  	[dreg:$0x3] =	wrdreg s6  }
0xab: {  	[dreg:$0x4] =	wrdreg $0xC0  }
0xac: {  	_ =	task [dreg:s8], $0x5FFFF  }
0xad: {  	[dreg:$0x1] =	wrdreg $0xFFFFFFFF  }
0xae: {  	[dreg:$0x0] =	wrdreg $0x60  }
0xaf: {  	[dreg:$0x2] =	wrdreg s24  }
0xb0: {  	[dreg:$0x3] =	wrdreg s2  }
0xb1: {  	[dreg:$0x4] =	wrdreg s18  }
0xb2: {  	[dreg:$0x5] =	wrdreg $0x98000  }
0xb3: {  	[dreg:$0x6] =	wrdreg $0xC0000  }
0xb4: {  	[dreg:$0x7] =	wrdreg $0x9  }
0xb5: {  	_ =	task.clear_ibuf [dreg:s8], $0x8FFFF;
	_ =	strace $0x90000049  }
0xb6: {  	s29 =	simm.s32 $0x9;
	_ =	strace $0x8000004B  }
0xb7: {  	_ =	swait.ge [sflag:s29], $0x1  }
0xb8: {  	[sflag:s29] =	ssyncadd.s32 $0xFFFFFFFF  }
0xb9: {  	_ =	strace $0x9000004B  }
0xba: {  	_ =	sfence  }
0xbb: {  	s30 =	sld [smem:$0x0];
	_ =	sdelay $0x2  }
0xbc: {  	s31 =	sshll.u32 s1, $0xD;
	s1 =	sshrl.u32 s1, $0x2  }
0xbd: {  	s3 =	sand.u32 $0x4000, s31;
	s1 =	sadd.s32 s1, s30  }
0xbe: {  	s0 =	sor.u32 s3, s0;
	s1 =	sshll.u32 s1, $0x11  }
0xbf: {  	s0 =	sor.u32 s1, s0  }
0xc0: {  	s0 =	sadd.s32 $0x8F2B, s0  }
0xc1: {  	[sflag:s0] =	ssyncadd.remote.s32 $0x1  }
0xc2: {  	_ =	sfence.sel $0xFFFF  }
0xc3: {  	[dreg:$0x0] =	wrdreg $0xFFFFFFFF;
	(pc) =	sbr.abs _section_cstart, $3  }
0xc4: {  	[dreg:$0x1] =	wrdreg $0xFFFFFFFF  }
0xc5: {  	_ =	task.clear_ibuf [dreg:s8], $0x2FFFF;
	_ =	strace $0x9FFFFFFF  }
0xc6: {  	(tm) =	ssettm $0x7FFFFFFF  }
0xc7: {  	_ =	shalt  }
tec
execute0_lowered:
.L_overlay_start_1:
0x0: {  	(tag) =	ssettag $0x1  }
0x1: {  	s1 =	rddreg [dreg:$0x0]  }
0x2: {  	s0 =	srdreg.scid;
	s4 =	rddreg [dreg:$0x3]  }
0x3: {  	s11 =	stileid.u32;
	s5 =	rddreg [dreg:$0x4]  }
0x4: {  	s6 =	simm.s32 $0x0;
	s15 =	simm.s32 $0x13800;
	s28 =	simm.s32 $0x7  }
0x5: {  	s29 =	simm.s32 $0x3;
	s30 =	simm.s32 $0x4;
	s31 =	simm.s32 $0x5  }
0x6: {  	s0 =	sand.u32 $0x1, s0;
	s3 =	smul.u32 $0x2800, s11;
	[smem:$0x7FF] =	sst s6  }
0x7: {  	s2 =	sshll.u32 s0, $0x4;
	s7 =	smul.u32 $0x28000, s0;
	_ =	strace $0x8000004A  }
0x8: {  	s8 =	ssub.s32 $0x2, s0;
	p0 =	sne.s32 s0, $0x0;
	s0 =	simm.s32 $0x6000  }
0x9: {  	s2 =	sor.u32 s11, s2;
	s9 =	sshrl.u32 s3, $0x3;
	s10 =	sshrl.u32 s8, $0x1  }
0xa: {  	s11 =	smul.u32 $0xA000, s11;
	s12 =	sadd.s32 s3, s4;
	s24 =	sadd.s32 s3, s5  }
0xb: {  	s2 =	smul.u32 $0x2800, s2;
	s7 =	sadd.s32 s3, s7;
	s8 =	ssub.s32 s8, s10  }
0xc: {  	[dreg:$0xf] =	wrdreg s24;
	s3 =	simm.s32 $0x1;
	s7 =	sshrl.u32 s7, $0x3  }
0xd: {  	s26 =	smax.u32 s8, $0x1;
	s2 =	sshrl.u32 s2, $0x3;
	s7 =	sadd.s32 s7, s1  }
0xe: {  	[dreg:$0x12] =	wrdreg s26;
	s2 =	sadd.s32 s2, s1;
	s25 =	sadd.s32 $0x2A800, s7  }
0xf: {  	s10 =	simm.s32 $0x0;
	s16 =	sadd.s32 $0x2800, s2;
	[dreg:$0x11] =	wrdreg s25  }
0x10: {  	s1 =	sadd.s32 s9, s1;
	s2 =	sadd.s32 $0xC800, s2;
	[dreg:$0x6] =	wrdreg s16  }
0x11: {  	s17 =	sshrl.u32 s11, $0x2;
	s18 =	sadd.s32 $0x20800, s1;
	[dreg:$0x7] =	wrdreg s2  }
0x12: {  	s8 =	simm.s32 $0x8800;
	s19 =	sadd.s32 $0x25800, s1;
	[dreg:$0x8] =	wrdreg s18  }
0x13: {  	s26 =	simm.s32 $0x9000;
	s20 =	sadd.s32 $0x1B800, s1;
	[dreg:$0x9] =	wrdreg s19  }
0x14: {  	s1 =	sadd.s32 $0x16800, s1;
	s2 =	sadd.s32 s17, s4;
	[dreg:$0xa] =	wrdreg s20  }
0x15: {  	s7 =	simm.s32 $0x8000;
	[dreg:$0x10] =	wrdreg s1;
	s21 =	sadd.s32 $0x800, s2  }
.Ltmp0:
0x16: {  	s22 =	sadd.s32 $0x1000, s2;
	[dreg:$0xb] =	wrdreg s21;
	(pc) =	sbr.rel .LBB2_1-.Ltmp0, $4  }
0x17: {  	s9 =	simm.s32 $0x8;
	s23 =	sadd.s32 $0x1800, s2;
	[dreg:$0xc] =	wrdreg s22  }
0x18: {  	s25 =	simm.s32 $0x7000;
	s2 =	sadd.s32 $0x2000, s2;
	[dreg:$0xd] =	wrdreg s23  }
0x19: {  	s1 =	simm.s32 $0x9;
	[dreg:$0xe] =	wrdreg s2;
	s2 =	simm.s32 $0x6  }
0x1a: {  	s21 =	simm.s32 $0x2;
	s22 =	simm.s32 $0x80;
	s23 =	simm.s32 $0x5000  }
.LBB2_6:
0x1b: {  	_ =	swait.ge [sflag:s9], $0x800  }
0x1c: {  	[sflag:s9] =	ssyncset.done $0x0  }
0x1d: {  	[sflag:s9] =	ssyncadd.s32 $0xFFFFF800  }
0x1e: {  	[spmem:s4] =	stream.indirect.scatter.add.f32 [tilespmem:s8], [sflag:$0x9], $0x10, s14, s22, $0xb8;
	[tilespmem:$0x16010] =	vst v63  }
0x1f: {  	_ =	swait.ge [sflag:s1], $0x800  }
0x20: {  	[sflag:s1] =	ssyncset.done $0x0  }
0x21: {  	s11 =	stileid.u32;
	[sflag:s1] =	ssyncadd.s32 $0xFFFFF800  }
0x22: {  	s11 =	sshll.u32 s11, $0x6;
	[bflag:$0x0] =	sbarrier.arrive $0xFFFF  }
0x23: {  	s13 =	sshrl.u32 s12, $0x3;
	s11 =	sor.u32 $0x1C09, s11;
	s20 =	rddreg [dreg:$0x11]  }
0x24: {  	[hbm:s20], [sflag:s11] =	dma.local [spmem:s13], $0x500  }
0x25: {  	_ =	swait.ge [sflag:s1], $0x500  }
0x26: {  	s10 =	sadd.s32 $0x1, s10;
	s24 =	rddreg [dreg:$0x12]  }
0x27: {  	p1 =	sne.s32 s10, s24  }
.Ltmp1:
0x28: {  	_ = 	snop;
	(pc) =	sbr.rel @!p1 .LBB2_7-.Ltmp1, $3  }
0x29: {  	_ =	sdelay $0x1  }
0x2a: {  	[sflag:s1] =	ssyncset.done $0x0  }
0x2b: {  	s15 =	simm.s32 $0x13800;
	[sflag:s1] =	ssyncadd.s32 $0xFFFFFB00  }
.LBB2_1:
0x2c: {  	s11 =	rddreg [dreg:$0x6]  }
0x2d: {  	[tilespmem:s6], [sflag:$0x1] =	stream.linear.gather [hbm4b:s11+s6], $0x2800, $0x38;
	[tilespmem:$0x16010] =	vst v63  }
0x2e: {  	s17 =	rddreg [dreg:$0x7];
	s13 =	simm.s32 $0x2800  }
0x2f: {  	[tilespmem:s13], [sflag:$0x2] =	stream.linear.gather [hbm4b:s17+s6], $0x2800, $0x38;
	[tilespmem:$0x16010] =	vst v63  }
0x30: {  	s18 =	rddreg [dreg:$0x8];
	s19 =	simm.s32 $0xE800  }
0x31: {  	[tilespmem:s19], [sflag:$0x3] =	stream.linear.gather [hbm4b:s18+s6], $0x2800, $0x38;
	[tilespmem:$0x16010] =	vst v63  }
0x32: {  	s20 =	rddreg [dreg:$0x9];
	s24 =	simm.s32 $0x11000  }
0x33: {  	[tilespmem:s24], [sflag:$0x4] =	stream.linear.gather [hbm4b:s20+s6], $0x2800, $0x38;
	[tilespmem:$0x16010] =	vst v63  }
0x34: {  	s13 =	rddreg [dreg:$0xa]  }
0x35: {  	[tilespmem:s15], [sflag:$0x5] =	stream.linear.gather [hbm4b:s13+s6], $0x2800, $0x38;
	[tilespmem:$0x16010] =	vst v63  }
0x36: {  	s14 =	rddreg [dreg:$0x1];
	s16 =	simm.s32 $0x16000  }
0x37: {  	[tilespmem:s16], [sflag:$0x6] =	stream.linear.gather [hbm4b:s14+s6], $0x10, $0x38;
	[tilespmem:$0x16010] =	vst v63  }
0x38: {  	s17 =	rddreg [dreg:$0x2]  }
0x39: {  	[tilespmem:s26], [sflag:$0x7] =	stream.linear.gather [hbm4b:s17+s6], $0x800, $0x38;
	[tilespmem:$0x16010] =	vst v63  }
0x3a: {  	_ =	swait.ge [sflag:s28], $0x800  }
0x3b: {  	[sflag:s28] =	ssyncset.done $0x0  }
0x3c: {  	[sflag:s28] =	ssyncadd.s32 $0xFFFFF800  }
0x3d: {  	_ =	swait.ge [sflag:s29], $0x2800  }
0x3e: {  	[sflag:s29] =	ssyncset.done $0x0  }
0x3f: {  	[sflag:s29] =	ssyncadd.s32 $0xFFFFD800  }
0x40: {  	_ =	swait.ge [sflag:s30], $0x2800  }
0x41: {  	[sflag:s30] =	ssyncset.done $0x0  }
0x42: {  	[sflag:s30] =	ssyncadd.s32 $0xFFFFD800  }
0x43: {  	_ =	swait.ge [sflag:s31], $0x2800  }
0x44: {  	[sflag:s31] =	ssyncset.done $0x0  }
0x45: {  	[sflag:s31] =	ssyncadd.s32 $0xFFFFD800  }
0x46: {  	_ =	swait.ge [sflag:s2], $0x10  }
0x47: {  	[sflag:s2] =	ssyncset.done $0x0  }
0x48: {  	[sflag:s2] =	ssyncadd.s32 $0xFFFFFFF0  }
0x49: {  	[spmem:s12] =	stream.linear.scatter [tilespmem:s26], [sflag:$0x3], $0x800, $0x38;
	[tilespmem:$0x16010] =	vst v63  }
0x4a: {  	s18 =	rddreg [dreg:$0xb]  }
0x4b: {  	[spmem:s18] =	stream.linear.scatter [tilespmem:s26], [sflag:$0x4], $0x800, $0x38;
	[tilespmem:$0x16010] =	vst v63  }
0x4c: {  	s19 =	rddreg [dreg:$0xc]  }
0x4d: {  	[spmem:s19] =	stream.linear.scatter [tilespmem:s26], [sflag:$0x5], $0x800, $0x38;
	[tilespmem:$0x16010] =	vst v63  }
0x4e: {  	s20 =	rddreg [dreg:$0xd]  }
0x4f: {  	[spmem:s20] =	stream.linear.scatter [tilespmem:s26], [sflag:$0x6], $0x800, $0x38;
	[tilespmem:$0x16010] =	vst v63  }
0x50: {  	s24 =	rddreg [dreg:$0xe]  }
0x51: {  	[spmem:s24] =	stream.linear.scatter [tilespmem:s26], [sflag:$0x7], $0x800, $0x38;
	[tilespmem:$0x16010] =	vst v63  }
0x52: {  	s13 =	simm.s32 $0x0;
	v0 =	vld [tilespmem:$0x16000]  }
0x53: {  	v1 =	vld [tilespmem:s13+$0xE800]  }
0x54: {  	v2 =	vld [tilespmem:s13+$0x11000]  }
0x55: {  	v3 =	vld [tilespmem:s13+$0xE810]  }
0x56: {  	v4 =	vld [tilespmem:s13+$0x11010]  }
0x57: {  	v5 =	vld [tilespmem:s13+$0xE820]  }
0x58: {  	v6 =	vld [tilespmem:s13+$0x11020]  }
0x59: {  	v7 =	vld [tilespmem:s13+$0xE830]  }
0x5a: {  	v8 =	vld [tilespmem:s13+$0x11030]  }
0x5b: {  	v9 =	vld [tilespmem:s13+$0x13800]  }
0x5c: {  	v10 =	vld [tilespmem:s13+$0x13810]  }
0x5d: {  	v11 =	vld [tilespmem:s13+$0x13820]  }
0x5e: {  	s11 =	simm.s32 $0x40;
	v12 =	vld [tilespmem:s13+$0x13830];
	v13 =	vadd.f32 v2, v1  }
0x5f: {  	v1 =	vld [tilespmem:s11+$0xE800]  }
0x60: {  	v2 =	vld [tilespmem:s11+$0x11000];
	v14 =	vadd.f32 v4, v3;
	v9 =	vadd.f32 v9, v13  }
0x61: {  	v3 =	vld [tilespmem:s11+$0xE810];
	v63 =	vadd.f32 v6, v5;
	v8 =	vadd.f32 v8, v7  }
0x62: {  	v4 =	vld [tilespmem:s11+$0x11010];
	v10 =	vadd.f32 v10, v14;
	v9 =	vadd.f32 v9, v0  }
0x63: {  	v5 =	vld [tilespmem:s11+$0xE820];
	v11 =	vadd.f32 v11, v63  }
0x64: {  	v6 =	vld [tilespmem:s11+$0x11020];
	v12 =	vadd.f32 v12, v8;
	v10 =	vadd.f32 v10, v0;
	v9 =	vmax.f32 v9, $0.0e+00  }
0x65: {  	v7 =	vld [tilespmem:s11+$0xE830];
	[tilespmem:s13+$0x13800] =	vst v9;
	v9 =	vadd.f32 v11, v0  }
0x66: {  	v10 =	vmax.f32 v10, $0.0e+00;
	v11 =	vadd.f32 v12, v0  }
0x67: {  	v8 =	vld [tilespmem:s11+$0x11030];
	[tilespmem:s13+$0x13810] =	vst v10;
	v10 =	vmax.f32 v9, $0.0e+00  }
0x68: {  	s14 =	simm.s32 $0x200;
	v9 =	vld [tilespmem:s11+$0x13800];
	[tilespmem:s13+$0x13820] =	vst v10;
	v10 =	vmax.f32 v11, $0.0e+00  }
.LBB2_2:
0x69: {  	p1 =	sne.s32 s14, $0x9F00;
	v11 =	vld [tilespmem:s11+$0x13810];
	[tilespmem:s13+$0x13830] =	vst v10;
	s13 =	smov.u32 s11  }
0x6a: {  	v10 =	vld [tilespmem:s13+$0x13820]  }
0x6b: {  	s11 =	sshra.s32 s14, $0x2;
	v12 =	vadd.f32 v2, v1;
	v13 =	vld [tilespmem:s13+$0x13830]  }
0x6c: {  	v4 =	vadd.f32 v4, v3;
	v1 =	vld [tilespmem:s11+$0xE800]  }
0x6d: {  	v5 =	vadd.f32 v6, v5;
	v2 =	vld [tilespmem:s11+$0x11000];
	v9 =	vadd.f32 v9, v12  }
0x6e: {  	v7 =	vadd.f32 v8, v7;
	v3 =	vld [tilespmem:s11+$0xE810];
	v6 =	vadd.f32 v11, v4  }
0x6f: {  	v4 =	vld [tilespmem:s11+$0x11010];
	v8 =	vadd.f32 v9, v0;
	v9 =	vadd.f32 v10, v5  }
.Ltmp2:
0x70: {  	v5 =	vld [tilespmem:s11+$0xE820];
	v10 =	vadd.f32 v6, v0;
	v11 =	vadd.f32 v13, v7;
	(pc) =	sbr.rel @p1 .LBB2_2-.Ltmp2, $4  }
0x71: {  	v6 =	vld [tilespmem:s11+$0x11020];
	v8 =	vmax.f32 v8, $0.0e+00;
	v9 =	vadd.f32 v9, v0  }
0x72: {  	v7 =	vld [tilespmem:s11+$0xE830];
	[tilespmem:s13+$0x13800] =	vst v8;
	v10 =	vmax.f32 v10, $0.0e+00;
	v11 =	vadd.f32 v11, v0  }
0x73: {  	v8 =	vld [tilespmem:s11+$0x11030];
	[tilespmem:s13+$0x13810] =	vst v10;
	v10 =	vmax.f32 v9, $0.0e+00  }
0x74: {  	s14 =	sadd.s32 $0x100, s14;
	v9 =	vld [tilespmem:s11+$0x13800];
	[tilespmem:s13+$0x13820] =	vst v10;
	v10 =	vmax.f32 v11, $0.0e+00  }
0x75: {  	v11 =	vld [tilespmem:s11+$0x13810];
	[tilespmem:s13+$0x13830] =	vst v10  }
0x76: {  	v10 =	vld [tilespmem:s11+$0x13820]  }
0x77: {  	v1 =	vadd.f32 v2, v1;
	v58 =	vld [tilespmem:s11+$0x13830]  }
0x78: {  	v3 =	vadd.f32 v4, v3  }
0x79: {  	v59 =	vadd.f32 v6, v5;
	v1 =	vadd.f32 v9, v1  }
0x7a: {  	v60 =	vadd.f32 v8, v7;
	v3 =	vadd.f32 v11, v3  }
0x7b: {  	v1 =	vadd.f32 v1, v0;
	v4 =	vadd.f32 v10, v59  }
0x7c: {  	v2 =	vadd.f32 v58, v60;
	v3 =	vadd.f32 v3, v0  }
0x7d: {  	v1 =	vmax.f32 v1, $0.0e+00;
	v4 =	vadd.f32 v4, v0  }
0x7e: {  	v62 =	vadd.f32 v2, v0;
	[tilespmem:s11+$0x13800] =	vst v1;
	v61 =	vmax.f32 v3, $0.0e+00  }
0x7f: {  	[tilespmem:s11+$0x13810] =	vst v61;
	v63 =	vmax.f32 v4, $0.0e+00  }
0x80: {  	v0 =	vmax.f32 v62, $0.0e+00;
	[tilespmem:s11+$0x13820] =	vst v63  }
0x81: {  	s20 =	rddreg [dreg:$0xf];
	[tilespmem:s11+$0x13830] =	vst v0  }
0x82: {  	[spmem:s20] =	stream.linear.scatter [tilespmem:s15], [sflag:$0x9], $0x2800, $0x38;
	[tilespmem:$0x16010] =	vst v63  }
0x83: {  	_ =	swait.ge [sflag:s1], $0x2800  }
0x84: {  	s13 =	simm.s32 @!p0 $0x13800;
	[sflag:s1] =	ssyncset.done $0x0  }
0x85: {  	s11 =	simm.s32 @!p0 $0x0;
	s14 =	rddreg [dreg:$0x10];
	[sflag:s1] =	ssyncadd.s32 $0xFFFFD800  }
0x86: {  	[hbm4b:s14+s11] =	stream.linear.scatter @!p0 [tilespmem:s13], [sflag:$0x9], $0x2800, $0x38;
	[tilespmem:$0x16010] =	vst v63  }
0x87: {  	s11 =	simm.s32 @!p0 $0x9  }
0x88: {  	_ =	swait.ge @!p0 [sflag:s11], $0x2800  }
0x89: {  	[sflag:s11] =	ssyncset.done @!p0 $0x0  }
0x8a: {  	[sflag:s11] =	ssyncadd.s32 @!p0 $0xFFFFD800  }
0x8b: {  	_ =	swait.ge [sflag:s3], $0x2800  }
0x8c: {  	[sflag:s3] =	ssyncset.done $0x0  }
0x8d: {  	[sflag:s3] =	ssyncadd.s32 $0xFFFFD800  }
0x8e: {  	_ =	swait.ge [sflag:s21], $0x2800  }
0x8f: {  	[sflag:s21] =	ssyncset.done $0x0  }
0x90: {  	[sflag:s21] =	ssyncadd.s32 $0xFFFFD800  }
0x91: {  	_ =	swait.ge [sflag:s29], $0x800  }
0x92: {  	[sflag:s29] =	ssyncset.done $0x0  }
0x93: {  	[sflag:s29] =	ssyncadd.s32 $0xFFFFF800  }
0x94: {  	_ =	swait.ge [sflag:s30], $0x800  }
0x95: {  	[sflag:s30] =	ssyncset.done $0x0  }
0x96: {  	[sflag:s30] =	ssyncadd.s32 $0xFFFFF800  }
0x97: {  	_ =	swait.ge [sflag:s31], $0x800  }
0x98: {  	[sflag:s31] =	ssyncset.done $0x0  }
0x99: {  	[sflag:s31] =	ssyncadd.s32 $0xFFFFF800  }
0x9a: {  	_ =	swait.ge [sflag:s2], $0x800  }
0x9b: {  	[sflag:s2] =	ssyncset.done $0x0  }
0x9c: {  	[sflag:s2] =	ssyncadd.s32 $0xFFFFF800  }
0x9d: {  	_ =	swait.ge [sflag:s28], $0x800  }
0x9e: {  	[sflag:s28] =	ssyncset.done $0x0  }
0x9f: {  	[sflag:s28] =	ssyncadd.s32 $0xFFFFF800  }
0xa0: {  	s11 =	simm.s32 $0x0;
	[bflag:$0x0] =	sbarrier.arrive $0xFFFF  }
0xa1: {  	[tilespmem:s23], [sflag:$0x1] =	stream.indirect.gather [spmem:s5], $0x10, s11, s22, $0xb8;
	[tilespmem:$0x16010] =	vst v63  }
0xa2: {  	s24 =	simm.s32 $0x5800  }
0xa3: {  	[tilespmem:s24], [sflag:$0x2] =	stream.indirect.gather [spmem:s5], $0x10, s22, s22, $0xb8;
	[tilespmem:$0x16010] =	vst v63  }
0xa4: {  	s14 =	simm.s32 $0x100  }
0xa5: {  	[tilespmem:s0], [sflag:$0x3] =	stream.indirect.gather [spmem:s5], $0x10, s14, s22, $0xb8;
	[tilespmem:$0x16010] =	vst v63  }
0xa6: {  	s16 =	simm.s32 $0x6800;
	s15 =	simm.s32 $0x180  }
0xa7: {  	[tilespmem:s16], [sflag:$0x4] =	stream.indirect.gather [spmem:s5], $0x10, s15, s22, $0xb8;
	[tilespmem:$0x16010] =	vst v63  }
0xa8: {  	s17 =	simm.s32 $0x200  }
0xa9: {  	[tilespmem:s25], [sflag:$0x5] =	stream.indirect.gather [spmem:s5], $0x10, s17, s22, $0xb8;
	[tilespmem:$0x16010] =	vst v63  }
0xaa: {  	s18 =	simm.s32 $0x280;
	s19 =	simm.s32 $0x7800  }
0xab: {  	[tilespmem:s19], [sflag:$0x6] =	stream.indirect.gather [spmem:s5], $0x10, s18, s22, $0xb8;
	[tilespmem:$0x16010] =	vst v63  }
0xac: {  	s20 =	simm.s32 $0x300  }
0xad: {  	[tilespmem:s7], [sflag:$0x7] =	stream.indirect.gather [spmem:s5], $0x10, s20, s22, $0xb8;
	[tilespmem:$0x16010] =	vst v63  }
0xae: {  	s24 =	simm.s32 $0x380  }
0xaf: {  	[tilespmem:s8], [sflag:$0x8] =	stream.indirect.gather [spmem:s5], $0x10, s24, s22, $0xb8;
	[tilespmem:$0x16010] =	vst v63  }
.LBB2_4:
0xb0: {  	_ =	swait.ge [sflag:s3], $0x800  }
0xb1: {  	s13 =	sshra.s32 s11, $0x2;
	[sflag:s3] =	ssyncset.done $0x0  }
0xb2: {  	s14 =	sadd.s32 $0x2800, s13;
	[sflag:s3] =	ssyncadd.s32 $0xFFFFF800  }
0xb3: {  	[spmem:s4] =	stream.indirect.scatter.add.f32 [tilespmem:s23], [sflag:$0x9], $0x10, s14, s22, $0xb8;
	[tilespmem:$0x16010] =	vst v63  }
0xb4: {  	_ =	swait.ge [sflag:s1], $0x800  }
0xb5: {  	p1 =	seq.s32 s11, $0x9000;
	[sflag:s1] =	ssyncset.done $0x0  }
0xb6: {  	s14 =	simm.s32 @p1 $0x2;
	[sflag:s1] =	ssyncadd.s32 $0xFFFFF800  }
0xb7: {  	s16 =	sshra.s32 @p1 s11, $0x2;
	_ =	swait.ge @p1 [sflag:s14], $0x800  }
0xb8: {  	s17 =	simm.s32 @p1 $0x80;
	s15 =	simm.s32 @p1 $0x5800;
	[sflag:s14] =	ssyncset.done @p1 $0x0  }
0xb9: {  	s24 =	simm.s32 @p1 $0x9;
	[sflag:s14] =	ssyncadd.s32 @p1 $0xFFFFF800;
	s14 =	sadd.s32 @p1 $0x2880, s16  }
0xba: {  	[spmem:s4] =	stream.indirect.scatter.add.f32 @p1 [tilespmem:s15], [sflag:$0x9], $0x10, s14, s17, $0xb8;
	[tilespmem:$0x16010] =	vst v63  }
0xbb: {  	_ =	swait.ge @p1 [sflag:s24], $0x800  }
0xbc: {  	s19 =	simm.s32 @!p1 $0x5000;
	s14 =	sshra.s32 @!p1 s11, $0x2;
	[sflag:s24] =	ssyncset.done @p1 $0x0  }
0xbd: {  	s15 =	simm.s32 @!p1 $0x80;
	s18 =	sadd.s32 @!p1 $0x400, s14;
	[sflag:s24] =	ssyncadd.s32 @p1 $0xFFFFF800  }
0xbe: {  	[tilespmem:s19], [sflag:$0x1] =	stream.indirect.gather @!p1 [spmem:s5], $0x10, s18, s15, $0xb8;
	[tilespmem:$0x16010] =	vst v63  }
0xbf: {  	s18 =	simm.s32 @!p1 $0x2  }
0xc0: {  	_ =	swait.ge @!p1 [sflag:s18], $0x800  }
0xc1: {  	[sflag:s18] =	ssyncset.done @!p1 $0x0  }
0xc2: {  	s19 =	simm.s32 @!p1 $0x5800;
	[sflag:s18] =	ssyncadd.s32 @!p1 $0xFFFFF800;
	s18 =	sadd.s32 @!p1 $0x2880, s14  }
0xc3: {  	[spmem:s4] =	stream.indirect.scatter.add.f32 @!p1 [tilespmem:s19], [sflag:$0x9], $0x10, s18, s15, $0xb8;
	[tilespmem:$0x16010] =	vst v63  }
0xc4: {  	s18 =	simm.s32 @!p1 $0x9  }
0xc5: {  	_ =	swait.ge @!p1 [sflag:s18], $0x800  }
0xc6: {  	[sflag:s18] =	ssyncset.done @!p1 $0x0  }
0xc7: {  	s20 =	sadd.s32 @!p1 $0x480, s14;
	[sflag:s18] =	ssyncadd.s32 @!p1 $0xFFFFF800  }
0xc8: {  	[tilespmem:s19], [sflag:$0x2] =	stream.indirect.gather @!p1 [spmem:s5], $0x10, s20, s15, $0xb8;
	[tilespmem:$0x16010] =	vst v63  }
0xc9: {  	_ =	swait.ge [sflag:s29], $0x800  }
0xca: {  	[sflag:s29] =	ssyncset.done $0x0  }
0xcb: {  	s20 =	sadd.s32 $0x2900, s13;
	[sflag:s29] =	ssyncadd.s32 $0xFFFFF800  }
0xcc: {  	[spmem:s4] =	stream.indirect.scatter.add.f32 [tilespmem:s0], [sflag:$0x9], $0x10, s20, s22, $0xb8;
	[tilespmem:$0x16010] =	vst v63  }
0xcd: {  	_ =	swait.ge [sflag:s1], $0x800  }
0xce: {  	[sflag:s1] =	ssyncset.done $0x0  }
0xcf: {  	s19 =	simm.s32 @p1 $0x4;
	[sflag:s1] =	ssyncadd.s32 $0xFFFFF800  }
0xd0: {  	_ =	swait.ge @p1 [sflag:s19], $0x800  }
0xd1: {  	[sflag:s19] =	ssyncset.done @p1 $0x0  }
0xd2: {  	s20 =	simm.s32 @p1 $0x6800;
	[sflag:s19] =	ssyncadd.s32 @p1 $0xFFFFF800;
	s19 =	sadd.s32 @p1 $0x2980, s16  }
0xd3: {  	[spmem:s4] =	stream.indirect.scatter.add.f32 @p1 [tilespmem:s20], [sflag:$0x9], $0x10, s19, s17, $0xb8;
	[tilespmem:$0x16010] =	vst v63  }
0xd4: {  	_ =	swait.ge @p1 [sflag:s24], $0x800  }
0xd5: {  	[sflag:s24] =	ssyncset.done @p1 $0x0  }
0xd6: {  	s19 =	sadd.s32 @!p1 $0x500, s14;
	s20 =	simm.s32 @!p1 $0x6000;
	[sflag:s24] =	ssyncadd.s32 @p1 $0xFFFFF800  }
0xd7: {  	[tilespmem:s20], [sflag:$0x3] =	stream.indirect.gather @!p1 [spmem:s5], $0x10, s19, s15, $0xb8;
	[tilespmem:$0x16010] =	vst v63  }
0xd8: {  	s19 =	simm.s32 @!p1 $0x4  }
0xd9: {  	_ =	swait.ge @!p1 [sflag:s19], $0x800  }
0xda: {  	[sflag:s19] =	ssyncset.done @!p1 $0x0  }
0xdb: {  	s20 =	simm.s32 @!p1 $0x6800;
	[sflag:s19] =	ssyncadd.s32 @!p1 $0xFFFFF800;
	s19 =	sadd.s32 @!p1 $0x2980, s14  }
0xdc: {  	[spmem:s4] =	stream.indirect.scatter.add.f32 @!p1 [tilespmem:s20], [sflag:$0x9], $0x10, s19, s15, $0xb8;
	[tilespmem:$0x16010] =	vst v63  }
0xdd: {  	_ =	swait.ge @!p1 [sflag:s18], $0x800  }
0xde: {  	[sflag:s18] =	ssyncset.done @!p1 $0x0  }
0xdf: {  	s19 =	sadd.s32 @!p1 $0x580, s14;
	[sflag:s18] =	ssyncadd.s32 @!p1 $0xFFFFF800  }
0xe0: {  	[tilespmem:s20], [sflag:$0x4] =	stream.indirect.gather @!p1 [spmem:s5], $0x10, s19, s15, $0xb8;
	[tilespmem:$0x16010] =	vst v63  }
0xe1: {  	_ =	swait.ge [sflag:s31], $0x800  }
0xe2: {  	[sflag:s31] =	ssyncset.done $0x0  }
0xe3: {  	s20 =	sadd.s32 $0x2A00, s13;
	[sflag:s31] =	ssyncadd.s32 $0xFFFFF800  }
0xe4: {  	[spmem:s4] =	stream.indirect.scatter.add.f32 [tilespmem:s25], [sflag:$0x9], $0x10, s20, s22, $0xb8;
	[tilespmem:$0x16010] =	vst v63  }
0xe5: {  	_ =	swait.ge [sflag:s1], $0x800  }
0xe6: {  	[sflag:s1] =	ssyncset.done $0x0  }
0xe7: {  	s19 =	simm.s32 @p1 $0x6;
	[sflag:s1] =	ssyncadd.s32 $0xFFFFF800  }
0xe8: {  	_ =	swait.ge @p1 [sflag:s19], $0x800  }
0xe9: {  	[sflag:s19] =	ssyncset.done @p1 $0x0  }
0xea: {  	s16 =	sadd.s32 @p1 $0x2A80, s16;
	[sflag:s19] =	ssyncadd.s32 @p1 $0xFFFFF800;
	s19 =	simm.s32 @p1 $0x7800  }
0xeb: {  	[spmem:s4] =	stream.indirect.scatter.add.f32 @p1 [tilespmem:s19], [sflag:$0x9], $0x10, s16, s17, $0xb8;
	[tilespmem:$0x16010] =	vst v63  }
0xec: {  	_ =	swait.ge @p1 [sflag:s24], $0x800  }
0xed: {  	[sflag:s24] =	ssyncset.done @p1 $0x0  }
0xee: {  	s16 =	sadd.s32 @!p1 $0x600, s14;
	s17 =	simm.s32 @!p1 $0x7000;
	[sflag:s24] =	ssyncadd.s32 @p1 $0xFFFFF800  }
0xef: {  	[tilespmem:s17], [sflag:$0x5] =	stream.indirect.gather @!p1 [spmem:s5], $0x10, s16, s15, $0xb8;
	[tilespmem:$0x16010] =	vst v63  }
0xf0: {  	s16 =	simm.s32 @!p1 $0x6  }
0xf1: {  	_ =	swait.ge @!p1 [sflag:s16], $0x800  }
0xf2: {  	[sflag:s16] =	ssyncset.done @!p1 $0x0  }
0xf3: {  	s17 =	simm.s32 @!p1 $0x7800;
	[sflag:s16] =	ssyncadd.s32 @!p1 $0xFFFFF800;
	s16 =	sadd.s32 @!p1 $0x2A80, s14  }
0xf4: {  	[spmem:s4] =	stream.indirect.scatter.add.f32 @!p1 [tilespmem:s17], [sflag:$0x9], $0x10, s16, s15, $0xb8;
	[tilespmem:$0x16010] =	vst v63  }
0xf5: {  	_ =	swait.ge @!p1 [sflag:s18], $0x800  }
0xf6: {  	[sflag:s18] =	ssyncset.done @!p1 $0x0  }
0xf7: {  	s14 =	sadd.s32 @!p1 $0x680, s14;
	[sflag:s18] =	ssyncadd.s32 @!p1 $0xFFFFF800  }
0xf8: {  	[tilespmem:s17], [sflag:$0x6] =	stream.indirect.gather @!p1 [spmem:s5], $0x10, s14, s15, $0xb8;
	[tilespmem:$0x16010] =	vst v63  }
0xf9: {  	_ =	swait.ge [sflag:s28], $0x800  }
0xfa: {  	[sflag:s28] =	ssyncset.done $0x0  }
.Ltmp3:
0xfb: {  	s24 =	sadd.s32 $0x2B00, s13;
	[sflag:s28] =	ssyncadd.s32 $0xFFFFF800;
	(pc) =	sbr.rel @p1 .LBB2_6-.Ltmp3, $4  }
0xfc: {  	[spmem:s4] =	stream.indirect.scatter.add.f32 [tilespmem:s7], [sflag:$0x9], $0x10, s24, s22, $0xb8;
	[tilespmem:$0x16010] =	vst v63  }
0xfd: {  	_ =	swait.ge [sflag:s1], $0x800  }
0xfe: {  	[sflag:s1] =	ssyncset.done $0x0  }
0xff: {  	s14 =	sadd.s32 $0x2B80, s13;
	[sflag:s1] =	ssyncadd.s32 $0xFFFFF800  }
0x100: {  	s15 =	sadd.s32 $0x700, s13  }
0x101: {  	[tilespmem:s7], [sflag:$0x7] =	stream.indirect.gather [spmem:s5], $0x10, s15, s22, $0xb8;
	[tilespmem:$0x16010] =	vst v63  }
0x102: {  	_ =	swait.ge [sflag:s9], $0x800  }
0x103: {  	[sflag:s9] =	ssyncset.done $0x0  }
0x104: {  	[sflag:s9] =	ssyncadd.s32 $0xFFFFF800  }
0x105: {  	[spmem:s4] =	stream.indirect.scatter.add.f32 [tilespmem:s8], [sflag:$0x9], $0x10, s14, s22, $0xb8;
	[tilespmem:$0x16010] =	vst v63  }
.Ltmp4:
0x106: {  	_ = 	snop;
	(pc) =	sbr.rel .LBB2_4-.Ltmp4, $4  }
0x107: {  	_ =	swait.ge [sflag:s1], $0x800  }
0x108: {  	[sflag:s1] =	ssyncset.done $0x0  }
0x109: {  	s24 =	sadd.s32 $0x780, s13;
	s11 =	sadd.s32 $0x1000, s11;
	[sflag:s1] =	ssyncadd.s32 $0xFFFFF800  }
0x10a: {  	[tilespmem:s8], [sflag:$0x8] =	stream.indirect.gather [spmem:s5], $0x10, s24, s22, $0xb8;
	[tilespmem:$0x16010] =	vst v63  }
.LBB2_7:
0x10b: {  	_ =	sfence.sel $0x180000  }
0x10c: {  	[bflag:$0x0] =	sbarrier.arrive $0xFFFF  }
0x10d: {  	_ =	strace $0x9000004A  }
0x10e: {  	s0 =	stileid.u32;
	[bflag:$0x2] =	sbarrier.arrive $0xFFFF  }
0x10f: {  	p0 =	sne.s32 s0, $0x0;
	s0 =	rddreg [dreg:$0x5]  }
0x110: {  	s0 =	sadd.s32 @!p0 $0x100000, s0  }
0x111: {  	[sflag:s0] =	ssyncadd.tile.s32 @!p0 $0x1;
	_ =	shalt  }
.Lfunc_end2:
_tile_overlayer_lowered:
.L_overlay_start_2:
0x112: {  	(tag) =	ssettag $0x2  }
0x113: {  	s0 =	rddreg [dreg:$0x0];
	s2 =	stileid.u32  }
0x114: {  	s1 =	rddreg [dreg:$0x1];
	p0 =	sne.s32 s2, $0x0  }
0x115: {  	s3 =	rddreg [dreg:$0x2];
	[bflag:$0x3] =	sbarrier.arrive $0xFFFF;
	s2 =	simm.s32 @!p0 $0x1C09  }
0x116: {  	[timem:s3], [sflag:s2] =	dma.local @!p0 [hbm:s0], s1  }
0x117: {  	s0 =	simm.s32 @!p0 $0x9  }
0x118: {  	_ =	swait.ge @!p0 [sflag:s0], s1  }
0x119: {  	s1 =	ssub.s32 @!p0 $0x0, s1;
	[sflag:s0] =	ssyncset.done @!p0 $0x0  }
0x11a: {  	[sflag:s0] =	ssyncadd.s32 @!p0 s1  }
0x11b: {  	[bflag:$0x3] =	sbarrier.arrive $0xFFFF  }
0x11c: {  	_ =	shalt  }

</sc_bundles>
